<compile_context>
chip_gen: v7x
topology: tpu7x:2x2x1
jax: 0.10.2.dev20260603
libtpu: 0.0.44.dev20260713+nightly
codegen_flags: <defaults>
</compile_context>

<pallas_src>
import functools

import jax
import jax.numpy as jnp
from jax import lax
from jax.experimental import pallas as pl
from jax.experimental.pallas import tpu as pltpu
from jax.experimental.pallas import tpu_sc as plsc

N_NODES = 10000
NP = 10240
D = 128
E = 320000
NCORES = 2
NSUB = 16
NH = NP // 2
AROWS = NH + 128
TROWS = AROWS // NSUB
DROWS = NH + 128
CW = 40
NCHT = 8192
E_PAD = NCHT * CW
NCH = NCHT // NSUB
BCH = 32
NBLK = NCH // BCH
NBUF = 4
PD = 3


def _make_sc_agg(with_deg):
    mesh = plsc.VectorSubcoreMesh(core_axis_name="c", subcore_axis_name="s")
    if with_deg:
        out_type = [jax.ShapeDtypeStruct((NCORES, AROWS, D), jnp.float32),
                    jax.ShapeDtypeStruct((NCORES, NSUB, DROWS), jnp.float32)]
    else:
        out_type = jax.ShapeDtypeStruct((NCORES, AROWS, D), jnp.float32)
    scratch = (
        [pltpu.VMEM((2, BCH, CW), jnp.int32),
         pltpu.VMEM((2, BCH, CW), jnp.int32)]
        + [pltpu.VMEM((CW, D), jnp.float32) for _ in range(NBUF)]
        + [pltpu.VMEM_SHARED((AROWS, D), jnp.float32)]
        + [pltpu.SemaphoreType.DMA for _ in range(2 * NBUF + 2)]
    )
    if with_deg:
        scratch.append(pltpu.VMEM((DROWS,), jnp.float32))

    @functools.partial(pl.kernel, mesh=mesh, out_type=out_type,
                       scratch_types=scratch,
                       compiler_params=pltpu.CompilerParams(
                           needs_layout_passes=False))
    def sc_agg(feat_hbm, src_hbm, dst_hbm, half_out, *rest):
        if with_deg:
            deg_out = rest[0]
            rest = rest[1:]
        srcv, dstv = rest[0], rest[1]
        rows = rest[2:2 + NBUF]
        acc = rest[2 + NBUF]
        gsem = rest[3 + NBUF:3 + 2 * NBUF]
        ssem = rest[3 + 2 * NBUF:3 + 3 * NBUF]
        semi0, semi1 = rest[3 + 3 * NBUF], rest[4 + 3 * NBUF]
        if with_deg:
            degv = rest[5 + 3 * NBUF]
        rows0 = rows[0]
        cid = lax.axis_index("c")
        sid = lax.axis_index("s")

        zero16 = jnp.zeros((16,), jnp.float32)

        def zrow(i, carry):
            for j in range(D // 16):
                rows0[i, pl.ds(j * 16, 16)] = zero16
            return carry

        lax.fori_loop(0, CW, zrow, 0)
        base = sid * TROWS
        for blk in range(TROWS // CW):
            pltpu.sync_copy(rows0, acc.at[pl.ds(base + blk * CW, CW)])
        rem = TROWS % CW
        if rem:
            pltpu.sync_copy(rows0.at[pl.ds(0, rem)],
                            acc.at[pl.ds(base + (TROWS // CW) * CW, rem)])

        if with_deg:
            def zdeg(i, carry):
                degv[pl.ds(i * 16, 16)] = zero16
                return carry

            lax.fori_loop(0, DROWS // 16, zdeg, 0)

        cbase = sid * NCH

        def load_idx(k, half, sem):
            pltpu.async_copy(src_hbm.at[pl.ds(cbase + k * BCH, BCH)],
                             srcv.at[half], sem)
            pltpu.async_copy(dst_hbm.at[cid, pl.ds(cbase + k * BCH, BCH)],
                             dstv.at[half], sem)

        def wait_idx(half, sem):
            pltpu.make_async_copy(src_hbm.at[pl.ds(0, BCH)],
                                  srcv.at[half], sem).wait()
            pltpu.make_async_copy(dst_hbm.at[cid, pl.ds(0, BCH)],
                                  dstv.at[half], sem).wait()

        load_idx(0, 0, semi0)
        load_idx(1, 1, semi1)
        wait_idx(0, semi0)
        plsc.subcore_barrier()

        one16 = jnp.ones((16,), jnp.float32)
        mtail = lax.iota(jnp.int32, 16) >= (16 - CW % 16 if CW % 16 else 0)

        def hist(half, row):
            if with_deg:
                for j in range(CW // 16):
                    plsc.addupdate_scatter(
                        degv, [dstv[half, row, pl.ds(j * 16, 16)]], one16)
                if CW % 16:
                    plsc.addupdate_scatter(
                        degv, [dstv[half, row, pl.ds(CW - 16, 16)]],
                        one16, mask=mtail)

        for c in range(PD):
            pltpu.async_copy(feat_hbm.at[srcv.at[0, c]], rows[c], gsem[c])

        def step(c, b):
            half = (c // BCH) % 2
            row = c % BCH
            pltpu.make_async_copy(feat_hbm.at[srcv.at[half, row]],
                                  rows[b], gsem[b]).wait()
            pltpu.async_copy(rows[b], acc.at[dstv.at[half, row]],
                             ssem[b], add=True)
            hist(half, row)

            bn = (b + PD) % NBUF
            cn = c + PD

            @pl.when(cn < NCH)
            def _():
                @pl.when(cn >= NBUF)
                def _():
                    pltpu.make_async_copy(
                        rows[bn], acc.at[dstv.at[0, 0]], ssem[bn]).wait()

                pltpu.async_copy(
                    feat_hbm.at[srcv.at[(cn // BCH) % 2, cn % BCH]],
                    rows[bn], gsem[bn])

        def body(i, carry):
            c0 = NBUF * i
            row0 = c0 % BCH
            blk = c0 // BCH

            @pl.when((row0 == BCH - NBUF) & (blk < NBLK - 1))
            def _():
                lax.cond((blk + 1) % 2 == 0,
                         lambda: wait_idx(0, semi0),
                         lambda: wait_idx(1, semi1))

            for b in range(NBUF):
                step(c0 + b, b)

            @pl.when((row0 == BCH - NBUF) & (blk < NBLK - 2))
            def _():
                lax.cond(blk % 2 == 0,
                         lambda: load_idx(blk + 2, 0, semi0),
                         lambda: load_idx(blk + 2, 1, semi1))

            return carry

        lax.fori_loop(0, NCH // NBUF, body, 0)

        for b in range(NBUF):
            pltpu.make_async_copy(rows[b], acc.at[dstv.at[0, 0]],
                                  ssem[b]).wait()
        plsc.subcore_barrier()

        pltpu.sync_copy(acc.at[pl.ds(base, TROWS)],
                        half_out.at[cid, pl.ds(base, TROWS)])
        if with_deg:
            pltpu.sync_copy(degv, deg_out.at[cid, sid])

    return sc_agg


_sc_agg_deg = _make_sc_agg(True)
_sc_agg = _make_sc_agg(False)


def _deg_block(i, d0, d1):
    deg16 = jnp.where(i < NH // 1024, d0[...], d1[...])
    deg = jnp.sum(deg16, axis=0)
    return jnp.maximum(deg, 1.0)[:, None]


def _mid_body(a, d0, d1, x, w1l, b1, w1r, w2l, w2r, b2, t_ref, r_ref):
    i = pl.program_id(0)
    agg = a[...] / _deg_block(i, d0, d1)
    h = agg @ w1l[...] + b1[...] + x[...] @ w1r[...]
    h = jnp.maximum(h, 0.0)
    t_ref[...] = h @ w2l[...]
    r_ref[...] = h @ w2r[...] + b2[...]


def _mid(a, d0, d1, x, w1l, b1, w1r, w2l, w2r, b2):
    BR = 1024
    grid = NP // BR
    nh_blk = NH // BR
    return pl.pallas_call(
        _mid_body,
        grid=(grid,),
        in_specs=[
            pl.BlockSpec((BR, D), lambda i: (i, 0)),
            pl.BlockSpec((NSUB, BR), lambda i: (0, jnp.minimum(i, nh_blk - 1))),
            pl.BlockSpec((NSUB, BR),
                         lambda i: (0, jnp.maximum(i - nh_blk, 0))),
            pl.BlockSpec((BR, D), lambda i: (i, 0)),
            pl.BlockSpec((D, 256), lambda i: (0, 0)),
            pl.BlockSpec((1, 256), lambda i: (0, 0)),
            pl.BlockSpec((D, 256), lambda i: (0, 0)),
            pl.BlockSpec((256, D), lambda i: (0, 0)),
            pl.BlockSpec((256, D), lambda i: (0, 0)),
            pl.BlockSpec((1, D), lambda i: (0, 0)),
        ],
        out_specs=[
            pl.BlockSpec((BR, D), lambda i: (i, 0)),
            pl.BlockSpec((BR, D), lambda i: (i, 0)),
        ],
        out_shape=[
            jax.ShapeDtypeStruct((NP, D), jnp.float32),
            jax.ShapeDtypeStruct((NP, D), jnp.float32),
        ],
    )(a, d0, d1, x, w1l, b1, w1r, w2l, w2r, b2)


def _fin_body(q, d0, d1, r, out_ref):
    i = pl.program_id(0)
    out_ref[...] = q[...] / _deg_block(i, d0, d1) + r[...]


def _fin(q, d0, d1, r):
    BR = 1024
    grid = NP // BR
    nh_blk = NH // BR
    return pl.pallas_call(
        _fin_body,
        grid=(grid,),
        in_specs=[
            pl.BlockSpec((BR, D), lambda i: (i, 0)),
            pl.BlockSpec((NSUB, BR), lambda i: (0, jnp.minimum(i, nh_blk - 1))),
            pl.BlockSpec((NSUB, BR),
                         lambda i: (0, jnp.maximum(i - nh_blk, 0))),
            pl.BlockSpec((BR, D), lambda i: (i, 0)),
        ],
        out_specs=pl.BlockSpec((BR, D), lambda i: (i, 0)),
        out_shape=jax.ShapeDtypeStruct((N_NODES, D), jnp.float32),
    )(q, d0, d1, r)


def _assemble(halves):
    return jnp.concatenate([halves[0, :NH], halves[1, :NP - NH]], axis=0)


def kernel(x, edge_index, W1_l, b1, W1_r, W2_l, b2, W2_r):
    src = edge_index[0].astype(jnp.int32)
    dst = edge_index[1].astype(jnp.int32)
    pad = E_PAD - E
    pad_src = jnp.arange(pad, dtype=jnp.int32) % N_NODES
    src_p = jnp.concatenate([src, pad_src])
    dst_p = jnp.concatenate([dst, jnp.full((pad,), NP, jnp.int32)])
    disc = NH + (jnp.arange(E_PAD, dtype=jnp.int32) % 128)
    d0 = jnp.where(dst_p < NH, dst_p, disc)
    d1 = jnp.where((dst_p >= NH) & (dst_p < NP), dst_p - NH, disc)
    dst_both = jnp.stack([d0, d1]).reshape(NCORES, NCHT, CW)
    src_p = src_p.reshape(NCHT, CW)

    x_pad = jnp.concatenate(
        [x, jnp.zeros((NP - N_NODES, D), jnp.float32)], axis=0)

    halves1, degp = _sc_agg_deg(x_pad, src_p, dst_both)
    agg1 = _assemble(halves1)
    dg0 = degp[0, :, :NH]
    dg1 = degp[1, :, :NH]
    t, r = _mid(agg1, dg0, dg1, x_pad,
                W1_l, b1.reshape(1, -1), W1_r, W2_l, W2_r, b2.reshape(1, -1))
    halves2 = _sc_agg(t, src_p, dst_both)
    agg2 = _assemble(halves2)
    out = _fin(agg2, dg0, dg1, r)
    return out

# --- scband reference (transcript-rebuilt; emitter-appended) ---
"""Pipeline reference for scband-ffnmodule-35433480192926 (READ-ONLY COPY).

The authoritative reference and input builder live on the scoring server;
editing this copy changes nothing except your own understanding.
"""

import jax, jax.numpy as jnp
import numpy as np

N_NODES = 10000
N_EDGES = 320000
IN_DIM = 128
HID_DIM = 256


def setup_inputs(seed: int = 0) -> dict:
    key = jax.random.key(seed)
    k = jax.random.split(key, 8)
    x = jax.random.normal(k[0], (N_NODES, IN_DIM), dtype=jnp.float32)
    edge_index = jax.random.randint(k[1], (2, N_EDGES), 0, N_NODES, dtype=jnp.int64)
    # SAGEConv 1: in_dim -> hidden_dim (lin_l with bias on aggregated, lin_r no bias on root)
    W1_l = jax.random.normal(k[2], (IN_DIM, HID_DIM), dtype=jnp.float32) * 0.05
    b1 = jnp.zeros((HID_DIM,), dtype=jnp.float32)
    W1_r = jax.random.normal(k[3], (IN_DIM, HID_DIM), dtype=jnp.float32) * 0.05
    # SAGEConv 2: hidden_dim -> in_dim
    W2_l = jax.random.normal(k[4], (HID_DIM, IN_DIM), dtype=jnp.float32) * 0.05
    b2 = jnp.zeros((IN_DIM,), dtype=jnp.float32)
    W2_r = jax.random.normal(k[5], (HID_DIM, IN_DIM), dtype=jnp.float32) * 0.05
    return {"x": x, "edge_index": edge_index,
            "W1_l": W1_l, "b1": b1, "W1_r": W1_r,
            "W2_l": W2_l, "b2": b2, "W2_r": W2_r}


def _sage_conv(x, edge_index, W_l, b_l, W_r):
    # PyG SAGEConv with mean aggregation:
    # out = lin_l(mean_{j in N(i)} x_j) + lin_r(x_i)
    src = edge_index[0]
    dst = edge_index[1]
    msgs = jnp.take(x, src, axis=0)                     # gather [E, d]
    agg = jax.ops.segment_sum(msgs, dst, num_segments=N_NODES)  # scatter-add
    deg = jax.ops.segment_sum(jnp.ones((msgs.shape[0],), dtype=x.dtype), dst,
                              num_segments=N_NODES)
    agg = agg / jnp.clip(deg, 1.0, None)[:, None]       # mean
    return agg @ W_l + b_l + x @ W_r


def reference(x, edge_index, W1_l, b1, W1_r, W2_l, b2, W2_r):
    h = _sage_conv(x, edge_index, W1_l, b1, W1_r)
    h = jax.nn.relu(h)
    out = _sage_conv(h, edge_index, W2_l, b2, W2_r)
    return out

if __name__ == "__main__":
    import jax
    _d = setup_inputs()
    print(jax.jit(kernel)(*tuple(_d.values())))

</pallas_src>

<mosaic_0001>
#map = affine_map<(d0, d1) -> (0, 0)>
#map1 = affine_map<(d0, d1) -> (0, 0, 0)>
module attributes {stable_mosaic.version = 14 : i64} {
  func.func @sc_agg(%arg0: i32, %arg1: i32, %arg2: memref<10240x128xf32, #tpu.memory_space<hbm>>, %arg3: memref<8192x40xi32, #tpu.memory_space<hbm>>, %arg4: memref<2x8192x40xi32, #tpu.memory_space<hbm>>, %arg5: memref<2x5248x128xf32, #tpu.memory_space<hbm>>, %arg6: memref<2x16x5248xf32, #tpu.memory_space<hbm>>, %arg7: memref<2x32x40xi32, #tpu.memory_space<vmem>>, %arg8: memref<2x32x40xi32, #tpu.memory_space<vmem>>, %arg9: memref<40x128xf32, #tpu.memory_space<vmem>>, %arg10: memref<40x128xf32, #tpu.memory_space<vmem>>, %arg11: memref<40x128xf32, #tpu.memory_space<vmem>>, %arg12: memref<40x128xf32, #tpu.memory_space<vmem>>, %arg13: memref<5248x128xf32, #tpu.memory_space<vmem_shared>>, %arg14: memref<!tpu.dma_semaphore, #tpu.memory_space<semaphore_mem>>, %arg15: memref<!tpu.dma_semaphore, #tpu.memory_space<semaphore_mem>>, %arg16: memref<!tpu.dma_semaphore, #tpu.memory_space<semaphore_mem>>, %arg17: memref<!tpu.dma_semaphore, #tpu.memory_space<semaphore_mem>>, %arg18: memref<!tpu.dma_semaphore, #tpu.memory_space<semaphore_mem>>, %arg19: memref<!tpu.dma_semaphore, #tpu.memory_space<semaphore_mem>>, %arg20: memref<!tpu.dma_semaphore, #tpu.memory_space<semaphore_mem>>, %arg21: memref<!tpu.dma_semaphore, #tpu.memory_space<semaphore_mem>>, %arg22: memref<!tpu.dma_semaphore, #tpu.memory_space<semaphore_mem>>, %arg23: memref<!tpu.dma_semaphore, #tpu.memory_space<semaphore_mem>>, %arg24: memref<5248xf32, #tpu.memory_space<vmem>>) attributes {dimension_semantics = [#tpu.dimension_semantics<core_parallel>, #tpu.dimension_semantics<subcore_parallel>], iteration_bounds = array<i64: 2, 16>, scalar_prefetch = 0 : i64, scratch_operands = 18 : i64, tpu.core_type = #tpu.core_type<sc_vector_subcore>, window_params = [{transform_indices = #map}, {transform_indices = #map}, {transform_indices = #map1}, {transform_indices = #map1}, {transform_indices = #map1}]} {
    %broadcast_in_dim3A = arith.constant 0.000000e+00 : f32
    %broadcast_in_dim3A_0 = vector.broadcast %broadcast_in_dim3A : f32 to vector<16xf32>
    %scan3A = arith.constant 0 : i32
    %scan3A_1 = arith.constant 0 : i32
    %scan3A_2 = arith.constant 40 : i32
    %scan3A_3 = arith.addi %scan3A_1, %scan3A_2 : i32
    %scan3A_4 = arith.constant 1 : i32
    scf.for %scan3A_193 = %scan3A_1 to %scan3A_3 step %scan3A_4  : i32 {
      %swap3A = arith.index_cast %scan3A_193 : i32 to index
      %swap3A_194 = arith.constant 0 : index
      %swap3A_195 = tpu.vector_load %arg9[%swap3A, %swap3A_194] {strides = array<i32>} : memref<40x128xf32, #tpu.memory_space<vmem>>, vector<16xf32>,
      tpu.vector_store %arg9[%swap3A, %swap3A_194], %broadcast_in_dim3A_0 {strides = array<i32>} : memref<40x128xf32, #tpu.memory_space<vmem>>, vector<16xf32>,
      %swap3A_196 = arith.index_cast %scan3A_193 : i32 to index
      %swap3A_197 = arith.constant 16 : index
      %swap3A_198 = tpu.vector_load %arg9[%swap3A_196, %swap3A_197] {strides = array<i32>} : memref<40x128xf32, #tpu.memory_space<vmem>>, vector<16xf32>,
      tpu.vector_store %arg9[%swap3A_196, %swap3A_197], %broadcast_in_dim3A_0 {strides = array<i32>} : memref<40x128xf32, #tpu.memory_space<vmem>>, vector<16xf32>,
      %swap3A_199 = arith.index_cast %scan3A_193 : i32 to index
      %swap3A_200 = arith.constant 32 : index
      %swap3A_201 = tpu.vector_load %arg9[%swap3A_199, %swap3A_200] {strides = array<i32>} : memref<40x128xf32, #tpu.memory_space<vmem>>, vector<16xf32>,
      tpu.vector_store %arg9[%swap3A_199, %swap3A_200], %broadcast_in_dim3A_0 {strides = array<i32>} : memref<40x128xf32, #tpu.memory_space<vmem>>, vector<16xf32>,
      %swap3A_202 = arith.index_cast %scan3A_193 : i32 to index
      %swap3A_203 = arith.constant 48 : index
      %swap3A_204 = tpu.vector_load %arg9[%swap3A_202, %swap3A_203] {strides = array<i32>} : memref<40x128xf32, #tpu.memory_space<vmem>>, vector<16xf32>,
      tpu.vector_store %arg9[%swap3A_202, %swap3A_203], %broadcast_in_dim3A_0 {strides = array<i32>} : memref<40x128xf32, #tpu.memory_space<vmem>>, vector<16xf32>,
      %swap3A_205 = arith.index_cast %scan3A_193 : i32 to index
      %swap3A_206 = arith.constant 64 : index
      %swap3A_207 = tpu.vector_load %arg9[%swap3A_205, %swap3A_206] {strides = array<i32>} : memref<40x128xf32, #tpu.memory_space<vmem>>, vector<16xf32>,
      tpu.vector_store %arg9[%swap3A_205, %swap3A_206], %broadcast_in_dim3A_0 {strides = array<i32>} : memref<40x128xf32, #tpu.memory_space<vmem>>, vector<16xf32>,
      %swap3A_208 = arith.index_cast %scan3A_193 : i32 to index
      %swap3A_209 = arith.constant 80 : index
      %swap3A_210 = tpu.vector_load %arg9[%swap3A_208, %swap3A_209] {strides = array<i32>} : memref<40x128xf32, #tpu.memory_space<vmem>>, vector<16xf32>,
      tpu.vector_store %arg9[%swap3A_208, %swap3A_209], %broadcast_in_dim3A_0 {strides = array<i32>} : memref<40x128xf32, #tpu.memory_space<vmem>>, vector<16xf32>,
      %swap3A_211 = arith.index_cast %scan3A_193 : i32 to index
      %swap3A_212 = arith.constant 96 : index
      %swap3A_213 = tpu.vector_load %arg9[%swap3A_211, %swap3A_212] {strides = array<i32>} : memref<40x128xf32, #tpu.memory_space<vmem>>, vector<16xf32>,
      tpu.vector_store %arg9[%swap3A_211, %swap3A_212], %broadcast_in_dim3A_0 {strides = array<i32>} : memref<40x128xf32, #tpu.memory_space<vmem>>, vector<16xf32>,
      %swap3A_214 = arith.index_cast %scan3A_193 : i32 to index
      %swap3A_215 = arith.constant 112 : index
      %swap3A_216 = tpu.vector_load %arg9[%swap3A_214, %swap3A_215] {strides = array<i32>} : memref<40x128xf32, #tpu.memory_space<vmem>>, vector<16xf32>,
      tpu.vector_store %arg9[%swap3A_214, %swap3A_215], %broadcast_in_dim3A_0 {strides = array<i32>} : memref<40x128xf32, #tpu.memory_space<vmem>>, vector<16xf32>,
    }
    %scan3A_5 = arith.constant 40 : i32
    %mul3A = arith.constant 328 : i32
    %mul3A_6 = arith.muli %arg1, %mul3A : i32
    %add3A = arith.constant 0 : i32
    %add3A_7 = arith.addi %mul3A_6, %add3A : i32
    "tpu.region"() ({
      %run_scoped3A = tpu.sem_alloc : memref<!tpu.dma_semaphore, #tpu.memory_space<semaphore_mem>>
      %dma_start3A_193 = arith.constant 0 : i32
      %dma_start3A_194 = tpu.memref_slice %arg13[%add3A_7, %dma_start3A_193] : memref<5248x128xf32, #tpu.memory_space<vmem_shared>> -> memref<40x128xf32, #tpu.memory_space<vmem_shared>>
      %dma_start3A_195 = arith.constant 0 : i32
      %dma_start3A_196 = tpu.memref_slice %arg13[%add3A_7, %dma_start3A_195] : memref<5248x128xf32, #tpu.memory_space<vmem_shared>> -> memref<40x128xf32, #tpu.memory_space<vmem_shared>>
      tpu.enqueue_dma source(%arg9 : memref<40x128xf32, #tpu.memory_space<vmem>>) target(%dma_start3A_196 : memref<40x128xf32, #tpu.memory_space<vmem_shared>>) target_semaphore(%run_scoped3A : memref<!tpu.dma_semaphore, #tpu.memory_space<semaphore_mem>>)
      %dma_wait3A_197 = arith.constant 0 : i32
      %dma_wait3A_198 = tpu.memref_slice %arg13[%add3A_7, %dma_wait3A_197] : memref<5248x128xf32, #tpu.memory_space<vmem_shared>> -> memref<40x128xf32, #tpu.memory_space<vmem_shared>>
      %dma_wait3A_199 = arith.constant 0 : i32
      %dma_wait3A_200 = tpu.memref_slice %arg13[%add3A_7, %dma_wait3A_199] : memref<5248x128xf32, #tpu.memory_space<vmem_shared>> -> memref<40x128xf32, #tpu.memory_space<vmem_shared>>
      tpu.wait_dma2 semaphore(%run_scoped3A : memref<!tpu.dma_semaphore, #tpu.memory_space<semaphore_mem>>) src(%arg9 : memref<40x128xf32, #tpu.memory_space<vmem>>) dst(%dma_wait3A_200 : memref<40x128xf32, #tpu.memory_space<vmem_shared>>)
      tpu.yield
    }) : () -> ()
    %add3A_8 = arith.constant 40 : i32
    %add3A_9 = arith.addi %mul3A_6, %add3A_8 : i32
    "tpu.region"() ({
      %run_scoped3A = tpu.sem_alloc : memref<!tpu.dma_semaphore, #tpu.memory_space<semaphore_mem>>
      %dma_start3A_193 = arith.constant 0 : i32
      %dma_start3A_194 = tpu.memref_slice %arg13[%add3A_9, %dma_start3A_193] : memref<5248x128xf32, #tpu.memory_space<vmem_shared>> -> memref<40x128xf32, #tpu.memory_space<vmem_shared>>
      %dma_start3A_195 = arith.constant 0 : i32
      %dma_start3A_196 = tpu.memref_slice %arg13[%add3A_9, %dma_start3A_195] : memref<5248x128xf32, #tpu.memory_space<vmem_shared>> -> memref<40x128xf32, #tpu.memory_space<vmem_shared>>
      tpu.enqueue_dma source(%arg9 : memref<40x128xf32, #tpu.memory_space<vmem>>) target(%dma_start3A_196 : memref<40x128xf32, #tpu.memory_space<vmem_shared>>) target_semaphore(%run_scoped3A : memref<!tpu.dma_semaphore, #tpu.memory_space<semaphore_mem>>)
      %dma_wait3A_197 = arith.constant 0 : i32
      %dma_wait3A_198 = tpu.memref_slice %arg13[%add3A_9, %dma_wait3A_197] : memref<5248x128xf32, #tpu.memory_space<vmem_shared>> -> memref<40x128xf32, #tpu.memory_space<vmem_shared>>
      %dma_wait3A_199 = arith.constant 0 : i32
      %dma_wait3A_200 = tpu.memref_slice %arg13[%add3A_9, %dma_wait3A_199] : memref<5248x128xf32, #tpu.memory_space<vmem_shared>> -> memref<40x128xf32, #tpu.memory_space<vmem_shared>>
      tpu.wait_dma2 semaphore(%run_scoped3A : memref<!tpu.dma_semaphore, #tpu.memory_space<semaphore_mem>>) src(%arg9 : memref<40x128xf32, #tpu.memory_space<vmem>>) dst(%dma_wait3A_200 : memref<40x128xf32, #tpu.memory_space<vmem_shared>>)
      tpu.yield
    }) : () -> ()
    %add3A_10 = arith.constant 80 : i32
    %add3A_11 = arith.addi %mul3A_6, %add3A_10 : i32
    "tpu.region"() ({
      %run_scoped3A = tpu.sem_alloc : memref<!tpu.dma_semaphore, #tpu.memory_space<semaphore_mem>>
      %dma_start3A_193 = arith.constant 0 : i32
      %dma_start3A_194 = tpu.memref_slice %arg13[%add3A_11, %dma_start3A_193] : memref<5248x128xf32, #tpu.memory_space<vmem_shared>> -> memref<40x128xf32, #tpu.memory_space<vmem_shared>>
      %dma_start3A_195 = arith.constant 0 : i32
      %dma_start3A_196 = tpu.memref_slice %arg13[%add3A_11, %dma_start3A_195] : memref<5248x128xf32, #tpu.memory_space<vmem_shared>> -> memref<40x128xf32, #tpu.memory_space<vmem_shared>>
      tpu.enqueue_dma source(%arg9 : memref<40x128xf32, #tpu.memory_space<vmem>>) target(%dma_start3A_196 : memref<40x128xf32, #tpu.memory_space<vmem_shared>>) target_semaphore(%run_scoped3A : memref<!tpu.dma_semaphore, #tpu.memory_space<semaphore_mem>>)
      %dma_wait3A_197 = arith.constant 0 : i32
      %dma_wait3A_198 = tpu.memref_slice %arg13[%add3A_11, %dma_wait3A_197] : memref<5248x128xf32, #tpu.memory_space<vmem_shared>> -> memref<40x128xf32, #tpu.memory_space<vmem_shared>>
      %dma_wait3A_199 = arith.constant 0 : i32
      %dma_wait3A_200 = tpu.memref_slice %arg13[%add3A_11, %dma_wait3A_199] : memref<5248x128xf32, #tpu.memory_space<vmem_shared>> -> memref<40x128xf32, #tpu.memory_space<vmem_shared>>
      tpu.wait_dma2 semaphore(%run_scoped3A : memref<!tpu.dma_semaphore, #tpu.memory_space<semaphore_mem>>) src(%arg9 : memref<40x128xf32, #tpu.memory_space<vmem>>) dst(%dma_wait3A_200 : memref<40x128xf32, #tpu.memory_space<vmem_shared>>)
      tpu.yield
    }) : () -> ()
    %add3A_12 = arith.constant 120 : i32
    %add3A_13 = arith.addi %mul3A_6, %add3A_12 : i32
    "tpu.region"() ({
      %run_scoped3A = tpu.sem_alloc : memref<!tpu.dma_semaphore, #tpu.memory_space<semaphore_mem>>
      %dma_start3A_193 = arith.constant 0 : i32
      %dma_start3A_194 = tpu.memref_slice %arg13[%add3A_13, %dma_start3A_193] : memref<5248x128xf32, #tpu.memory_space<vmem_shared>> -> memref<40x128xf32, #tpu.memory_space<vmem_shared>>
      %dma_start3A_195 = arith.constant 0 : i32
      %dma_start3A_196 = tpu.memref_slice %arg13[%add3A_13, %dma_start3A_195] : memref<5248x128xf32, #tpu.memory_space<vmem_shared>> -> memref<40x128xf32, #tpu.memory_space<vmem_shared>>
      tpu.enqueue_dma source(%arg9 : memref<40x128xf32, #tpu.memory_space<vmem>>) target(%dma_start3A_196 : memref<40x128xf32, #tpu.memory_space<vmem_shared>>) target_semaphore(%run_scoped3A : memref<!tpu.dma_semaphore, #tpu.memory_space<semaphore_mem>>)
      %dma_wait3A_197 = arith.constant 0 : i32
      %dma_wait3A_198 = tpu.memref_slice %arg13[%add3A_13, %dma_wait3A_197] : memref<5248x128xf32, #tpu.memory_space<vmem_shared>> -> memref<40x128xf32, #tpu.memory_space<vmem_shared>>
      %dma_wait3A_199 = arith.constant 0 : i32
      %dma_wait3A_200 = tpu.memref_slice %arg13[%add3A_13, %dma_wait3A_199] : memref<5248x128xf32, #tpu.memory_space<vmem_shared>> -> memref<40x128xf32, #tpu.memory_space<vmem_shared>>
      tpu.wait_dma2 semaphore(%run_scoped3A : memref<!tpu.dma_semaphore, #tpu.memory_space<semaphore_mem>>) src(%arg9 : memref<40x128xf32, #tpu.memory_space<vmem>>) dst(%dma_wait3A_200 : memref<40x128xf32, #tpu.memory_space<vmem_shared>>)
      tpu.yield
    }) : () -> ()
    %add3A_14 = arith.constant 160 : i32
    %add3A_15 = arith.addi %mul3A_6, %add3A_14 : i32
    "tpu.region"() ({
      %run_scoped3A = tpu.sem_alloc : memref<!tpu.dma_semaphore, #tpu.memory_space<semaphore_mem>>
      %dma_start3A_193 = arith.constant 0 : i32
      %dma_start3A_194 = tpu.memref_slice %arg13[%add3A_15, %dma_start3A_193] : memref<5248x128xf32, #tpu.memory_space<vmem_shared>> -> memref<40x128xf32, #tpu.memory_space<vmem_shared>>
      %dma_start3A_195 = arith.constant 0 : i32
      %dma_start3A_196 = tpu.memref_slice %arg13[%add3A_15, %dma_start3A_195] : memref<5248x128xf32, #tpu.memory_space<vmem_shared>> -> memref<40x128xf32, #tpu.memory_space<vmem_shared>>
      tpu.enqueue_dma source(%arg9 : memref<40x128xf32, #tpu.memory_space<vmem>>) target(%dma_start3A_196 : memref<40x128xf32, #tpu.memory_space<vmem_shared>>) target_semaphore(%run_scoped3A : memref<!tpu.dma_semaphore, #tpu.memory_space<semaphore_mem>>)
      %dma_wait3A_197 = arith.constant 0 : i32
      %dma_wait3A_198 = tpu.memref_slice %arg13[%add3A_15, %dma_wait3A_197] : memref<5248x128xf32, #tpu.memory_space<vmem_shared>> -> memref<40x128xf32, #tpu.memory_space<vmem_shared>>
      %dma_wait3A_199 = arith.constant 0 : i32
      %dma_wait3A_200 = tpu.memref_slice %arg13[%add3A_15, %dma_wait3A_199] : memref<5248x128xf32, #tpu.memory_space<vmem_shared>> -> memref<40x128xf32, #tpu.memory_space<vmem_shared>>
      tpu.wait_dma2 semaphore(%run_scoped3A : memref<!tpu.dma_semaphore, #tpu.memory_space<semaphore_mem>>) src(%arg9 : memref<40x128xf32, #tpu.memory_space<vmem>>) dst(%dma_wait3A_200 : memref<40x128xf32, #tpu.memory_space<vmem_shared>>)
      tpu.yield
    }) : () -> ()
    %add3A_16 = arith.constant 200 : i32
    %add3A_17 = arith.addi %mul3A_6, %add3A_16 : i32
    "tpu.region"() ({
      %run_scoped3A = tpu.sem_alloc : memref<!tpu.dma_semaphore, #tpu.memory_space<semaphore_mem>>
      %dma_start3A_193 = arith.constant 0 : i32
      %dma_start3A_194 = tpu.memref_slice %arg13[%add3A_17, %dma_start3A_193] : memref<5248x128xf32, #tpu.memory_space<vmem_shared>> -> memref<40x128xf32, #tpu.memory_space<vmem_shared>>
      %dma_start3A_195 = arith.constant 0 : i32
      %dma_start3A_196 = tpu.memref_slice %arg13[%add3A_17, %dma_start3A_195] : memref<5248x128xf32, #tpu.memory_space<vmem_shared>> -> memref<40x128xf32, #tpu.memory_space<vmem_shared>>
      tpu.enqueue_dma source(%arg9 : memref<40x128xf32, #tpu.memory_space<vmem>>) target(%dma_start3A_196 : memref<40x128xf32, #tpu.memory_space<vmem_shared>>) target_semaphore(%run_scoped3A : memref<!tpu.dma_semaphore, #tpu.memory_space<semaphore_mem>>)
      %dma_wait3A_197 = arith.constant 0 : i32
      %dma_wait3A_198 = tpu.memref_slice %arg13[%add3A_17, %dma_wait3A_197] : memref<5248x128xf32, #tpu.memory_space<vmem_shared>> -> memref<40x128xf32, #tpu.memory_space<vmem_shared>>
      %dma_wait3A_199 = arith.constant 0 : i32
      %dma_wait3A_200 = tpu.memref_slice %arg13[%add3A_17, %dma_wait3A_199] : memref<5248x128xf32, #tpu.memory_space<vmem_shared>> -> memref<40x128xf32, #tpu.memory_space<vmem_shared>>
      tpu.wait_dma2 semaphore(%run_scoped3A : memref<!tpu.dma_semaphore, #tpu.memory_space<semaphore_mem>>) src(%arg9 : memref<40x128xf32, #tpu.memory_space<vmem>>) dst(%dma_wait3A_200 : memref<40x128xf32, #tpu.memory_space<vmem_shared>>)
      tpu.yield
    }) : () -> ()
    %add3A_18 = arith.constant 240 : i32
    %add3A_19 = arith.addi %mul3A_6, %add3A_18 : i32
    "tpu.region"() ({
      %run_scoped3A = tpu.sem_alloc : memref<!tpu.dma_semaphore, #tpu.memory_space<semaphore_mem>>
      %dma_start3A_193 = arith.constant 0 : i32
      %dma_start3A_194 = tpu.memref_slice %arg13[%add3A_19, %dma_start3A_193] : memref<5248x128xf32, #tpu.memory_space<vmem_shared>> -> memref<40x128xf32, #tpu.memory_space<vmem_shared>>
      %dma_start3A_195 = arith.constant 0 : i32
      %dma_start3A_196 = tpu.memref_slice %arg13[%add3A_19, %dma_start3A_195] : memref<5248x128xf32, #tpu.memory_space<vmem_shared>> -> memref<40x128xf32, #tpu.memory_space<vmem_shared>>
      tpu.enqueue_dma source(%arg9 : memref<40x128xf32, #tpu.memory_space<vmem>>) target(%dma_start3A_196 : memref<40x128xf32, #tpu.memory_space<vmem_shared>>) target_semaphore(%run_scoped3A : memref<!tpu.dma_semaphore, #tpu.memory_space<semaphore_mem>>)
      %dma_wait3A_197 = arith.constant 0 : i32
      %dma_wait3A_198 = tpu.memref_slice %arg13[%add3A_19, %dma_wait3A_197] : memref<5248x128xf32, #tpu.memory_space<vmem_shared>> -> memref<40x128xf32, #tpu.memory_space<vmem_shared>>
      %dma_wait3A_199 = arith.constant 0 : i32
      %dma_wait3A_200 = tpu.memref_slice %arg13[%add3A_19, %dma_wait3A_199] : memref<5248x128xf32, #tpu.memory_space<vmem_shared>> -> memref<40x128xf32, #tpu.memory_space<vmem_shared>>
      tpu.wait_dma2 semaphore(%run_scoped3A : memref<!tpu.dma_semaphore, #tpu.memory_space<semaphore_mem>>) src(%arg9 : memref<40x128xf32, #tpu.memory_space<vmem>>) dst(%dma_wait3A_200 : memref<40x128xf32, #tpu.memory_space<vmem_shared>>)
      tpu.yield
    }) : () -> ()
    %add3A_20 = arith.constant 280 : i32
    %add3A_21 = arith.addi %mul3A_6, %add3A_20 : i32
    "tpu.region"() ({
      %run_scoped3A = tpu.sem_alloc : memref<!tpu.dma_semaphore, #tpu.memory_space<semaphore_mem>>
      %dma_start3A_193 = arith.constant 0 : i32
      %dma_start3A_194 = tpu.memref_slice %arg13[%add3A_21, %dma_start3A_193] : memref<5248x128xf32, #tpu.memory_space<vmem_shared>> -> memref<40x128xf32, #tpu.memory_space<vmem_shared>>
      %dma_start3A_195 = arith.constant 0 : i32
      %dma_start3A_196 = tpu.memref_slice %arg13[%add3A_21, %dma_start3A_195] : memref<5248x128xf32, #tpu.memory_space<vmem_shared>> -> memref<40x128xf32, #tpu.memory_space<vmem_shared>>
      tpu.enqueue_dma source(%arg9 : memref<40x128xf32, #tpu.memory_space<vmem>>) target(%dma_start3A_196 : memref<40x128xf32, #tpu.memory_space<vmem_shared>>) target_semaphore(%run_scoped3A : memref<!tpu.dma_semaphore, #tpu.memory_space<semaphore_mem>>)
      %dma_wait3A_197 = arith.constant 0 : i32
      %dma_wait3A_198 = tpu.memref_slice %arg13[%add3A_21, %dma_wait3A_197] : memref<5248x128xf32, #tpu.memory_space<vmem_shared>> -> memref<40x128xf32, #tpu.memory_space<vmem_shared>>
      %dma_wait3A_199 = arith.constant 0 : i32
      %dma_wait3A_200 = tpu.memref_slice %arg13[%add3A_21, %dma_wait3A_199] : memref<5248x128xf32, #tpu.memory_space<vmem_shared>> -> memref<40x128xf32, #tpu.memory_space<vmem_shared>>
      tpu.wait_dma2 semaphore(%run_scoped3A : memref<!tpu.dma_semaphore, #tpu.memory_space<semaphore_mem>>) src(%arg9 : memref<40x128xf32, #tpu.memory_space<vmem>>) dst(%dma_wait3A_200 : memref<40x128xf32, #tpu.memory_space<vmem_shared>>)
      tpu.yield
    }) : () -> ()
    %add3A_22 = arith.constant 320 : i32
    %add3A_23 = arith.addi %mul3A_6, %add3A_22 : i32
    "tpu.region"() ({
      %run_scoped3A = tpu.sem_alloc : memref<!tpu.dma_semaphore, #tpu.memory_space<semaphore_mem>>
      %dma_start3A_193 = arith.constant 0 : i32
      %dma_start3A_194 = arith.constant 0 : i32
      %dma_start3A_195 = tpu.memref_slice %arg9[%dma_start3A_193, %dma_start3A_194] : memref<40x128xf32, #tpu.memory_space<vmem>> -> memref<8x128xf32, #tpu.memory_space<vmem>>
      %dma_start3A_196 = arith.constant 0 : i32
      %dma_start3A_197 = tpu.memref_slice %arg13[%add3A_23, %dma_start3A_196] : memref<5248x128xf32, #tpu.memory_space<vmem_shared>> -> memref<8x128xf32, #tpu.memory_space<vmem_shared>>
      %dma_start3A_198 = arith.constant 0 : i32
      %dma_start3A_199 = tpu.memref_slice %arg13[%add3A_23, %dma_start3A_198] : memref<5248x128xf32, #tpu.memory_space<vmem_shared>> -> memref<8x128xf32, #tpu.memory_space<vmem_shared>>
      %dma_start3A_200 = arith.constant 0 : i32
      %dma_start3A_201 = arith.constant 0 : i32
      %dma_start3A_202 = tpu.memref_slice %arg9[%dma_start3A_200, %dma_start3A_201] : memref<40x128xf32, #tpu.memory_space<vmem>> -> memref<8x128xf32, #tpu.memory_space<vmem>>
      tpu.enqueue_dma source(%dma_start3A_202 : memref<8x128xf32, #tpu.memory_space<vmem>>) target(%dma_start3A_199 : memref<8x128xf32, #tpu.memory_space<vmem_shared>>) target_semaphore(%run_scoped3A : memref<!tpu.dma_semaphore, #tpu.memory_space<semaphore_mem>>)
      %dma_wait3A_203 = arith.constant 0 : i32
      %dma_wait3A_204 = arith.constant 0 : i32
      %dma_wait3A_205 = tpu.memref_slice %arg9[%dma_wait3A_203, %dma_wait3A_204] : memref<40x128xf32, #tpu.memory_space<vmem>> -> memref<8x128xf32, #tpu.memory_space<vmem>>
      %dma_wait3A_206 = arith.constant 0 : i32
      %dma_wait3A_207 = tpu.memref_slice %arg13[%add3A_23, %dma_wait3A_206] : memref<5248x128xf32, #tpu.memory_space<vmem_shared>> -> memref<8x128xf32, #tpu.memory_space<vmem_shared>>
      %dma_wait3A_208 = arith.constant 0 : i32
      %dma_wait3A_209 = tpu.memref_slice %arg13[%add3A_23, %dma_wait3A_208] : memref<5248x128xf32, #tpu.memory_space<vmem_shared>> -> memref<8x128xf32, #tpu.memory_space<vmem_shared>>
      %dma_wait3A_210 = arith.constant 0 : i32
      %dma_wait3A_211 = arith.constant 0 : i32
      %dma_wait3A_212 = tpu.memref_slice %arg9[%dma_wait3A_210, %dma_wait3A_211] : memref<40x128xf32, #tpu.memory_space<vmem>> -> memref<8x128xf32, #tpu.memory_space<vmem>>
      tpu.wait_dma2 semaphore(%run_scoped3A : memref<!tpu.dma_semaphore, #tpu.memory_space<semaphore_mem>>) src(%dma_wait3A_212 : memref<8x128xf32, #tpu.memory_space<vmem>>) dst(%dma_wait3A_209 : memref<8x128xf32, #tpu.memory_space<vmem_shared>>)
      tpu.yield
    }) : () -> ()
    %scan3A_24 = arith.constant 0 : i32
    %scan3A_25 = arith.constant 0 : i32
    %scan3A_26 = arith.constant 328 : i32
    %scan3A_27 = arith.addi %scan3A_25, %scan3A_26 : i32
    %scan3A_28 = arith.constant 1 : i32
    scf.for %scan3A_193 = %scan3A_25 to %scan3A_27 step %scan3A_28  : i32 {
      %mul3A_194 = arith.constant 16 : i32
      %mul3A_195 = arith.muli %scan3A_193, %mul3A_194 : i32
      %swap3A = arith.index_cast %mul3A_195 : i32 to index
      %swap3A_196 = tpu.vector_load %arg24[%swap3A] {strides = array<i32>} : memref<5248xf32, #tpu.memory_space<vmem>>, vector<16xf32>,
      tpu.vector_store %arg24[%swap3A], %broadcast_in_dim3A_0 {strides = array<i32>} : memref<5248xf32, #tpu.memory_space<vmem>>, vector<16xf32>,
    }
    %scan3A_29 = arith.constant 328 : i32
    %mul3A_30 = arith.constant 512 : i32
    %mul3A_31 = arith.muli %arg1, %mul3A_30 : i32
    %add3A_32 = arith.constant 0 : i32
    %add3A_33 = arith.addi %mul3A_31, %add3A_32 : i32
    %dma_start3A = arith.constant 0 : i32
    %dma_start3A_34 = arith.constant 0 : i32
    %dma_start3A_35 = arith.constant 0 : i32
    %dma_start3A_36 = tpu.memref_slice %arg7[%dma_start3A, %dma_start3A_34, %dma_start3A_35] : memref<2x32x40xi32, #tpu.memory_space<vmem>> -> memref<1x32x40xi32, #tpu.memory_space<vmem>>
    %dma_start3A_37 = tpu.memref_squeeze %dma_start3A_36 : memref<1x32x40xi32, #tpu.memory_space<vmem>> -> memref<32x40xi32, #tpu.memory_space<vmem>>
    %dma_start3A_38 = arith.constant 0 : i32
    %dma_start3A_39 = tpu.memref_slice %arg3[%add3A_33, %dma_start3A_38] : memref<8192x40xi32, #tpu.memory_space<hbm>> -> memref<32x40xi32, #tpu.memory_space<hbm>>
    %dma_start3A_40 = arith.constant 0 : i32
    %dma_start3A_41 = arith.constant 0 : i32
    %dma_start3A_42 = tpu.memref_slice %arg7[%dma_start3A, %dma_start3A_40, %dma_start3A_41] : memref<2x32x40xi32, #tpu.memory_space<vmem>> -> memref<1x32x40xi32, #tpu.memory_space<vmem>>
    %dma_start3A_43 = tpu.memref_squeeze %dma_start3A_42 : memref<1x32x40xi32, #tpu.memory_space<vmem>> -> memref<32x40xi32, #tpu.memory_space<vmem>>
    %dma_start3A_44 = arith.constant 0 : i32
    %dma_start3A_45 = tpu.memref_slice %arg3[%add3A_33, %dma_start3A_44] : memref<8192x40xi32, #tpu.memory_space<hbm>> -> memref<32x40xi32, #tpu.memory_space<hbm>>
    tpu.enqueue_dma source(%dma_start3A_45 : memref<32x40xi32, #tpu.memory_space<hbm>>) target(%dma_start3A_43 : memref<32x40xi32, #tpu.memory_space<vmem>>) target_semaphore(%arg22 : memref<!tpu.dma_semaphore, #tpu.memory_space<semaphore_mem>>)
    %add3A_46 = arith.constant 0 : i32
    %add3A_47 = arith.addi %mul3A_31, %add3A_46 : i32
    %dma_start3A_48 = arith.constant 0 : i32
    %dma_start3A_49 = arith.constant 0 : i32
    %dma_start3A_50 = arith.constant 0 : i32
    %dma_start3A_51 = tpu.memref_slice %arg8[%dma_start3A_48, %dma_start3A_49, %dma_start3A_50] : memref<2x32x40xi32, #tpu.memory_space<vmem>> -> memref<1x32x40xi32, #tpu.memory_space<vmem>>
    %dma_start3A_52 = tpu.memref_squeeze %dma_start3A_51 : memref<1x32x40xi32, #tpu.memory_space<vmem>> -> memref<32x40xi32, #tpu.memory_space<vmem>>
    %dma_start3A_53 = arith.constant 0 : i32
    %dma_start3A_54 = tpu.memref_slice %arg4[%arg0, %add3A_47, %dma_start3A_53] : memref<2x8192x40xi32, #tpu.memory_space<hbm>> -> memref<1x32x40xi32, #tpu.memory_space<hbm>>
    %dma_start3A_55 = tpu.memref_squeeze %dma_start3A_54 : memref<1x32x40xi32, #tpu.memory_space<hbm>> -> memref<32x40xi32, #tpu.memory_space<hbm>>
    %dma_start3A_56 = arith.constant 0 : i32
    %dma_start3A_57 = arith.constant 0 : i32
    %dma_start3A_58 = tpu.memref_slice %arg8[%dma_start3A_48, %dma_start3A_56, %dma_start3A_57] : memref<2x32x40xi32, #tpu.memory_space<vmem>> -> memref<1x32x40xi32, #tpu.memory_space<vmem>>
    %dma_start3A_59 = tpu.memref_squeeze %dma_start3A_58 : memref<1x32x40xi32, #tpu.memory_space<vmem>> -> memref<32x40xi32, #tpu.memory_space<vmem>>
    %dma_start3A_60 = arith.constant 0 : i32
    %dma_start3A_61 = tpu.memref_slice %arg4[%arg0, %add3A_47, %dma_start3A_60] : memref<2x8192x40xi32, #tpu.memory_space<hbm>> -> memref<1x32x40xi32, #tpu.memory_space<hbm>>
    %dma_start3A_62 = tpu.memref_squeeze %dma_start3A_61 : memref<1x32x40xi32, #tpu.memory_space<hbm>> -> memref<32x40xi32, #tpu.memory_space<hbm>>
    tpu.enqueue_dma source(%dma_start3A_62 : memref<32x40xi32, #tpu.memory_space<hbm>>) target(%dma_start3A_59 : memref<32x40xi32, #tpu.memory_space<vmem>>) target_semaphore(%arg22 : memref<!tpu.dma_semaphore, #tpu.memory_space<semaphore_mem>>)
    %add3A_63 = arith.constant 32 : i32
    %add3A_64 = arith.addi %mul3A_31, %add3A_63 : i32
    %dma_start3A_65 = arith.constant 1 : i32
    %dma_start3A_66 = arith.constant 0 : i32
    %dma_start3A_67 = arith.constant 0 : i32
    %dma_start3A_68 = tpu.memref_slice %arg7[%dma_start3A_65, %dma_start3A_66, %dma_start3A_67] : memref<2x32x40xi32, #tpu.memory_space<vmem>> -> memref<1x32x40xi32, #tpu.memory_space<vmem>>
    %dma_start3A_69 = tpu.memref_squeeze %dma_start3A_68 : memref<1x32x40xi32, #tpu.memory_space<vmem>> -> memref<32x40xi32, #tpu.memory_space<vmem>>
    %dma_start3A_70 = arith.constant 0 : i32
    %dma_start3A_71 = tpu.memref_slice %arg3[%add3A_64, %dma_start3A_70] : memref<8192x40xi32, #tpu.memory_space<hbm>> -> memref<32x40xi32, #tpu.memory_space<hbm>>
    %dma_start3A_72 = arith.constant 0 : i32
    %dma_start3A_73 = arith.constant 0 : i32
    %dma_start3A_74 = tpu.memref_slice %arg7[%dma_start3A_65, %dma_start3A_72, %dma_start3A_73] : memref<2x32x40xi32, #tpu.memory_space<vmem>> -> memref<1x32x40xi32, #tpu.memory_space<vmem>>
    %dma_start3A_75 = tpu.memref_squeeze %dma_start3A_74 : memref<1x32x40xi32, #tpu.memory_space<vmem>> -> memref<32x40xi32, #tpu.memory_space<vmem>>
    %dma_start3A_76 = arith.constant 0 : i32
    %dma_start3A_77 = tpu.memref_slice %arg3[%add3A_64, %dma_start3A_76] : memref<8192x40xi32, #tpu.memory_space<hbm>> -> memref<32x40xi32, #tpu.memory_space<hbm>>
    tpu.enqueue_dma source(%dma_start3A_77 : memref<32x40xi32, #tpu.memory_space<hbm>>) target(%dma_start3A_75 : memref<32x40xi32, #tpu.memory_space<vmem>>) target_semaphore(%arg23 : memref<!tpu.dma_semaphore, #tpu.memory_space<semaphore_mem>>)
    %add3A_78 = arith.constant 32 : i32
    %add3A_79 = arith.addi %mul3A_31, %add3A_78 : i32
    %dma_start3A_80 = arith.constant 1 : i32
    %dma_start3A_81 = arith.constant 0 : i32
    %dma_start3A_82 = arith.constant 0 : i32
    %dma_start3A_83 = tpu.memref_slice %arg8[%dma_start3A_80, %dma_start3A_81, %dma_start3A_82] : memref<2x32x40xi32, #tpu.memory_space<vmem>> -> memref<1x32x40xi32, #tpu.memory_space<vmem>>
    %dma_start3A_84 = tpu.memref_squeeze %dma_start3A_83 : memref<1x32x40xi32, #tpu.memory_space<vmem>> -> memref<32x40xi32, #tpu.memory_space<vmem>>
    %dma_start3A_85 = arith.constant 0 : i32
    %dma_start3A_86 = tpu.memref_slice %arg4[%arg0, %add3A_79, %dma_start3A_85] : memref<2x8192x40xi32, #tpu.memory_space<hbm>> -> memref<1x32x40xi32, #tpu.memory_space<hbm>>
    %dma_start3A_87 = tpu.memref_squeeze %dma_start3A_86 : memref<1x32x40xi32, #tpu.memory_space<hbm>> -> memref<32x40xi32, #tpu.memory_space<hbm>>
    %dma_start3A_88 = arith.constant 0 : i32
    %dma_start3A_89 = arith.constant 0 : i32
    %dma_start3A_90 = tpu.memref_slice %arg8[%dma_start3A_80, %dma_start3A_88, %dma_start3A_89] : memref<2x32x40xi32, #tpu.memory_space<vmem>> -> memref<1x32x40xi32, #tpu.memory_space<vmem>>
    %dma_start3A_91 = tpu.memref_squeeze %dma_start3A_90 : memref<1x32x40xi32, #tpu.memory_space<vmem>> -> memref<32x40xi32, #tpu.memory_space<vmem>>
    %dma_start3A_92 = arith.constant 0 : i32
    %dma_start3A_93 = tpu.memref_slice %arg4[%arg0, %add3A_79, %dma_start3A_92] : memref<2x8192x40xi32, #tpu.memory_space<hbm>> -> memref<1x32x40xi32, #tpu.memory_space<hbm>>
    %dma_start3A_94 = tpu.memref_squeeze %dma_start3A_93 : memref<1x32x40xi32, #tpu.memory_space<hbm>> -> memref<32x40xi32, #tpu.memory_space<hbm>>
    tpu.enqueue_dma source(%dma_start3A_94 : memref<32x40xi32, #tpu.memory_space<hbm>>) target(%dma_start3A_91 : memref<32x40xi32, #tpu.memory_space<vmem>>) target_semaphore(%arg23 : memref<!tpu.dma_semaphore, #tpu.memory_space<semaphore_mem>>)
    %dma_wait3A = arith.constant 0 : i32
    %dma_wait3A_95 = arith.constant 0 : i32
    %dma_wait3A_96 = arith.constant 0 : i32
    %dma_wait3A_97 = tpu.memref_slice %arg7[%dma_wait3A, %dma_wait3A_95, %dma_wait3A_96] : memref<2x32x40xi32, #tpu.memory_space<vmem>> -> memref<1x32x40xi32, #tpu.memory_space<vmem>>
    %dma_wait3A_98 = tpu.memref_squeeze %dma_wait3A_97 : memref<1x32x40xi32, #tpu.memory_space<vmem>> -> memref<32x40xi32, #tpu.memory_space<vmem>>
    %dma_wait3A_99 = arith.constant 0 : i32
    %dma_wait3A_100 = arith.constant 0 : i32
    %dma_wait3A_101 = tpu.memref_slice %arg3[%dma_wait3A_99, %dma_wait3A_100] : memref<8192x40xi32, #tpu.memory_space<hbm>> -> memref<32x40xi32, #tpu.memory_space<hbm>>
    %dma_wait3A_102 = arith.constant 0 : i32
    %dma_wait3A_103 = arith.constant 0 : i32
    %dma_wait3A_104 = tpu.memref_slice %arg7[%dma_wait3A, %dma_wait3A_102, %dma_wait3A_103] : memref<2x32x40xi32, #tpu.memory_space<vmem>> -> memref<1x32x40xi32, #tpu.memory_space<vmem>>
    %dma_wait3A_105 = tpu.memref_squeeze %dma_wait3A_104 : memref<1x32x40xi32, #tpu.memory_space<vmem>> -> memref<32x40xi32, #tpu.memory_space<vmem>>
    %dma_wait3A_106 = arith.constant 0 : i32
    %dma_wait3A_107 = arith.constant 0 : i32
    %dma_wait3A_108 = tpu.memref_slice %arg3[%dma_wait3A_106, %dma_wait3A_107] : memref<8192x40xi32, #tpu.memory_space<hbm>> -> memref<32x40xi32, #tpu.memory_space<hbm>>
    tpu.wait_dma2 semaphore(%arg22 : memref<!tpu.dma_semaphore, #tpu.memory_space<semaphore_mem>>) src(%dma_wait3A_108 : memref<32x40xi32, #tpu.memory_space<hbm>>) dst(%dma_wait3A_105 : memref<32x40xi32, #tpu.memory_space<vmem>>)
    %dma_wait3A_109 = arith.constant 0 : i32
    %dma_wait3A_110 = arith.constant 0 : i32
    %dma_wait3A_111 = arith.constant 0 : i32
    %dma_wait3A_112 = tpu.memref_slice %arg8[%dma_wait3A_109, %dma_wait3A_110, %dma_wait3A_111] : memref<2x32x40xi32, #tpu.memory_space<vmem>> -> memref<1x32x40xi32, #tpu.memory_space<vmem>>
    %dma_wait3A_113 = tpu.memref_squeeze %dma_wait3A_112 : memref<1x32x40xi32, #tpu.memory_space<vmem>> -> memref<32x40xi32, #tpu.memory_space<vmem>>
    %dma_wait3A_114 = arith.constant 0 : i32
    %dma_wait3A_115 = arith.constant 0 : i32
    %dma_wait3A_116 = tpu.memref_slice %arg4[%arg0, %dma_wait3A_114, %dma_wait3A_115] : memref<2x8192x40xi32, #tpu.memory_space<hbm>> -> memref<1x32x40xi32, #tpu.memory_space<hbm>>
    %dma_wait3A_117 = tpu.memref_squeeze %dma_wait3A_116 : memref<1x32x40xi32, #tpu.memory_space<hbm>> -> memref<32x40xi32, #tpu.memory_space<hbm>>
    %dma_wait3A_118 = arith.constant 0 : i32
    %dma_wait3A_119 = arith.constant 0 : i32
    %dma_wait3A_120 = tpu.memref_slice %arg8[%dma_wait3A_109, %dma_wait3A_118, %dma_wait3A_119] : memref<2x32x40xi32, #tpu.memory_space<vmem>> -> memref<1x32x40xi32, #tpu.memory_space<vmem>>
    %dma_wait3A_121 = tpu.memref_squeeze %dma_wait3A_120 : memref<1x32x40xi32, #tpu.memory_space<vmem>> -> memref<32x40xi32, #tpu.memory_space<vmem>>
    %dma_wait3A_122 = arith.constant 0 : i32
    %dma_wait3A_123 = arith.constant 0 : i32
    %dma_wait3A_124 = tpu.memref_slice %arg4[%arg0, %dma_wait3A_122, %dma_wait3A_123] : memref<2x8192x40xi32, #tpu.memory_space<hbm>> -> memref<1x32x40xi32, #tpu.memory_space<hbm>>
    %dma_wait3A_125 = tpu.memref_squeeze %dma_wait3A_124 : memref<1x32x40xi32, #tpu.memory_space<hbm>> -> memref<32x40xi32, #tpu.memory_space<hbm>>
    tpu.wait_dma2 semaphore(%arg22 : memref<!tpu.dma_semaphore, #tpu.memory_space<semaphore_mem>>) src(%dma_wait3A_125 : memref<32x40xi32, #tpu.memory_space<hbm>>) dst(%dma_wait3A_121 : memref<32x40xi32, #tpu.memory_space<vmem>>)
    %barrier3A = arith.constant 0 : index
    tpu.barrier barrier_id(%barrier3A)
    %broadcast_in_dim3A_126 = arith.constant 1.000000e+00 : f32
    %broadcast_in_dim3A_127 = vector.broadcast %broadcast_in_dim3A_126 : f32 to vector<16xf32>
    %iota3A = tpu.iota {dimensions = array<i32: 0>} : vector<16xi32>
    %ge3A = arith.constant 8 : i32
    %ge3A_128 = vector.broadcast %ge3A : i32 to vector<16xi32>
    %ge3A_129 = arith.cmpi sge, %iota3A, %ge3A_128 : vector<16xi32>
    %dma_start3A_130 = arith.constant 0 : i32
    %dma_start3A_131 = arith.constant 0 : i32
    %dma_start3A_132 = arith.constant 0 : i32
    %dma_start3A_133 = tpu.memref_slice %arg7[%dma_start3A_130, %dma_start3A_131, %dma_start3A_132] : memref<2x32x40xi32, #tpu.memory_space<vmem>> -> memref<1x1x40xi32, #tpu.memory_space<vmem>>
    %dma_start3A_134 = tpu.memref_squeeze %dma_start3A_133 : memref<1x1x40xi32, #tpu.memory_space<vmem>> -> memref<40xi32, #tpu.memory_space<vmem>>
    %dma_start3A_135 = arith.constant 0 : i32
    %dma_start3A_136 = arith.constant 0 : i32
    %dma_start3A_137 = tpu.memref_slice %arg2[%dma_start3A_135, %dma_start3A_136] : memref<10240x128xf32, #tpu.memory_space<hbm>> -> memref<10240x128xf32, #tpu.memory_space<hbm>>
    tpu.enqueue_indirect_dma source(%dma_start3A_137 : memref<10240x128xf32, #tpu.memory_space<hbm>>) target(%arg9 : memref<40x128xf32, #tpu.memory_space<vmem>>) offsets(%dma_start3A_134 : memref<40xi32, #tpu.memory_space<vmem>>) semaphore(%arg14 : memref<!tpu.dma_semaphore, #tpu.memory_space<semaphore_mem>>)
    %dma_start3A_138 = arith.constant 0 : i32
    %dma_start3A_139 = arith.constant 1 : i32
    %dma_start3A_140 = arith.constant 0 : i32
    %dma_start3A_141 = tpu.memref_slice %arg7[%dma_start3A_138, %dma_start3A_139, %dma_start3A_140] : memref<2x32x40xi32, #tpu.memory_space<vmem>> -> memref<1x1x40xi32, #tpu.memory_space<vmem>>
    %dma_start3A_142 = tpu.memref_squeeze %dma_start3A_141 : memref<1x1x40xi32, #tpu.memory_space<vmem>> -> memref<40xi32, #tpu.memory_space<vmem>>
    %dma_start3A_143 = arith.constant 0 : i32
    %dma_start3A_144 = arith.constant 0 : i32
    %dma_start3A_145 = tpu.memref_slice %arg2[%dma_start3A_143, %dma_start3A_144] : memref<10240x128xf32, #tpu.memory_space<hbm>> -> memref<10240x128xf32, #tpu.memory_space<hbm>>
    tpu.enqueue_indirect_dma source(%dma_start3A_145 : memref<10240x128xf32, #tpu.memory_space<hbm>>) target(%arg10 : memref<40x128xf32, #tpu.memory_space<vmem>>) offsets(%dma_start3A_142 : memref<40xi32, #tpu.memory_space<vmem>>) semaphore(%arg15 : memref<!tpu.dma_semaphore, #tpu.memory_space<semaphore_mem>>)
    %dma_start3A_146 = arith.constant 0 : i32
    %dma_start3A_147 = arith.constant 2 : i32
    %dma_start3A_148 = arith.constant 0 : i32
    %dma_start3A_149 = tpu.memref_slice %arg7[%dma_start3A_146, %dma_start3A_147, %dma_start3A_148] : memref<2x32x40xi32, #tpu.memory_space<vmem>> -> memref<1x1x40xi32, #tpu.memory_space<vmem>>
    %dma_start3A_150 = tpu.memref_squeeze %dma_start3A_149 : memref<1x1x40xi32, #tpu.memory_space<vmem>> -> memref<40xi32, #tpu.memory_space<vmem>>
    %dma_start3A_151 = arith.constant 0 : i32
    %dma_start3A_152 = arith.constant 0 : i32
    %dma_start3A_153 = tpu.memref_slice %arg2[%dma_start3A_151, %dma_start3A_152] : memref<10240x128xf32, #tpu.memory_space<hbm>> -> memref<10240x128xf32, #tpu.memory_space<hbm>>
    tpu.enqueue_indirect_dma source(%dma_start3A_153 : memref<10240x128xf32, #tpu.memory_space<hbm>>) target(%arg11 : memref<40x128xf32, #tpu.memory_space<vmem>>) offsets(%dma_start3A_150 : memref<40xi32, #tpu.memory_space<vmem>>) semaphore(%arg16 : memref<!tpu.dma_semaphore, #tpu.memory_space<semaphore_mem>>)
    %scan3A_154 = arith.constant 0 : i32
    %scan3A_155 = arith.constant 0 : i32
    %scan3A_156 = arith.constant 128 : i32
    %scan3A_157 = arith.addi %scan3A_155, %scan3A_156 : i32
    %scan3A_158 = arith.constant 1 : i32
    scf.for %scan3A_193 = %scan3A_155 to %scan3A_157 step %scan3A_158  : i32 {
      %mul3A_194 = arith.constant 4 : i32
      %mul3A_195 = arith.muli %mul3A_194, %scan3A_193 : i32
      %jit3A = arith.constant 32 : i32
      %eq3A = arith.constant 0 : i32
      %eq3A_196 = arith.cmpi eq, %jit3A, %eq3A : i32
      %jit3A_197 = arith.constant 1 : i32
      %select_n3A = arith.select %eq3A_196, %jit3A_197, %jit3A : i32
      %rem3A = arith.remsi %mul3A_195, %select_n3A : i32
      %ne3A = arith.constant 0 : i32
      %ne3A_198 = arith.cmpi ne, %rem3A, %ne3A : i32
      %lt3A = arith.constant 0 : i32
      %lt3A_199 = arith.cmpi slt, %rem3A, %lt3A : i32
      %lt3A_200 = arith.constant 0 : i32
      %lt3A_201 = arith.cmpi slt, %select_n3A, %lt3A_200 : i32
      %ne3A_202 = arith.xori %lt3A_199, %lt3A_201 : i1
      %and3A = arith.andi %ne3A_202, %ne3A_198 : i1
      %add3A_203 = arith.addi %rem3A, %select_n3A : i32
      %select_n3A_204 = arith.select %and3A, %add3A_203, %rem3A : i32
      %jit3A_205 = arith.constant 32 : i32
      %div3A = arith.divsi %mul3A_195, %jit3A_205 : i32
      %sign3A = arith.constant 0 : i32
      %sign3A_206 = arith.cmpi sgt, %mul3A_195, %sign3A : i32
      %sign3A_207 = arith.extui %sign3A_206 : i1 to i32
      %sign3A_208 = arith.constant 0 : i32
      %sign3A_209 = arith.cmpi slt, %mul3A_195, %sign3A_208 : i32
      %sign3A_210 = arith.extui %sign3A_209 : i1 to i32
      %sign3A_211 = arith.subi %sign3A_207, %sign3A_210 : i32
      %sign3A_212 = arith.constant 0 : i32
      %sign3A_213 = arith.cmpi sgt, %jit3A_205, %sign3A_212 : i32
      %sign3A_214 = arith.extui %sign3A_213 : i1 to i32
      %sign3A_215 = arith.constant 0 : i32
      %sign3A_216 = arith.cmpi slt, %jit3A_205, %sign3A_215 : i32
      %sign3A_217 = arith.extui %sign3A_216 : i1 to i32
      %sign3A_218 = arith.subi %sign3A_214, %sign3A_217 : i32
      %ne3A_219 = arith.cmpi ne, %sign3A_211, %sign3A_218 : i32
      %rem3A_220 = arith.remsi %mul3A_195, %jit3A_205 : i32
      %ne3A_221 = arith.constant 0 : i32
      %ne3A_222 = arith.cmpi ne, %rem3A_220, %ne3A_221 : i32
      %and3A_223 = arith.andi %ne3A_219, %ne3A_222 : i1
      %sub3A = arith.constant 1 : i32
      %sub3A_224 = arith.subi %div3A, %sub3A : i32
      %select_n3A_225 = arith.select %and3A_223, %sub3A_224, %div3A : i32
      %eq3A_226 = arith.constant 28 : i32
      %eq3A_227 = arith.cmpi eq, %select_n3A_204, %eq3A_226 : i32
      %lt3A_228 = arith.constant 15 : i32
      %lt3A_229 = arith.cmpi slt, %select_n3A_225, %lt3A_228 : i32
      %and3A_230 = arith.andi %eq3A_227, %lt3A_229 : i1
      %convert_element_type3A = arith.extui %and3A_230 : i1 to i32
      %cond3A = arith.constant 0 : i32
      %cond3A_231 = arith.cmpi ne, %convert_element_type3A, %cond3A : i32
      scf.if %cond3A_231 {
        %add3A_595 = arith.constant 1 : i32
        %add3A_596 = arith.addi %select_n3A_225, %add3A_595 : i32
        %jit3A_597 = arith.constant 2 : i32
        %eq3A_598 = arith.constant 0 : i32
        %eq3A_599 = arith.cmpi eq, %jit3A_597, %eq3A_598 : i32
        %jit3A_600 = arith.constant 1 : i32
        %select_n3A_601 = arith.select %eq3A_599, %jit3A_600, %jit3A_597 : i32
        %rem3A_602 = arith.remsi %add3A_596, %select_n3A_601 : i32
        %ne3A_603 = arith.constant 0 : i32
        %ne3A_604 = arith.cmpi ne, %rem3A_602, %ne3A_603 : i32
        %lt3A_605 = arith.constant 0 : i32
        %lt3A_606 = arith.cmpi slt, %rem3A_602, %lt3A_605 : i32
        %lt3A_607 = arith.constant 0 : i32
        %lt3A_608 = arith.cmpi slt, %select_n3A_601, %lt3A_607 : i32
        %ne3A_609 = arith.xori %lt3A_606, %lt3A_608 : i1
        %and3A_610 = arith.andi %ne3A_609, %ne3A_604 : i1
        %add3A_611 = arith.addi %rem3A_602, %select_n3A_601 : i32
        %select_n3A_612 = arith.select %and3A_610, %add3A_611, %rem3A_602 : i32
        %eq3A_613 = arith.constant 0 : i32
        %eq3A_614 = arith.cmpi eq, %select_n3A_612, %eq3A_613 : i32
        %convert_element_type3A_615 = arith.extui %eq3A_614 : i1 to i32
        %cond3A_616 = arith.constant 0 : i32
        %cond3A_617 = arith.cmpi ne, %convert_element_type3A_615, %cond3A_616 : i32
        scf.if %cond3A_617 {
          %dma_wait3A_618 = arith.constant 0 : i32
          %dma_wait3A_619 = arith.constant 0 : i32
          %dma_wait3A_620 = arith.constant 0 : i32
          %dma_wait3A_621 = tpu.memref_slice %arg7[%dma_wait3A_618, %dma_wait3A_619, %dma_wait3A_620] : memref<2x32x40xi32, #tpu.memory_space<vmem>> -> memref<1x32x40xi32, #tpu.memory_space<vmem>>
          %dma_wait3A_622 = tpu.memref_squeeze %dma_wait3A_621 : memref<1x32x40xi32, #tpu.memory_space<vmem>> -> memref<32x40xi32, #tpu.memory_space<vmem>>
          %dma_wait3A_623 = arith.constant 0 : i32
          %dma_wait3A_624 = arith.constant 0 : i32
          %dma_wait3A_625 = tpu.memref_slice %arg3[%dma_wait3A_623, %dma_wait3A_624] : memref<8192x40xi32, #tpu.memory_space<hbm>> -> memref<32x40xi32, #tpu.memory_space<hbm>>
          %dma_wait3A_626 = arith.constant 0 : i32
          %dma_wait3A_627 = arith.constant 0 : i32
          %dma_wait3A_628 = tpu.memref_slice %arg7[%dma_wait3A_618, %dma_wait3A_626, %dma_wait3A_627] : memref<2x32x40xi32, #tpu.memory_space<vmem>> -> memref<1x32x40xi32, #tpu.memory_space<vmem>>
          %dma_wait3A_629 = tpu.memref_squeeze %dma_wait3A_628 : memref<1x32x40xi32, #tpu.memory_space<vmem>> -> memref<32x40xi32, #tpu.memory_space<vmem>>
          %dma_wait3A_630 = arith.constant 0 : i32
          %dma_wait3A_631 = arith.constant 0 : i32
          %dma_wait3A_632 = tpu.memref_slice %arg3[%dma_wait3A_630, %dma_wait3A_631] : memref<8192x40xi32, #tpu.memory_space<hbm>> -> memref<32x40xi32, #tpu.memory_space<hbm>>
          tpu.wait_dma2 semaphore(%arg22 : memref<!tpu.dma_semaphore, #tpu.memory_space<semaphore_mem>>) src(%dma_wait3A_632 : memref<32x40xi32, #tpu.memory_space<hbm>>) dst(%dma_wait3A_629 : memref<32x40xi32, #tpu.memory_space<vmem>>)
          %dma_wait3A_633 = arith.constant 0 : i32
          %dma_wait3A_634 = arith.constant 0 : i32
          %dma_wait3A_635 = arith.constant 0 : i32
          %dma_wait3A_636 = tpu.memref_slice %arg8[%dma_wait3A_633, %dma_wait3A_634, %dma_wait3A_635] : memref<2x32x40xi32, #tpu.memory_space<vmem>> -> memref<1x32x40xi32, #tpu.memory_space<vmem>>
          %dma_wait3A_637 = tpu.memref_squeeze %dma_wait3A_636 : memref<1x32x40xi32, #tpu.memory_space<vmem>> -> memref<32x40xi32, #tpu.memory_space<vmem>>
          %dma_wait3A_638 = arith.constant 0 : i32
          %dma_wait3A_639 = arith.constant 0 : i32
          %dma_wait3A_640 = tpu.memref_slice %arg4[%arg0, %dma_wait3A_638, %dma_wait3A_639] : memref<2x8192x40xi32, #tpu.memory_space<hbm>> -> memref<1x32x40xi32, #tpu.memory_space<hbm>>
          %dma_wait3A_641 = tpu.memref_squeeze %dma_wait3A_640 : memref<1x32x40xi32, #tpu.memory_space<hbm>> -> memref<32x40xi32, #tpu.memory_space<hbm>>
          %dma_wait3A_642 = arith.constant 0 : i32
          %dma_wait3A_643 = arith.constant 0 : i32
          %dma_wait3A_644 = tpu.memref_slice %arg8[%dma_wait3A_633, %dma_wait3A_642, %dma_wait3A_643] : memref<2x32x40xi32, #tpu.memory_space<vmem>> -> memref<1x32x40xi32, #tpu.memory_space<vmem>>
          %dma_wait3A_645 = tpu.memref_squeeze %dma_wait3A_644 : memref<1x32x40xi32, #tpu.memory_space<vmem>> -> memref<32x40xi32, #tpu.memory_space<vmem>>
          %dma_wait3A_646 = arith.constant 0 : i32
          %dma_wait3A_647 = arith.constant 0 : i32
          %dma_wait3A_648 = tpu.memref_slice %arg4[%arg0, %dma_wait3A_646, %dma_wait3A_647] : memref<2x8192x40xi32, #tpu.memory_space<hbm>> -> memref<1x32x40xi32, #tpu.memory_space<hbm>>
          %dma_wait3A_649 = tpu.memref_squeeze %dma_wait3A_648 : memref<1x32x40xi32, #tpu.memory_space<hbm>> -> memref<32x40xi32, #tpu.memory_space<hbm>>
          tpu.wait_dma2 semaphore(%arg22 : memref<!tpu.dma_semaphore, #tpu.memory_space<semaphore_mem>>) src(%dma_wait3A_649 : memref<32x40xi32, #tpu.memory_space<hbm>>) dst(%dma_wait3A_645 : memref<32x40xi32, #tpu.memory_space<vmem>>)
        } else {
          %dma_wait3A_618 = arith.constant 1 : i32
          %dma_wait3A_619 = arith.constant 0 : i32
          %dma_wait3A_620 = arith.constant 0 : i32
          %dma_wait3A_621 = tpu.memref_slice %arg7[%dma_wait3A_618, %dma_wait3A_619, %dma_wait3A_620] : memref<2x32x40xi32, #tpu.memory_space<vmem>> -> memref<1x32x40xi32, #tpu.memory_space<vmem>>
          %dma_wait3A_622 = tpu.memref_squeeze %dma_wait3A_621 : memref<1x32x40xi32, #tpu.memory_space<vmem>> -> memref<32x40xi32, #tpu.memory_space<vmem>>
          %dma_wait3A_623 = arith.constant 0 : i32
          %dma_wait3A_624 = arith.constant 0 : i32
          %dma_wait3A_625 = tpu.memref_slice %arg3[%dma_wait3A_623, %dma_wait3A_624] : memref<8192x40xi32, #tpu.memory_space<hbm>> -> memref<32x40xi32, #tpu.memory_space<hbm>>
          %dma_wait3A_626 = arith.constant 0 : i32
          %dma_wait3A_627 = arith.constant 0 : i32
          %dma_wait3A_628 = tpu.memref_slice %arg7[%dma_wait3A_618, %dma_wait3A_626, %dma_wait3A_627] : memref<2x32x40xi32, #tpu.memory_space<vmem>> -> memref<1x32x40xi32, #tpu.memory_space<vmem>>
          %dma_wait3A_629 = tpu.memref_squeeze %dma_wait3A_628 : memref<1x32x40xi32, #tpu.memory_space<vmem>> -> memref<32x40xi32, #tpu.memory_space<vmem>>
          %dma_wait3A_630 = arith.constant 0 : i32
          %dma_wait3A_631 = arith.constant 0 : i32
          %dma_wait3A_632 = tpu.memref_slice %arg3[%dma_wait3A_630, %dma_wait3A_631] : memref<8192x40xi32, #tpu.memory_space<hbm>> -> memref<32x40xi32, #tpu.memory_space<hbm>>
          tpu.wait_dma2 semaphore(%arg23 : memref<!tpu.dma_semaphore, #tpu.memory_space<semaphore_mem>>) src(%dma_wait3A_632 : memref<32x40xi32, #tpu.memory_space<hbm>>) dst(%dma_wait3A_629 : memref<32x40xi32, #tpu.memory_space<vmem>>)
          %dma_wait3A_633 = arith.constant 1 : i32
          %dma_wait3A_634 = arith.constant 0 : i32
          %dma_wait3A_635 = arith.constant 0 : i32
          %dma_wait3A_636 = tpu.memref_slice %arg8[%dma_wait3A_633, %dma_wait3A_634, %dma_wait3A_635] : memref<2x32x40xi32, #tpu.memory_space<vmem>> -> memref<1x32x40xi32, #tpu.memory_space<vmem>>
          %dma_wait3A_637 = tpu.memref_squeeze %dma_wait3A_636 : memref<1x32x40xi32, #tpu.memory_space<vmem>> -> memref<32x40xi32, #tpu.memory_space<vmem>>
          %dma_wait3A_638 = arith.constant 0 : i32
          %dma_wait3A_639 = arith.constant 0 : i32
          %dma_wait3A_640 = tpu.memref_slice %arg4[%arg0, %dma_wait3A_638, %dma_wait3A_639] : memref<2x8192x40xi32, #tpu.memory_space<hbm>> -> memref<1x32x40xi32, #tpu.memory_space<hbm>>
          %dma_wait3A_641 = tpu.memref_squeeze %dma_wait3A_640 : memref<1x32x40xi32, #tpu.memory_space<hbm>> -> memref<32x40xi32, #tpu.memory_space<hbm>>
          %dma_wait3A_642 = arith.constant 0 : i32
          %dma_wait3A_643 = arith.constant 0 : i32
          %dma_wait3A_644 = tpu.memref_slice %arg8[%dma_wait3A_633, %dma_wait3A_642, %dma_wait3A_643] : memref<2x32x40xi32, #tpu.memory_space<vmem>> -> memref<1x32x40xi32, #tpu.memory_space<vmem>>
          %dma_wait3A_645 = tpu.memref_squeeze %dma_wait3A_644 : memref<1x32x40xi32, #tpu.memory_space<vmem>> -> memref<32x40xi32, #tpu.memory_space<vmem>>
          %dma_wait3A_646 = arith.constant 0 : i32
          %dma_wait3A_647 = arith.constant 0 : i32
          %dma_wait3A_648 = tpu.memref_slice %arg4[%arg0, %dma_wait3A_646, %dma_wait3A_647] : memref<2x8192x40xi32, #tpu.memory_space<hbm>> -> memref<1x32x40xi32, #tpu.memory_space<hbm>>
          %dma_wait3A_649 = tpu.memref_squeeze %dma_wait3A_648 : memref<1x32x40xi32, #tpu.memory_space<hbm>> -> memref<32x40xi32, #tpu.memory_space<hbm>>
          tpu.wait_dma2 semaphore(%arg23 : memref<!tpu.dma_semaphore, #tpu.memory_space<semaphore_mem>>) src(%dma_wait3A_649 : memref<32x40xi32, #tpu.memory_space<hbm>>) dst(%dma_wait3A_645 : memref<32x40xi32, #tpu.memory_space<vmem>>)
        }
      } else {
      }
      %add3A_232 = arith.constant 0 : i32
      %add3A_233 = arith.addi %mul3A_195, %add3A_232 : i32
      %jit3A_234 = arith.constant 32 : i32
      %div3A_235 = arith.divsi %add3A_233, %jit3A_234 : i32
      %sign3A_236 = arith.constant 0 : i32
      %sign3A_237 = arith.cmpi sgt, %add3A_233, %sign3A_236 : i32
      %sign3A_238 = arith.extui %sign3A_237 : i1 to i32
      %sign3A_239 = arith.constant 0 : i32
      %sign3A_240 = arith.cmpi slt, %add3A_233, %sign3A_239 : i32
      %sign3A_241 = arith.extui %sign3A_240 : i1 to i32
      %sign3A_242 = arith.subi %sign3A_238, %sign3A_241 : i32
      %sign3A_243 = arith.constant 0 : i32
      %sign3A_244 = arith.cmpi sgt, %jit3A_234, %sign3A_243 : i32
      %sign3A_245 = arith.extui %sign3A_244 : i1 to i32
      %sign3A_246 = arith.constant 0 : i32
      %sign3A_247 = arith.cmpi slt, %jit3A_234, %sign3A_246 : i32
      %sign3A_248 = arith.extui %sign3A_247 : i1 to i32
      %sign3A_249 = arith.subi %sign3A_245, %sign3A_248 : i32
      %ne3A_250 = arith.cmpi ne, %sign3A_242, %sign3A_249 : i32
      %rem3A_251 = arith.remsi %add3A_233, %jit3A_234 : i32
      %ne3A_252 = arith.constant 0 : i32
      %ne3A_253 = arith.cmpi ne, %rem3A_251, %ne3A_252 : i32
      %and3A_254 = arith.andi %ne3A_250, %ne3A_253 : i1
      %sub3A_255 = arith.constant 1 : i32
      %sub3A_256 = arith.subi %div3A_235, %sub3A_255 : i32
      %select_n3A_257 = arith.select %and3A_254, %sub3A_256, %div3A_235 : i32
      %jit3A_258 = arith.constant 2 : i32
      %eq3A_259 = arith.constant 0 : i32
      %eq3A_260 = arith.cmpi eq, %jit3A_258, %eq3A_259 : i32
      %jit3A_261 = arith.constant 1 : i32
      %select_n3A_262 = arith.select %eq3A_260, %jit3A_261, %jit3A_258 : i32
      %rem3A_263 = arith.remsi %select_n3A_257, %select_n3A_262 : i32
      %ne3A_264 = arith.constant 0 : i32
      %ne3A_265 = arith.cmpi ne, %rem3A_263, %ne3A_264 : i32
      %lt3A_266 = arith.constant 0 : i32
      %lt3A_267 = arith.cmpi slt, %rem3A_263, %lt3A_266 : i32
      %lt3A_268 = arith.constant 0 : i32
      %lt3A_269 = arith.cmpi slt, %select_n3A_262, %lt3A_268 : i32
      %ne3A_270 = arith.xori %lt3A_267, %lt3A_269 : i1
      %and3A_271 = arith.andi %ne3A_270, %ne3A_265 : i1
      %add3A_272 = arith.addi %rem3A_263, %select_n3A_262 : i32
      %select_n3A_273 = arith.select %and3A_271, %add3A_272, %rem3A_263 : i32
      %jit3A_274 = arith.constant 32 : i32
      %eq3A_275 = arith.constant 0 : i32
      %eq3A_276 = arith.cmpi eq, %jit3A_274, %eq3A_275 : i32
      %jit3A_277 = arith.constant 1 : i32
      %select_n3A_278 = arith.select %eq3A_276, %jit3A_277, %jit3A_274 : i32
      %rem3A_279 = arith.remsi %add3A_233, %select_n3A_278 : i32
      %ne3A_280 = arith.constant 0 : i32
      %ne3A_281 = arith.cmpi ne, %rem3A_279, %ne3A_280 : i32
      %lt3A_282 = arith.constant 0 : i32
      %lt3A_283 = arith.cmpi slt, %rem3A_279, %lt3A_282 : i32
      %lt3A_284 = arith.constant 0 : i32
      %lt3A_285 = arith.cmpi slt, %select_n3A_278, %lt3A_284 : i32
      %ne3A_286 = arith.xori %lt3A_283, %lt3A_285 : i1
      %and3A_287 = arith.andi %ne3A_286, %ne3A_281 : i1
      %add3A_288 = arith.addi %rem3A_279, %select_n3A_278 : i32
      %select_n3A_289 = arith.select %and3A_287, %add3A_288, %rem3A_279 : i32
      %dma_wait3A_290 = arith.constant 0 : i32
      %dma_wait3A_291 = tpu.memref_slice %arg7[%select_n3A_273, %select_n3A_289, %dma_wait3A_290] : memref<2x32x40xi32, #tpu.memory_space<vmem>> -> memref<1x1x40xi32, #tpu.memory_space<vmem>>
      %dma_wait3A_292 = tpu.memref_squeeze %dma_wait3A_291 : memref<1x1x40xi32, #tpu.memory_space<vmem>> -> memref<40xi32, #tpu.memory_space<vmem>>
      %dma_wait3A_293 = arith.constant 0 : i32
      %dma_wait3A_294 = arith.constant 0 : i32
      %dma_wait3A_295 = tpu.memref_slice %arg2[%dma_wait3A_293, %dma_wait3A_294] : memref<10240x128xf32, #tpu.memory_space<hbm>> -> memref<10240x128xf32, #tpu.memory_space<hbm>>
      tpu.wait_indirect_dma semaphore(%arg14 : memref<!tpu.dma_semaphore, #tpu.memory_space<semaphore_mem>>) src(%dma_wait3A_295 : memref<10240x128xf32, #tpu.memory_space<hbm>>) dst(%arg9 : memref<40x128xf32, #tpu.memory_space<vmem>>)
      %dma_start3A_296 = arith.constant 0 : i32
      %dma_start3A_297 = tpu.memref_slice %arg8[%select_n3A_273, %select_n3A_289, %dma_start3A_296] : memref<2x32x40xi32, #tpu.memory_space<vmem>> -> memref<1x1x40xi32, #tpu.memory_space<vmem>>
      %dma_start3A_298 = tpu.memref_squeeze %dma_start3A_297 : memref<1x1x40xi32, #tpu.memory_space<vmem>> -> memref<40xi32, #tpu.memory_space<vmem>>
      %dma_start3A_299 = arith.constant 0 : i32
      %dma_start3A_300 = arith.constant 0 : i32
      %dma_start3A_301 = tpu.memref_slice %arg13[%dma_start3A_299, %dma_start3A_300] : memref<5248x128xf32, #tpu.memory_space<vmem_shared>> -> memref<5248x128xf32, #tpu.memory_space<vmem_shared>>
      tpu.enqueue_indirect_dma source(%arg9 : memref<40x128xf32, #tpu.memory_space<vmem>>) target(%dma_start3A_301 : memref<5248x128xf32, #tpu.memory_space<vmem_shared>>) offsets(%dma_start3A_298 : memref<40xi32, #tpu.memory_space<vmem>>) semaphore(%arg18 : memref<!tpu.dma_semaphore, #tpu.memory_space<semaphore_mem>>) {add = true}
      %get3A = arith.index_cast %select_n3A_273 : i32 to index
      %get3A_302 = arith.index_cast %select_n3A_289 : i32 to index
      %get3A_303 = arith.constant 0 : index
      %get3A_304 = tpu.vector_load %arg8[%get3A, %get3A_302, %get3A_303] {strides = array<i32>} : memref<2x32x40xi32, #tpu.memory_space<vmem>>, vector<16xi32>,
      tpu.vector_store_idx %arg24[%get3A_304], %broadcast_in_dim3A_127 {add = true} : memref<5248xf32, #tpu.memory_space<vmem>>[vector<16xi32>], vector<16xf32>,
      %get3A_305 = arith.index_cast %select_n3A_273 : i32 to index
      %get3A_306 = arith.index_cast %select_n3A_289 : i32 to index
      %get3A_307 = arith.constant 16 : index
      %get3A_308 = tpu.vector_load %arg8[%get3A_305, %get3A_306, %get3A_307] {strides = array<i32>} : memref<2x32x40xi32, #tpu.memory_space<vmem>>, vector<16xi32>,
      tpu.vector_store_idx %arg24[%get3A_308], %broadcast_in_dim3A_127 {add = true} : memref<5248xf32, #tpu.memory_space<vmem>>[vector<16xi32>], vector<16xf32>,
      %get3A_309 = arith.index_cast %select_n3A_273 : i32 to index
      %get3A_310 = arith.index_cast %select_n3A_289 : i32 to index
      %get3A_311 = arith.constant 24 : index
      %get3A_312 = tpu.vector_load %arg8[%get3A_309, %get3A_310, %get3A_311] {strides = array<i32>} : memref<2x32x40xi32, #tpu.memory_space<vmem>>, vector<16xi32>,
      tpu.vector_store_idx %arg24[%get3A_312], %broadcast_in_dim3A_127 masked %ge3A_129 {add = true} : memref<5248xf32, #tpu.memory_space<vmem>>[vector<16xi32>], vector<16xf32>, vector<16xi1>
      %add3A_313 = arith.constant 3 : i32
      %add3A_314 = arith.addi %add3A_233, %add3A_313 : i32
      %lt3A_315 = arith.constant 512 : i32
      %lt3A_316 = arith.cmpi slt, %add3A_314, %lt3A_315 : i32
      %convert_element_type3A_317 = arith.extui %lt3A_316 : i1 to i32
      %cond3A_318 = arith.constant 0 : i32
      %cond3A_319 = arith.cmpi ne, %convert_element_type3A_317, %cond3A_318 : i32
      scf.if %cond3A_319 {
        %ge3A_595 = arith.constant 4 : i32
        %ge3A_596 = arith.cmpi sge, %add3A_314, %ge3A_595 : i32
        %convert_element_type3A_597 = arith.extui %ge3A_596 : i1 to i32
        %cond3A_598 = arith.constant 0 : i32
        %cond3A_599 = arith.cmpi ne, %convert_element_type3A_597, %cond3A_598 : i32
        scf.if %cond3A_599 {
          %dma_wait3A_662 = arith.constant 0 : i32
          %dma_wait3A_663 = arith.constant 0 : i32
          %dma_wait3A_664 = arith.constant 0 : i32
          %dma_wait3A_665 = tpu.memref_slice %arg8[%dma_wait3A_662, %dma_wait3A_663, %dma_wait3A_664] : memref<2x32x40xi32, #tpu.memory_space<vmem>> -> memref<1x1x40xi32, #tpu.memory_space<vmem>>
          %dma_wait3A_666 = tpu.memref_squeeze %dma_wait3A_665 : memref<1x1x40xi32, #tpu.memory_space<vmem>> -> memref<40xi32, #tpu.memory_space<vmem>>
          %dma_wait3A_667 = arith.constant 0 : i32
          %dma_wait3A_668 = arith.constant 0 : i32
          %dma_wait3A_669 = tpu.memref_slice %arg13[%dma_wait3A_667, %dma_wait3A_668] : memref<5248x128xf32, #tpu.memory_space<vmem_shared>> -> memref<5248x128xf32, #tpu.memory_space<vmem_shared>>
          tpu.wait_indirect_dma semaphore(%arg21 : memref<!tpu.dma_semaphore, #tpu.memory_space<semaphore_mem>>) src(%arg12 : memref<40x128xf32, #tpu.memory_space<vmem>>) dst(%dma_wait3A_669 : memref<5248x128xf32, #tpu.memory_space<vmem_shared>>)
        } else {
        }
        %jit3A_600 = arith.constant 32 : i32
        %div3A_601 = arith.divsi %add3A_314, %jit3A_600 : i32
        %sign3A_602 = arith.constant 0 : i32
        %sign3A_603 = arith.cmpi sgt, %add3A_314, %sign3A_602 : i32
        %sign3A_604 = arith.extui %sign3A_603 : i1 to i32
        %sign3A_605 = arith.constant 0 : i32
        %sign3A_606 = arith.cmpi slt, %add3A_314, %sign3A_605 : i32
        %sign3A_607 = arith.extui %sign3A_606 : i1 to i32
        %sign3A_608 = arith.subi %sign3A_604, %sign3A_607 : i32
        %sign3A_609 = arith.constant 0 : i32
        %sign3A_610 = arith.cmpi sgt, %jit3A_600, %sign3A_609 : i32
        %sign3A_611 = arith.extui %sign3A_610 : i1 to i32
        %sign3A_612 = arith.constant 0 : i32
        %sign3A_613 = arith.cmpi slt, %jit3A_600, %sign3A_612 : i32
        %sign3A_614 = arith.extui %sign3A_613 : i1 to i32
        %sign3A_615 = arith.subi %sign3A_611, %sign3A_614 : i32
        %ne3A_616 = arith.cmpi ne, %sign3A_608, %sign3A_615 : i32
        %rem3A_617 = arith.remsi %add3A_314, %jit3A_600 : i32
        %ne3A_618 = arith.constant 0 : i32
        %ne3A_619 = arith.cmpi ne, %rem3A_617, %ne3A_618 : i32
        %and3A_620 = arith.andi %ne3A_616, %ne3A_619 : i1
        %sub3A_621 = arith.constant 1 : i32
        %sub3A_622 = arith.subi %div3A_601, %sub3A_621 : i32
        %select_n3A_623 = arith.select %and3A_620, %sub3A_622, %div3A_601 : i32
        %jit3A_624 = arith.constant 2 : i32
        %eq3A_625 = arith.constant 0 : i32
        %eq3A_626 = arith.cmpi eq, %jit3A_624, %eq3A_625 : i32
        %jit3A_627 = arith.constant 1 : i32
        %select_n3A_628 = arith.select %eq3A_626, %jit3A_627, %jit3A_624 : i32
        %rem3A_629 = arith.remsi %select_n3A_623, %select_n3A_628 : i32
        %ne3A_630 = arith.constant 0 : i32
        %ne3A_631 = arith.cmpi ne, %rem3A_629, %ne3A_630 : i32
        %lt3A_632 = arith.constant 0 : i32
        %lt3A_633 = arith.cmpi slt, %rem3A_629, %lt3A_632 : i32
        %lt3A_634 = arith.constant 0 : i32
        %lt3A_635 = arith.cmpi slt, %select_n3A_628, %lt3A_634 : i32
        %ne3A_636 = arith.xori %lt3A_633, %lt3A_635 : i1
        %and3A_637 = arith.andi %ne3A_636, %ne3A_631 : i1
        %add3A_638 = arith.addi %rem3A_629, %select_n3A_628 : i32
        %select_n3A_639 = arith.select %and3A_637, %add3A_638, %rem3A_629 : i32
        %jit3A_640 = arith.constant 32 : i32
        %eq3A_641 = arith.constant 0 : i32
        %eq3A_642 = arith.cmpi eq, %jit3A_640, %eq3A_641 : i32
        %jit3A_643 = arith.constant 1 : i32
        %select_n3A_644 = arith.select %eq3A_642, %jit3A_643, %jit3A_640 : i32
        %rem3A_645 = arith.remsi %add3A_314, %select_n3A_644 : i32
        %ne3A_646 = arith.constant 0 : i32
        %ne3A_647 = arith.cmpi ne, %rem3A_645, %ne3A_646 : i32
        %lt3A_648 = arith.constant 0 : i32
        %lt3A_649 = arith.cmpi slt, %rem3A_645, %lt3A_648 : i32
        %lt3A_650 = arith.constant 0 : i32
        %lt3A_651 = arith.cmpi slt, %select_n3A_644, %lt3A_650 : i32
        %ne3A_652 = arith.xori %lt3A_649, %lt3A_651 : i1
        %and3A_653 = arith.andi %ne3A_652, %ne3A_647 : i1
        %add3A_654 = arith.addi %rem3A_645, %select_n3A_644 : i32
        %select_n3A_655 = arith.select %and3A_653, %add3A_654, %rem3A_645 : i32
        %dma_start3A_656 = arith.constant 0 : i32
        %dma_start3A_657 = tpu.memref_slice %arg7[%select_n3A_639, %select_n3A_655, %dma_start3A_656] : memref<2x32x40xi32, #tpu.memory_space<vmem>> -> memref<1x1x40xi32, #tpu.memory_space<vmem>>
        %dma_start3A_658 = tpu.memref_squeeze %dma_start3A_657 : memref<1x1x40xi32, #tpu.memory_space<vmem>> -> memref<40xi32, #tpu.memory_space<vmem>>
        %dma_start3A_659 = arith.constant 0 : i32
        %dma_start3A_660 = arith.constant 0 : i32
        %dma_start3A_661 = tpu.memref_slice %arg2[%dma_start3A_659, %dma_start3A_660] : memref<10240x128xf32, #tpu.memory_space<hbm>> -> memref<10240x128xf32, #tpu.memory_space<hbm>>
        tpu.enqueue_indirect_dma source(%dma_start3A_661 : memref<10240x128xf32, #tpu.memory_space<hbm>>) target(%arg12 : memref<40x128xf32, #tpu.memory_space<vmem>>) offsets(%dma_start3A_658 : memref<40xi32, #tpu.memory_space<vmem>>) semaphore(%arg17 : memref<!tpu.dma_semaphore, #tpu.memory_space<semaphore_mem>>)
      } else {
      }
      %add3A_320 = arith.constant 1 : i32
      %add3A_321 = arith.addi %mul3A_195, %add3A_320 : i32
      %jit3A_322 = arith.constant 32 : i32
      %div3A_323 = arith.divsi %add3A_321, %jit3A_322 : i32
      %sign3A_324 = arith.constant 0 : i32
      %sign3A_325 = arith.cmpi sgt, %add3A_321, %sign3A_324 : i32
      %sign3A_326 = arith.extui %sign3A_325 : i1 to i32
      %sign3A_327 = arith.constant 0 : i32
      %sign3A_328 = arith.cmpi slt, %add3A_321, %sign3A_327 : i32
      %sign3A_329 = arith.extui %sign3A_328 : i1 to i32
      %sign3A_330 = arith.subi %sign3A_326, %sign3A_329 : i32
      %sign3A_331 = arith.constant 0 : i32
      %sign3A_332 = arith.cmpi sgt, %jit3A_322, %sign3A_331 : i32
      %sign3A_333 = arith.extui %sign3A_332 : i1 to i32
      %sign3A_334 = arith.constant 0 : i32
      %sign3A_335 = arith.cmpi slt, %jit3A_322, %sign3A_334 : i32
      %sign3A_336 = arith.extui %sign3A_335 : i1 to i32
      %sign3A_337 = arith.subi %sign3A_333, %sign3A_336 : i32
      %ne3A_338 = arith.cmpi ne, %sign3A_330, %sign3A_337 : i32
      %rem3A_339 = arith.remsi %add3A_321, %jit3A_322 : i32
      %ne3A_340 = arith.constant 0 : i32
      %ne3A_341 = arith.cmpi ne, %rem3A_339, %ne3A_340 : i32
      %and3A_342 = arith.andi %ne3A_338, %ne3A_341 : i1
      %sub3A_343 = arith.constant 1 : i32
      %sub3A_344 = arith.subi %div3A_323, %sub3A_343 : i32
      %select_n3A_345 = arith.select %and3A_342, %sub3A_344, %div3A_323 : i32
      %jit3A_346 = arith.constant 2 : i32
      %eq3A_347 = arith.constant 0 : i32
      %eq3A_348 = arith.cmpi eq, %jit3A_346, %eq3A_347 : i32
      %jit3A_349 = arith.constant 1 : i32
      %select_n3A_350 = arith.select %eq3A_348, %jit3A_349, %jit3A_346 : i32
      %rem3A_351 = arith.remsi %select_n3A_345, %select_n3A_350 : i32
      %ne3A_352 = arith.constant 0 : i32
      %ne3A_353 = arith.cmpi ne, %rem3A_351, %ne3A_352 : i32
      %lt3A_354 = arith.constant 0 : i32
      %lt3A_355 = arith.cmpi slt, %rem3A_351, %lt3A_354 : i32
      %lt3A_356 = arith.constant 0 : i32
      %lt3A_357 = arith.cmpi slt, %select_n3A_350, %lt3A_356 : i32
      %ne3A_358 = arith.xori %lt3A_355, %lt3A_357 : i1
      %and3A_359 = arith.andi %ne3A_358, %ne3A_353 : i1
      %add3A_360 = arith.addi %rem3A_351, %select_n3A_350 : i32
      %select_n3A_361 = arith.select %and3A_359, %add3A_360, %rem3A_351 : i32
      %jit3A_362 = arith.constant 32 : i32
      %eq3A_363 = arith.constant 0 : i32
      %eq3A_364 = arith.cmpi eq, %jit3A_362, %eq3A_363 : i32
      %jit3A_365 = arith.constant 1 : i32
      %select_n3A_366 = arith.select %eq3A_364, %jit3A_365, %jit3A_362 : i32
      %rem3A_367 = arith.remsi %add3A_321, %select_n3A_366 : i32
      %ne3A_368 = arith.constant 0 : i32
      %ne3A_369 = arith.cmpi ne, %rem3A_367, %ne3A_368 : i32
      %lt3A_370 = arith.constant 0 : i32
      %lt3A_371 = arith.cmpi slt, %rem3A_367, %lt3A_370 : i32
      %lt3A_372 = arith.constant 0 : i32
      %lt3A_373 = arith.cmpi slt, %select_n3A_366, %lt3A_372 : i32
      %ne3A_374 = arith.xori %lt3A_371, %lt3A_373 : i1
      %and3A_375 = arith.andi %ne3A_374, %ne3A_369 : i1
      %add3A_376 = arith.addi %rem3A_367, %select_n3A_366 : i32
      %select_n3A_377 = arith.select %and3A_375, %add3A_376, %rem3A_367 : i32
      %dma_wait3A_378 = arith.constant 0 : i32
      %dma_wait3A_379 = tpu.memref_slice %arg7[%select_n3A_361, %select_n3A_377, %dma_wait3A_378] : memref<2x32x40xi32, #tpu.memory_space<vmem>> -> memref<1x1x40xi32, #tpu.memory_space<vmem>>
      %dma_wait3A_380 = tpu.memref_squeeze %dma_wait3A_379 : memref<1x1x40xi32, #tpu.memory_space<vmem>> -> memref<40xi32, #tpu.memory_space<vmem>>
      %dma_wait3A_381 = arith.constant 0 : i32
      %dma_wait3A_382 = arith.constant 0 : i32
      %dma_wait3A_383 = tpu.memref_slice %arg2[%dma_wait3A_381, %dma_wait3A_382] : memref<10240x128xf32, #tpu.memory_space<hbm>> -> memref<10240x128xf32, #tpu.memory_space<hbm>>
      tpu.wait_indirect_dma semaphore(%arg15 : memref<!tpu.dma_semaphore, #tpu.memory_space<semaphore_mem>>) src(%dma_wait3A_383 : memref<10240x128xf32, #tpu.memory_space<hbm>>) dst(%arg10 : memref<40x128xf32, #tpu.memory_space<vmem>>)
      %dma_start3A_384 = arith.constant 0 : i32
      %dma_start3A_385 = tpu.memref_slice %arg8[%select_n3A_361, %select_n3A_377, %dma_start3A_384] : memref<2x32x40xi32, #tpu.memory_space<vmem>> -> memref<1x1x40xi32, #tpu.memory_space<vmem>>
      %dma_start3A_386 = tpu.memref_squeeze %dma_start3A_385 : memref<1x1x40xi32, #tpu.memory_space<vmem>> -> memref<40xi32, #tpu.memory_space<vmem>>
      %dma_start3A_387 = arith.constant 0 : i32
      %dma_start3A_388 = arith.constant 0 : i32
      %dma_start3A_389 = tpu.memref_slice %arg13[%dma_start3A_387, %dma_start3A_388] : memref<5248x128xf32, #tpu.memory_space<vmem_shared>> -> memref<5248x128xf32, #tpu.memory_space<vmem_shared>>
      tpu.enqueue_indirect_dma source(%arg10 : memref<40x128xf32, #tpu.memory_space<vmem>>) target(%dma_start3A_389 : memref<5248x128xf32, #tpu.memory_space<vmem_shared>>) offsets(%dma_start3A_386 : memref<40xi32, #tpu.memory_space<vmem>>) semaphore(%arg19 : memref<!tpu.dma_semaphore, #tpu.memory_space<semaphore_mem>>) {add = true}
      %get3A_390 = arith.index_cast %select_n3A_361 : i32 to index
      %get3A_391 = arith.index_cast %select_n3A_377 : i32 to index
      %get3A_392 = arith.constant 0 : index
      %get3A_393 = tpu.vector_load %arg8[%get3A_390, %get3A_391, %get3A_392] {strides = array<i32>} : memref<2x32x40xi32, #tpu.memory_space<vmem>>, vector<16xi32>,
      tpu.vector_store_idx %arg24[%get3A_393], %broadcast_in_dim3A_127 {add = true} : memref<5248xf32, #tpu.memory_space<vmem>>[vector<16xi32>], vector<16xf32>,
      %get3A_394 = arith.index_cast %select_n3A_361 : i32 to index
      %get3A_395 = arith.index_cast %select_n3A_377 : i32 to index
      %get3A_396 = arith.constant 16 : index
      %get3A_397 = tpu.vector_load %arg8[%get3A_394, %get3A_395, %get3A_396] {strides = array<i32>} : memref<2x32x40xi32, #tpu.memory_space<vmem>>, vector<16xi32>,
      tpu.vector_store_idx %arg24[%get3A_397], %broadcast_in_dim3A_127 {add = true} : memref<5248xf32, #tpu.memory_space<vmem>>[vector<16xi32>], vector<16xf32>,
      %get3A_398 = arith.index_cast %select_n3A_361 : i32 to index
      %get3A_399 = arith.index_cast %select_n3A_377 : i32 to index
      %get3A_400 = arith.constant 24 : index
      %get3A_401 = tpu.vector_load %arg8[%get3A_398, %get3A_399, %get3A_400] {strides = array<i32>} : memref<2x32x40xi32, #tpu.memory_space<vmem>>, vector<16xi32>,
      tpu.vector_store_idx %arg24[%get3A_401], %broadcast_in_dim3A_127 masked %ge3A_129 {add = true} : memref<5248xf32, #tpu.memory_space<vmem>>[vector<16xi32>], vector<16xf32>, vector<16xi1>
      %add3A_402 = arith.constant 3 : i32
      %add3A_403 = arith.addi %add3A_321, %add3A_402 : i32
      %lt3A_404 = arith.constant 512 : i32
      %lt3A_405 = arith.cmpi slt, %add3A_403, %lt3A_404 : i32
      %convert_element_type3A_406 = arith.extui %lt3A_405 : i1 to i32
      %cond3A_407 = arith.constant 0 : i32
      %cond3A_408 = arith.cmpi ne, %convert_element_type3A_406, %cond3A_407 : i32
      scf.if %cond3A_408 {
        %ge3A_595 = arith.constant 4 : i32
        %ge3A_596 = arith.cmpi sge, %add3A_403, %ge3A_595 : i32
        %convert_element_type3A_597 = arith.extui %ge3A_596 : i1 to i32
        %cond3A_598 = arith.constant 0 : i32
        %cond3A_599 = arith.cmpi ne, %convert_element_type3A_597, %cond3A_598 : i32
        scf.if %cond3A_599 {
          %dma_wait3A_662 = arith.constant 0 : i32
          %dma_wait3A_663 = arith.constant 0 : i32
          %dma_wait3A_664 = arith.constant 0 : i32
          %dma_wait3A_665 = tpu.memref_slice %arg8[%dma_wait3A_662, %dma_wait3A_663, %dma_wait3A_664] : memref<2x32x40xi32, #tpu.memory_space<vmem>> -> memref<1x1x40xi32, #tpu.memory_space<vmem>>
          %dma_wait3A_666 = tpu.memref_squeeze %dma_wait3A_665 : memref<1x1x40xi32, #tpu.memory_space<vmem>> -> memref<40xi32, #tpu.memory_space<vmem>>
          %dma_wait3A_667 = arith.constant 0 : i32
          %dma_wait3A_668 = arith.constant 0 : i32
          %dma_wait3A_669 = tpu.memref_slice %arg13[%dma_wait3A_667, %dma_wait3A_668] : memref<5248x128xf32, #tpu.memory_space<vmem_shared>> -> memref<5248x128xf32, #tpu.memory_space<vmem_shared>>
          tpu.wait_indirect_dma semaphore(%arg18 : memref<!tpu.dma_semaphore, #tpu.memory_space<semaphore_mem>>) src(%arg9 : memref<40x128xf32, #tpu.memory_space<vmem>>) dst(%dma_wait3A_669 : memref<5248x128xf32, #tpu.memory_space<vmem_shared>>)
        } else {
        }
        %jit3A_600 = arith.constant 32 : i32
        %div3A_601 = arith.divsi %add3A_403, %jit3A_600 : i32
        %sign3A_602 = arith.constant 0 : i32
        %sign3A_603 = arith.cmpi sgt, %add3A_403, %sign3A_602 : i32
        %sign3A_604 = arith.extui %sign3A_603 : i1 to i32
        %sign3A_605 = arith.constant 0 : i32
        %sign3A_606 = arith.cmpi slt, %add3A_403, %sign3A_605 : i32
        %sign3A_607 = arith.extui %sign3A_606 : i1 to i32
        %sign3A_608 = arith.subi %sign3A_604, %sign3A_607 : i32
        %sign3A_609 = arith.constant 0 : i32
        %sign3A_610 = arith.cmpi sgt, %jit3A_600, %sign3A_609 : i32
        %sign3A_611 = arith.extui %sign3A_610 : i1 to i32
        %sign3A_612 = arith.constant 0 : i32
        %sign3A_613 = arith.cmpi slt, %jit3A_600, %sign3A_612 : i32
        %sign3A_614 = arith.extui %sign3A_613 : i1 to i32
        %sign3A_615 = arith.subi %sign3A_611, %sign3A_614 : i32
        %ne3A_616 = arith.cmpi ne, %sign3A_608, %sign3A_615 : i32
        %rem3A_617 = arith.remsi %add3A_403, %jit3A_600 : i32
        %ne3A_618 = arith.constant 0 : i32
        %ne3A_619 = arith.cmpi ne, %rem3A_617, %ne3A_618 : i32
        %and3A_620 = arith.andi %ne3A_616, %ne3A_619 : i1
        %sub3A_621 = arith.constant 1 : i32
        %sub3A_622 = arith.subi %div3A_601, %sub3A_621 : i32
        %select_n3A_623 = arith.select %and3A_620, %sub3A_622, %div3A_601 : i32
        %jit3A_624 = arith.constant 2 : i32
        %eq3A_625 = arith.constant 0 : i32
        %eq3A_626 = arith.cmpi eq, %jit3A_624, %eq3A_625 : i32
        %jit3A_627 = arith.constant 1 : i32
        %select_n3A_628 = arith.select %eq3A_626, %jit3A_627, %jit3A_624 : i32
        %rem3A_629 = arith.remsi %select_n3A_623, %select_n3A_628 : i32
        %ne3A_630 = arith.constant 0 : i32
        %ne3A_631 = arith.cmpi ne, %rem3A_629, %ne3A_630 : i32
        %lt3A_632 = arith.constant 0 : i32
        %lt3A_633 = arith.cmpi slt, %rem3A_629, %lt3A_632 : i32
        %lt3A_634 = arith.constant 0 : i32
        %lt3A_635 = arith.cmpi slt, %select_n3A_628, %lt3A_634 : i32
        %ne3A_636 = arith.xori %lt3A_633, %lt3A_635 : i1
        %and3A_637 = arith.andi %ne3A_636, %ne3A_631 : i1
        %add3A_638 = arith.addi %rem3A_629, %select_n3A_628 : i32
        %select_n3A_639 = arith.select %and3A_637, %add3A_638, %rem3A_629 : i32
        %jit3A_640 = arith.constant 32 : i32
        %eq3A_641 = arith.constant 0 : i32
        %eq3A_642 = arith.cmpi eq, %jit3A_640, %eq3A_641 : i32
        %jit3A_643 = arith.constant 1 : i32
        %select_n3A_644 = arith.select %eq3A_642, %jit3A_643, %jit3A_640 : i32
        %rem3A_645 = arith.remsi %add3A_403, %select_n3A_644 : i32
        %ne3A_646 = arith.constant 0 : i32
        %ne3A_647 = arith.cmpi ne, %rem3A_645, %ne3A_646 : i32
        %lt3A_648 = arith.constant 0 : i32
        %lt3A_649 = arith.cmpi slt, %rem3A_645, %lt3A_648 : i32
        %lt3A_650 = arith.constant 0 : i32
        %lt3A_651 = arith.cmpi slt, %select_n3A_644, %lt3A_650 : i32
        %ne3A_652 = arith.xori %lt3A_649, %lt3A_651 : i1
        %and3A_653 = arith.andi %ne3A_652, %ne3A_647 : i1
        %add3A_654 = arith.addi %rem3A_645, %select_n3A_644 : i32
        %select_n3A_655 = arith.select %and3A_653, %add3A_654, %rem3A_645 : i32
        %dma_start3A_656 = arith.constant 0 : i32
        %dma_start3A_657 = tpu.memref_slice %arg7[%select_n3A_639, %select_n3A_655, %dma_start3A_656] : memref<2x32x40xi32, #tpu.memory_space<vmem>> -> memref<1x1x40xi32, #tpu.memory_space<vmem>>
        %dma_start3A_658 = tpu.memref_squeeze %dma_start3A_657 : memref<1x1x40xi32, #tpu.memory_space<vmem>> -> memref<40xi32, #tpu.memory_space<vmem>>
        %dma_start3A_659 = arith.constant 0 : i32
        %dma_start3A_660 = arith.constant 0 : i32
        %dma_start3A_661 = tpu.memref_slice %arg2[%dma_start3A_659, %dma_start3A_660] : memref<10240x128xf32, #tpu.memory_space<hbm>> -> memref<10240x128xf32, #tpu.memory_space<hbm>>
        tpu.enqueue_indirect_dma source(%dma_start3A_661 : memref<10240x128xf32, #tpu.memory_space<hbm>>) target(%arg9 : memref<40x128xf32, #tpu.memory_space<vmem>>) offsets(%dma_start3A_658 : memref<40xi32, #tpu.memory_space<vmem>>) semaphore(%arg14 : memref<!tpu.dma_semaphore, #tpu.memory_space<semaphore_mem>>)
      } else {
      }
      %add3A_409 = arith.constant 2 : i32
      %add3A_410 = arith.addi %mul3A_195, %add3A_409 : i32
      %jit3A_411 = arith.constant 32 : i32
      %div3A_412 = arith.divsi %add3A_410, %jit3A_411 : i32
      %sign3A_413 = arith.constant 0 : i32
      %sign3A_414 = arith.cmpi sgt, %add3A_410, %sign3A_413 : i32
      %sign3A_415 = arith.extui %sign3A_414 : i1 to i32
      %sign3A_416 = arith.constant 0 : i32
      %sign3A_417 = arith.cmpi slt, %add3A_410, %sign3A_416 : i32
      %sign3A_418 = arith.extui %sign3A_417 : i1 to i32
      %sign3A_419 = arith.subi %sign3A_415, %sign3A_418 : i32
      %sign3A_420 = arith.constant 0 : i32
      %sign3A_421 = arith.cmpi sgt, %jit3A_411, %sign3A_420 : i32
      %sign3A_422 = arith.extui %sign3A_421 : i1 to i32
      %sign3A_423 = arith.constant 0 : i32
      %sign3A_424 = arith.cmpi slt, %jit3A_411, %sign3A_423 : i32
      %sign3A_425 = arith.extui %sign3A_424 : i1 to i32
      %sign3A_426 = arith.subi %sign3A_422, %sign3A_425 : i32
      %ne3A_427 = arith.cmpi ne, %sign3A_419, %sign3A_426 : i32
      %rem3A_428 = arith.remsi %add3A_410, %jit3A_411 : i32
      %ne3A_429 = arith.constant 0 : i32
      %ne3A_430 = arith.cmpi ne, %rem3A_428, %ne3A_429 : i32
      %and3A_431 = arith.andi %ne3A_427, %ne3A_430 : i1
      %sub3A_432 = arith.constant 1 : i32
      %sub3A_433 = arith.subi %div3A_412, %sub3A_432 : i32
      %select_n3A_434 = arith.select %and3A_431, %sub3A_433, %div3A_412 : i32
      %jit3A_435 = arith.constant 2 : i32
      %eq3A_436 = arith.constant 0 : i32
      %eq3A_437 = arith.cmpi eq, %jit3A_435, %eq3A_436 : i32
      %jit3A_438 = arith.constant 1 : i32
      %select_n3A_439 = arith.select %eq3A_437, %jit3A_438, %jit3A_435 : i32
      %rem3A_440 = arith.remsi %select_n3A_434, %select_n3A_439 : i32
      %ne3A_441 = arith.constant 0 : i32
      %ne3A_442 = arith.cmpi ne, %rem3A_440, %ne3A_441 : i32
      %lt3A_443 = arith.constant 0 : i32
      %lt3A_444 = arith.cmpi slt, %rem3A_440, %lt3A_443 : i32
      %lt3A_445 = arith.constant 0 : i32
      %lt3A_446 = arith.cmpi slt, %select_n3A_439, %lt3A_445 : i32
      %ne3A_447 = arith.xori %lt3A_444, %lt3A_446 : i1
      %and3A_448 = arith.andi %ne3A_447, %ne3A_442 : i1
      %add3A_449 = arith.addi %rem3A_440, %select_n3A_439 : i32
      %select_n3A_450 = arith.select %and3A_448, %add3A_449, %rem3A_440 : i32
      %jit3A_451 = arith.constant 32 : i32
      %eq3A_452 = arith.constant 0 : i32
      %eq3A_453 = arith.cmpi eq, %jit3A_451, %eq3A_452 : i32
      %jit3A_454 = arith.constant 1 : i32
      %select_n3A_455 = arith.select %eq3A_453, %jit3A_454, %jit3A_451 : i32
      %rem3A_456 = arith.remsi %add3A_410, %select_n3A_455 : i32
      %ne3A_457 = arith.constant 0 : i32
      %ne3A_458 = arith.cmpi ne, %rem3A_456, %ne3A_457 : i32
      %lt3A_459 = arith.constant 0 : i32
      %lt3A_460 = arith.cmpi slt, %rem3A_456, %lt3A_459 : i32
      %lt3A_461 = arith.constant 0 : i32
      %lt3A_462 = arith.cmpi slt, %select_n3A_455, %lt3A_461 : i32
      %ne3A_463 = arith.xori %lt3A_460, %lt3A_462 : i1
      %and3A_464 = arith.andi %ne3A_463, %ne3A_458 : i1
      %add3A_465 = arith.addi %rem3A_456, %select_n3A_455 : i32
      %select_n3A_466 = arith.select %and3A_464, %add3A_465, %rem3A_456 : i32
      %dma_wait3A_467 = arith.constant 0 : i32
      %dma_wait3A_468 = tpu.memref_slice %arg7[%select_n3A_450, %select_n3A_466, %dma_wait3A_467] : memref<2x32x40xi32, #tpu.memory_space<vmem>> -> memref<1x1x40xi32, #tpu.memory_space<vmem>>
      %dma_wait3A_469 = tpu.memref_squeeze %dma_wait3A_468 : memref<1x1x40xi32, #tpu.memory_space<vmem>> -> memref<40xi32, #tpu.memory_space<vmem>>
      %dma_wait3A_470 = arith.constant 0 : i32
      %dma_wait3A_471 = arith.constant 0 : i32
      %dma_wait3A_472 = tpu.memref_slice %arg2[%dma_wait3A_470, %dma_wait3A_471] : memref<10240x128xf32, #tpu.memory_space<hbm>> -> memref<10240x128xf32, #tpu.memory_space<hbm>>
      tpu.wait_indirect_dma semaphore(%arg16 : memref<!tpu.dma_semaphore, #tpu.memory_space<semaphore_mem>>) src(%dma_wait3A_472 : memref<10240x128xf32, #tpu.memory_space<hbm>>) dst(%arg11 : memref<40x128xf32, #tpu.memory_space<vmem>>)
      %dma_start3A_473 = arith.constant 0 : i32
      %dma_start3A_474 = tpu.memref_slice %arg8[%select_n3A_450, %select_n3A_466, %dma_start3A_473] : memref<2x32x40xi32, #tpu.memory_space<vmem>> -> memref<1x1x40xi32, #tpu.memory_space<vmem>>
      %dma_start3A_475 = tpu.memref_squeeze %dma_start3A_474 : memref<1x1x40xi32, #tpu.memory_space<vmem>> -> memref<40xi32, #tpu.memory_space<vmem>>
      %dma_start3A_476 = arith.constant 0 : i32
      %dma_start3A_477 = arith.constant 0 : i32
      %dma_start3A_478 = tpu.memref_slice %arg13[%dma_start3A_476, %dma_start3A_477] : memref<5248x128xf32, #tpu.memory_space<vmem_shared>> -> memref<5248x128xf32, #tpu.memory_space<vmem_shared>>
      tpu.enqueue_indirect_dma source(%arg11 : memref<40x128xf32, #tpu.memory_space<vmem>>) target(%dma_start3A_478 : memref<5248x128xf32, #tpu.memory_space<vmem_shared>>) offsets(%dma_start3A_475 : memref<40xi32, #tpu.memory_space<vmem>>) semaphore(%arg20 : memref<!tpu.dma_semaphore, #tpu.memory_space<semaphore_mem>>) {add = true}
      %get3A_479 = arith.index_cast %select_n3A_450 : i32 to index
      %get3A_480 = arith.index_cast %select_n3A_466 : i32 to index
      %get3A_481 = arith.constant 0 : index
      %get3A_482 = tpu.vector_load %arg8[%get3A_479, %get3A_480, %get3A_481] {strides = array<i32>} : memref<2x32x40xi32, #tpu.memory_space<vmem>>, vector<16xi32>,
      tpu.vector_store_idx %arg24[%get3A_482], %broadcast_in_dim3A_127 {add = true} : memref<5248xf32, #tpu.memory_space<vmem>>[vector<16xi32>], vector<16xf32>,
      %get3A_483 = arith.index_cast %select_n3A_450 : i32 to index
      %get3A_484 = arith.index_cast %select_n3A_466 : i32 to index
      %get3A_485 = arith.constant 16 : index
      %get3A_486 = tpu.vector_load %arg8[%get3A_483, %get3A_484, %get3A_485] {strides = array<i32>} : memref<2x32x40xi32, #tpu.memory_space<vmem>>, vector<16xi32>,
      tpu.vector_store_idx %arg24[%get3A_486], %broadcast_in_dim3A_127 {add = true} : memref<5248xf32, #tpu.memory_space<vmem>>[vector<16xi32>], vector<16xf32>,
      %get3A_487 = arith.index_cast %select_n3A_450 : i32 to index
      %get3A_488 = arith.index_cast %select_n3A_466 : i32 to index
      %get3A_489 = arith.constant 24 : index
      %get3A_490 = tpu.vector_load %arg8[%get3A_487, %get3A_488, %get3A_489] {strides = array<i32>} : memref<2x32x40xi32, #tpu.memory_space<vmem>>, vector<16xi32>,
      tpu.vector_store_idx %arg24[%get3A_490], %broadcast_in_dim3A_127 masked %ge3A_129 {add = true} : memref<5248xf32, #tpu.memory_space<vmem>>[vector<16xi32>], vector<16xf32>, vector<16xi1>
      %add3A_491 = arith.constant 3 : i32
      %add3A_492 = arith.addi %add3A_410, %add3A_491 : i32
      %lt3A_493 = arith.constant 512 : i32
      %lt3A_494 = arith.cmpi slt, %add3A_492, %lt3A_493 : i32
      %convert_element_type3A_495 = arith.extui %lt3A_494 : i1 to i32
      %cond3A_496 = arith.constant 0 : i32
      %cond3A_497 = arith.cmpi ne, %convert_element_type3A_495, %cond3A_496 : i32
      scf.if %cond3A_497 {
        %ge3A_595 = arith.constant 4 : i32
        %ge3A_596 = arith.cmpi sge, %add3A_492, %ge3A_595 : i32
        %convert_element_type3A_597 = arith.extui %ge3A_596 : i1 to i32
        %cond3A_598 = arith.constant 0 : i32
        %cond3A_599 = arith.cmpi ne, %convert_element_type3A_597, %cond3A_598 : i32
        scf.if %cond3A_599 {
          %dma_wait3A_662 = arith.constant 0 : i32
          %dma_wait3A_663 = arith.constant 0 : i32
          %dma_wait3A_664 = arith.constant 0 : i32
          %dma_wait3A_665 = tpu.memref_slice %arg8[%dma_wait3A_662, %dma_wait3A_663, %dma_wait3A_664] : memref<2x32x40xi32, #tpu.memory_space<vmem>> -> memref<1x1x40xi32, #tpu.memory_space<vmem>>
          %dma_wait3A_666 = tpu.memref_squeeze %dma_wait3A_665 : memref<1x1x40xi32, #tpu.memory_space<vmem>> -> memref<40xi32, #tpu.memory_space<vmem>>
          %dma_wait3A_667 = arith.constant 0 : i32
          %dma_wait3A_668 = arith.constant 0 : i32
          %dma_wait3A_669 = tpu.memref_slice %arg13[%dma_wait3A_667, %dma_wait3A_668] : memref<5248x128xf32, #tpu.memory_space<vmem_shared>> -> memref<5248x128xf32, #tpu.memory_space<vmem_shared>>
          tpu.wait_indirect_dma semaphore(%arg19 : memref<!tpu.dma_semaphore, #tpu.memory_space<semaphore_mem>>) src(%arg10 : memref<40x128xf32, #tpu.memory_space<vmem>>) dst(%dma_wait3A_669 : memref<5248x128xf32, #tpu.memory_space<vmem_shared>>)
        } else {
        }
        %jit3A_600 = arith.constant 32 : i32
        %div3A_601 = arith.divsi %add3A_492, %jit3A_600 : i32
        %sign3A_602 = arith.constant 0 : i32
        %sign3A_603 = arith.cmpi sgt, %add3A_492, %sign3A_602 : i32
        %sign3A_604 = arith.extui %sign3A_603 : i1 to i32
        %sign3A_605 = arith.constant 0 : i32
        %sign3A_606 = arith.cmpi slt, %add3A_492, %sign3A_605 : i32
        %sign3A_607 = arith.extui %sign3A_606 : i1 to i32
        %sign3A_608 = arith.subi %sign3A_604, %sign3A_607 : i32
        %sign3A_609 = arith.constant 0 : i32
        %sign3A_610 = arith.cmpi sgt, %jit3A_600, %sign3A_609 : i32
        %sign3A_611 = arith.extui %sign3A_610 : i1 to i32
        %sign3A_612 = arith.constant 0 : i32
        %sign3A_613 = arith.cmpi slt, %jit3A_600, %sign3A_612 : i32
        %sign3A_614 = arith.extui %sign3A_613 : i1 to i32
        %sign3A_615 = arith.subi %sign3A_611, %sign3A_614 : i32
        %ne3A_616 = arith.cmpi ne, %sign3A_608, %sign3A_615 : i32
        %rem3A_617 = arith.remsi %add3A_492, %jit3A_600 : i32
        %ne3A_618 = arith.constant 0 : i32
        %ne3A_619 = arith.cmpi ne, %rem3A_617, %ne3A_618 : i32
        %and3A_620 = arith.andi %ne3A_616, %ne3A_619 : i1
        %sub3A_621 = arith.constant 1 : i32
        %sub3A_622 = arith.subi %div3A_601, %sub3A_621 : i32
        %select_n3A_623 = arith.select %and3A_620, %sub3A_622, %div3A_601 : i32
        %jit3A_624 = arith.constant 2 : i32
        %eq3A_625 = arith.constant 0 : i32
        %eq3A_626 = arith.cmpi eq, %jit3A_624, %eq3A_625 : i32
        %jit3A_627 = arith.constant 1 : i32
        %select_n3A_628 = arith.select %eq3A_626, %jit3A_627, %jit3A_624 : i32
        %rem3A_629 = arith.remsi %select_n3A_623, %select_n3A_628 : i32
        %ne3A_630 = arith.constant 0 : i32
        %ne3A_631 = arith.cmpi ne, %rem3A_629, %ne3A_630 : i32
        %lt3A_632 = arith.constant 0 : i32
        %lt3A_633 = arith.cmpi slt, %rem3A_629, %lt3A_632 : i32
        %lt3A_634 = arith.constant 0 : i32
        %lt3A_635 = arith.cmpi slt, %select_n3A_628, %lt3A_634 : i32
        %ne3A_636 = arith.xori %lt3A_633, %lt3A_635 : i1
        %and3A_637 = arith.andi %ne3A_636, %ne3A_631 : i1
        %add3A_638 = arith.addi %rem3A_629, %select_n3A_628 : i32
        %select_n3A_639 = arith.select %and3A_637, %add3A_638, %rem3A_629 : i32
        %jit3A_640 = arith.constant 32 : i32
        %eq3A_641 = arith.constant 0 : i32
        %eq3A_642 = arith.cmpi eq, %jit3A_640, %eq3A_641 : i32
        %jit3A_643 = arith.constant 1 : i32
        %select_n3A_644 = arith.select %eq3A_642, %jit3A_643, %jit3A_640 : i32
        %rem3A_645 = arith.remsi %add3A_492, %select_n3A_644 : i32
        %ne3A_646 = arith.constant 0 : i32
        %ne3A_647 = arith.cmpi ne, %rem3A_645, %ne3A_646 : i32
        %lt3A_648 = arith.constant 0 : i32
        %lt3A_649 = arith.cmpi slt, %rem3A_645, %lt3A_648 : i32
        %lt3A_650 = arith.constant 0 : i32
        %lt3A_651 = arith.cmpi slt, %select_n3A_644, %lt3A_650 : i32
        %ne3A_652 = arith.xori %lt3A_649, %lt3A_651 : i1
        %and3A_653 = arith.andi %ne3A_652, %ne3A_647 : i1
        %add3A_654 = arith.addi %rem3A_645, %select_n3A_644 : i32
        %select_n3A_655 = arith.select %and3A_653, %add3A_654, %rem3A_645 : i32
        %dma_start3A_656 = arith.constant 0 : i32
        %dma_start3A_657 = tpu.memref_slice %arg7[%select_n3A_639, %select_n3A_655, %dma_start3A_656] : memref<2x32x40xi32, #tpu.memory_space<vmem>> -> memref<1x1x40xi32, #tpu.memory_space<vmem>>
        %dma_start3A_658 = tpu.memref_squeeze %dma_start3A_657 : memref<1x1x40xi32, #tpu.memory_space<vmem>> -> memref<40xi32, #tpu.memory_space<vmem>>
        %dma_start3A_659 = arith.constant 0 : i32
        %dma_start3A_660 = arith.constant 0 : i32
        %dma_start3A_661 = tpu.memref_slice %arg2[%dma_start3A_659, %dma_start3A_660] : memref<10240x128xf32, #tpu.memory_space<hbm>> -> memref<10240x128xf32, #tpu.memory_space<hbm>>
        tpu.enqueue_indirect_dma source(%dma_start3A_661 : memref<10240x128xf32, #tpu.memory_space<hbm>>) target(%arg10 : memref<40x128xf32, #tpu.memory_space<vmem>>) offsets(%dma_start3A_658 : memref<40xi32, #tpu.memory_space<vmem>>) semaphore(%arg15 : memref<!tpu.dma_semaphore, #tpu.memory_space<semaphore_mem>>)
      } else {
      }
      %add3A_498 = arith.constant 3 : i32
      %add3A_499 = arith.addi %mul3A_195, %add3A_498 : i32
      %jit3A_500 = arith.constant 32 : i32
      %div3A_501 = arith.divsi %add3A_499, %jit3A_500 : i32
      %sign3A_502 = arith.constant 0 : i32
      %sign3A_503 = arith.cmpi sgt, %add3A_499, %sign3A_502 : i32
      %sign3A_504 = arith.extui %sign3A_503 : i1 to i32
      %sign3A_505 = arith.constant 0 : i32
      %sign3A_506 = arith.cmpi slt, %add3A_499, %sign3A_505 : i32
      %sign3A_507 = arith.extui %sign3A_506 : i1 to i32
      %sign3A_508 = arith.subi %sign3A_504, %sign3A_507 : i32
      %sign3A_509 = arith.constant 0 : i32
      %sign3A_510 = arith.cmpi sgt, %jit3A_500, %sign3A_509 : i32
      %sign3A_511 = arith.extui %sign3A_510 : i1 to i32
      %sign3A_512 = arith.constant 0 : i32
      %sign3A_513 = arith.cmpi slt, %jit3A_500, %sign3A_512 : i32
      %sign3A_514 = arith.extui %sign3A_513 : i1 to i32
      %sign3A_515 = arith.subi %sign3A_511, %sign3A_514 : i32
      %ne3A_516 = arith.cmpi ne, %sign3A_508, %sign3A_515 : i32
      %rem3A_517 = arith.remsi %add3A_499, %jit3A_500 : i32
      %ne3A_518 = arith.constant 0 : i32
      %ne3A_519 = arith.cmpi ne, %rem3A_517, %ne3A_518 : i32
      %and3A_520 = arith.andi %ne3A_516, %ne3A_519 : i1
      %sub3A_521 = arith.constant 1 : i32
      %sub3A_522 = arith.subi %div3A_501, %sub3A_521 : i32
      %select_n3A_523 = arith.select %and3A_520, %sub3A_522, %div3A_501 : i32
      %jit3A_524 = arith.constant 2 : i32
      %eq3A_525 = arith.constant 0 : i32
      %eq3A_526 = arith.cmpi eq, %jit3A_524, %eq3A_525 : i32
      %jit3A_527 = arith.constant 1 : i32
      %select_n3A_528 = arith.select %eq3A_526, %jit3A_527, %jit3A_524 : i32
      %rem3A_529 = arith.remsi %select_n3A_523, %select_n3A_528 : i32
      %ne3A_530 = arith.constant 0 : i32
      %ne3A_531 = arith.cmpi ne, %rem3A_529, %ne3A_530 : i32
      %lt3A_532 = arith.constant 0 : i32
      %lt3A_533 = arith.cmpi slt, %rem3A_529, %lt3A_532 : i32
      %lt3A_534 = arith.constant 0 : i32
      %lt3A_535 = arith.cmpi slt, %select_n3A_528, %lt3A_534 : i32
      %ne3A_536 = arith.xori %lt3A_533, %lt3A_535 : i1
      %and3A_537 = arith.andi %ne3A_536, %ne3A_531 : i1
      %add3A_538 = arith.addi %rem3A_529, %select_n3A_528 : i32
      %select_n3A_539 = arith.select %and3A_537, %add3A_538, %rem3A_529 : i32
      %jit3A_540 = arith.constant 32 : i32
      %eq3A_541 = arith.constant 0 : i32
      %eq3A_542 = arith.cmpi eq, %jit3A_540, %eq3A_541 : i32
      %jit3A_543 = arith.constant 1 : i32
      %select_n3A_544 = arith.select %eq3A_542, %jit3A_543, %jit3A_540 : i32
      %rem3A_545 = arith.remsi %add3A_499, %select_n3A_544 : i32
      %ne3A_546 = arith.constant 0 : i32
      %ne3A_547 = arith.cmpi ne, %rem3A_545, %ne3A_546 : i32
      %lt3A_548 = arith.constant 0 : i32
      %lt3A_549 = arith.cmpi slt, %rem3A_545, %lt3A_548 : i32
      %lt3A_550 = arith.constant 0 : i32
      %lt3A_551 = arith.cmpi slt, %select_n3A_544, %lt3A_550 : i32
      %ne3A_552 = arith.xori %lt3A_549, %lt3A_551 : i1
      %and3A_553 = arith.andi %ne3A_552, %ne3A_547 : i1
      %add3A_554 = arith.addi %rem3A_545, %select_n3A_544 : i32
      %select_n3A_555 = arith.select %and3A_553, %add3A_554, %rem3A_545 : i32
      %dma_wait3A_556 = arith.constant 0 : i32
      %dma_wait3A_557 = tpu.memref_slice %arg7[%select_n3A_539, %select_n3A_555, %dma_wait3A_556] : memref<2x32x40xi32, #tpu.memory_space<vmem>> -> memref<1x1x40xi32, #tpu.memory_space<vmem>>
      %dma_wait3A_558 = tpu.memref_squeeze %dma_wait3A_557 : memref<1x1x40xi32, #tpu.memory_space<vmem>> -> memref<40xi32, #tpu.memory_space<vmem>>
      %dma_wait3A_559 = arith.constant 0 : i32
      %dma_wait3A_560 = arith.constant 0 : i32
      %dma_wait3A_561 = tpu.memref_slice %arg2[%dma_wait3A_559, %dma_wait3A_560] : memref<10240x128xf32, #tpu.memory_space<hbm>> -> memref<10240x128xf32, #tpu.memory_space<hbm>>
      tpu.wait_indirect_dma semaphore(%arg17 : memref<!tpu.dma_semaphore, #tpu.memory_space<semaphore_mem>>) src(%dma_wait3A_561 : memref<10240x128xf32, #tpu.memory_space<hbm>>) dst(%arg12 : memref<40x128xf32, #tpu.memory_space<vmem>>)
      %dma_start3A_562 = arith.constant 0 : i32
      %dma_start3A_563 = tpu.memref_slice %arg8[%select_n3A_539, %select_n3A_555, %dma_start3A_562] : memref<2x32x40xi32, #tpu.memory_space<vmem>> -> memref<1x1x40xi32, #tpu.memory_space<vmem>>
      %dma_start3A_564 = tpu.memref_squeeze %dma_start3A_563 : memref<1x1x40xi32, #tpu.memory_space<vmem>> -> memref<40xi32, #tpu.memory_space<vmem>>
      %dma_start3A_565 = arith.constant 0 : i32
      %dma_start3A_566 = arith.constant 0 : i32
      %dma_start3A_567 = tpu.memref_slice %arg13[%dma_start3A_565, %dma_start3A_566] : memref<5248x128xf32, #tpu.memory_space<vmem_shared>> -> memref<5248x128xf32, #tpu.memory_space<vmem_shared>>
      tpu.enqueue_indirect_dma source(%arg12 : memref<40x128xf32, #tpu.memory_space<vmem>>) target(%dma_start3A_567 : memref<5248x128xf32, #tpu.memory_space<vmem_shared>>) offsets(%dma_start3A_564 : memref<40xi32, #tpu.memory_space<vmem>>) semaphore(%arg21 : memref<!tpu.dma_semaphore, #tpu.memory_space<semaphore_mem>>) {add = true}
      %get3A_568 = arith.index_cast %select_n3A_539 : i32 to index
      %get3A_569 = arith.index_cast %select_n3A_555 : i32 to index
      %get3A_570 = arith.constant 0 : index
      %get3A_571 = tpu.vector_load %arg8[%get3A_568, %get3A_569, %get3A_570] {strides = array<i32>} : memref<2x32x40xi32, #tpu.memory_space<vmem>>, vector<16xi32>,
      tpu.vector_store_idx %arg24[%get3A_571], %broadcast_in_dim3A_127 {add = true} : memref<5248xf32, #tpu.memory_space<vmem>>[vector<16xi32>], vector<16xf32>,
      %get3A_572 = arith.index_cast %select_n3A_539 : i32 to index
      %get3A_573 = arith.index_cast %select_n3A_555 : i32 to index
      %get3A_574 = arith.constant 16 : index
      %get3A_575 = tpu.vector_load %arg8[%get3A_572, %get3A_573, %get3A_574] {strides = array<i32>} : memref<2x32x40xi32, #tpu.memory_space<vmem>>, vector<16xi32>,
      tpu.vector_store_idx %arg24[%get3A_575], %broadcast_in_dim3A_127 {add = true} : memref<5248xf32, #tpu.memory_space<vmem>>[vector<16xi32>], vector<16xf32>,
      %get3A_576 = arith.index_cast %select_n3A_539 : i32 to index
      %get3A_577 = arith.index_cast %select_n3A_555 : i32 to index
      %get3A_578 = arith.constant 24 : index
      %get3A_579 = tpu.vector_load %arg8[%get3A_576, %get3A_577, %get3A_578] {strides = array<i32>} : memref<2x32x40xi32, #tpu.memory_space<vmem>>, vector<16xi32>,
      tpu.vector_store_idx %arg24[%get3A_579], %broadcast_in_dim3A_127 masked %ge3A_129 {add = true} : memref<5248xf32, #tpu.memory_space<vmem>>[vector<16xi32>], vector<16xf32>, vector<16xi1>
      %add3A_580 = arith.constant 3 : i32
      %add3A_581 = arith.addi %add3A_499, %add3A_580 : i32
      %lt3A_582 = arith.constant 512 : i32
      %lt3A_583 = arith.cmpi slt, %add3A_581, %lt3A_582 : i32
      %convert_element_type3A_584 = arith.extui %lt3A_583 : i1 to i32
      %cond3A_585 = arith.constant 0 : i32
      %cond3A_586 = arith.cmpi ne, %convert_element_type3A_584, %cond3A_585 : i32
      scf.if %cond3A_586 {
        %ge3A_595 = arith.constant 4 : i32
        %ge3A_596 = arith.cmpi sge, %add3A_581, %ge3A_595 : i32
        %convert_element_type3A_597 = arith.extui %ge3A_596 : i1 to i32
        %cond3A_598 = arith.constant 0 : i32
        %cond3A_599 = arith.cmpi ne, %convert_element_type3A_597, %cond3A_598 : i32
        scf.if %cond3A_599 {
          %dma_wait3A_662 = arith.constant 0 : i32
          %dma_wait3A_663 = arith.constant 0 : i32
          %dma_wait3A_664 = arith.constant 0 : i32
          %dma_wait3A_665 = tpu.memref_slice %arg8[%dma_wait3A_662, %dma_wait3A_663, %dma_wait3A_664] : memref<2x32x40xi32, #tpu.memory_space<vmem>> -> memref<1x1x40xi32, #tpu.memory_space<vmem>>
          %dma_wait3A_666 = tpu.memref_squeeze %dma_wait3A_665 : memref<1x1x40xi32, #tpu.memory_space<vmem>> -> memref<40xi32, #tpu.memory_space<vmem>>
          %dma_wait3A_667 = arith.constant 0 : i32
          %dma_wait3A_668 = arith.constant 0 : i32
          %dma_wait3A_669 = tpu.memref_slice %arg13[%dma_wait3A_667, %dma_wait3A_668] : memref<5248x128xf32, #tpu.memory_space<vmem_shared>> -> memref<5248x128xf32, #tpu.memory_space<vmem_shared>>
          tpu.wait_indirect_dma semaphore(%arg20 : memref<!tpu.dma_semaphore, #tpu.memory_space<semaphore_mem>>) src(%arg11 : memref<40x128xf32, #tpu.memory_space<vmem>>) dst(%dma_wait3A_669 : memref<5248x128xf32, #tpu.memory_space<vmem_shared>>)
        } else {
        }
        %jit3A_600 = arith.constant 32 : i32
        %div3A_601 = arith.divsi %add3A_581, %jit3A_600 : i32
        %sign3A_602 = arith.constant 0 : i32
        %sign3A_603 = arith.cmpi sgt, %add3A_581, %sign3A_602 : i32
        %sign3A_604 = arith.extui %sign3A_603 : i1 to i32
        %sign3A_605 = arith.constant 0 : i32
        %sign3A_606 = arith.cmpi slt, %add3A_581, %sign3A_605 : i32
        %sign3A_607 = arith.extui %sign3A_606 : i1 to i32
        %sign3A_608 = arith.subi %sign3A_604, %sign3A_607 : i32
        %sign3A_609 = arith.constant 0 : i32
        %sign3A_610 = arith.cmpi sgt, %jit3A_600, %sign3A_609 : i32
        %sign3A_611 = arith.extui %sign3A_610 : i1 to i32
        %sign3A_612 = arith.constant 0 : i32
        %sign3A_613 = arith.cmpi slt, %jit3A_600, %sign3A_612 : i32
        %sign3A_614 = arith.extui %sign3A_613 : i1 to i32
        %sign3A_615 = arith.subi %sign3A_611, %sign3A_614 : i32
        %ne3A_616 = arith.cmpi ne, %sign3A_608, %sign3A_615 : i32
        %rem3A_617 = arith.remsi %add3A_581, %jit3A_600 : i32
        %ne3A_618 = arith.constant 0 : i32
        %ne3A_619 = arith.cmpi ne, %rem3A_617, %ne3A_618 : i32
        %and3A_620 = arith.andi %ne3A_616, %ne3A_619 : i1
        %sub3A_621 = arith.constant 1 : i32
        %sub3A_622 = arith.subi %div3A_601, %sub3A_621 : i32
        %select_n3A_623 = arith.select %and3A_620, %sub3A_622, %div3A_601 : i32
        %jit3A_624 = arith.constant 2 : i32
        %eq3A_625 = arith.constant 0 : i32
        %eq3A_626 = arith.cmpi eq, %jit3A_624, %eq3A_625 : i32
        %jit3A_627 = arith.constant 1 : i32
        %select_n3A_628 = arith.select %eq3A_626, %jit3A_627, %jit3A_624 : i32
        %rem3A_629 = arith.remsi %select_n3A_623, %select_n3A_628 : i32
        %ne3A_630 = arith.constant 0 : i32
        %ne3A_631 = arith.cmpi ne, %rem3A_629, %ne3A_630 : i32
        %lt3A_632 = arith.constant 0 : i32
        %lt3A_633 = arith.cmpi slt, %rem3A_629, %lt3A_632 : i32
        %lt3A_634 = arith.constant 0 : i32
        %lt3A_635 = arith.cmpi slt, %select_n3A_628, %lt3A_634 : i32
        %ne3A_636 = arith.xori %lt3A_633, %lt3A_635 : i1
        %and3A_637 = arith.andi %ne3A_636, %ne3A_631 : i1
        %add3A_638 = arith.addi %rem3A_629, %select_n3A_628 : i32
        %select_n3A_639 = arith.select %and3A_637, %add3A_638, %rem3A_629 : i32
        %jit3A_640 = arith.constant 32 : i32
        %eq3A_641 = arith.constant 0 : i32
        %eq3A_642 = arith.cmpi eq, %jit3A_640, %eq3A_641 : i32
        %jit3A_643 = arith.constant 1 : i32
        %select_n3A_644 = arith.select %eq3A_642, %jit3A_643, %jit3A_640 : i32
        %rem3A_645 = arith.remsi %add3A_581, %select_n3A_644 : i32
        %ne3A_646 = arith.constant 0 : i32
        %ne3A_647 = arith.cmpi ne, %rem3A_645, %ne3A_646 : i32
        %lt3A_648 = arith.constant 0 : i32
        %lt3A_649 = arith.cmpi slt, %rem3A_645, %lt3A_648 : i32
        %lt3A_650 = arith.constant 0 : i32
        %lt3A_651 = arith.cmpi slt, %select_n3A_644, %lt3A_650 : i32
        %ne3A_652 = arith.xori %lt3A_649, %lt3A_651 : i1
        %and3A_653 = arith.andi %ne3A_652, %ne3A_647 : i1
        %add3A_654 = arith.addi %rem3A_645, %select_n3A_644 : i32
        %select_n3A_655 = arith.select %and3A_653, %add3A_654, %rem3A_645 : i32
        %dma_start3A_656 = arith.constant 0 : i32
        %dma_start3A_657 = tpu.memref_slice %arg7[%select_n3A_639, %select_n3A_655, %dma_start3A_656] : memref<2x32x40xi32, #tpu.memory_space<vmem>> -> memref<1x1x40xi32, #tpu.memory_space<vmem>>
        %dma_start3A_658 = tpu.memref_squeeze %dma_start3A_657 : memref<1x1x40xi32, #tpu.memory_space<vmem>> -> memref<40xi32, #tpu.memory_space<vmem>>
        %dma_start3A_659 = arith.constant 0 : i32
        %dma_start3A_660 = arith.constant 0 : i32
        %dma_start3A_661 = tpu.memref_slice %arg2[%dma_start3A_659, %dma_start3A_660] : memref<10240x128xf32, #tpu.memory_space<hbm>> -> memref<10240x128xf32, #tpu.memory_space<hbm>>
        tpu.enqueue_indirect_dma source(%dma_start3A_661 : memref<10240x128xf32, #tpu.memory_space<hbm>>) target(%arg11 : memref<40x128xf32, #tpu.memory_space<vmem>>) offsets(%dma_start3A_658 : memref<40xi32, #tpu.memory_space<vmem>>) semaphore(%arg16 : memref<!tpu.dma_semaphore, #tpu.memory_space<semaphore_mem>>)
      } else {
      }
      %eq3A_587 = arith.constant 28 : i32
      %eq3A_588 = arith.cmpi eq, %select_n3A_204, %eq3A_587 : i32
      %lt3A_589 = arith.constant 14 : i32
      %lt3A_590 = arith.cmpi slt, %select_n3A_225, %lt3A_589 : i32
      %and3A_591 = arith.andi %eq3A_588, %lt3A_590 : i1
      %convert_element_type3A_592 = arith.extui %and3A_591 : i1 to i32
      %cond3A_593 = arith.constant 0 : i32
      %cond3A_594 = arith.cmpi ne, %convert_element_type3A_592, %cond3A_593 : i32
      scf.if %cond3A_594 {
        %jit3A_595 = arith.constant 2 : i32
        %eq3A_596 = arith.constant 0 : i32
        %eq3A_597 = arith.cmpi eq, %jit3A_595, %eq3A_596 : i32
        %jit3A_598 = arith.constant 1 : i32
        %select_n3A_599 = arith.select %eq3A_597, %jit3A_598, %jit3A_595 : i32
        %rem3A_600 = arith.remsi %select_n3A_225, %select_n3A_599 : i32
        %ne3A_601 = arith.constant 0 : i32
        %ne3A_602 = arith.cmpi ne, %rem3A_600, %ne3A_601 : i32
        %lt3A_603 = arith.constant 0 : i32
        %lt3A_604 = arith.cmpi slt, %rem3A_600, %lt3A_603 : i32
        %lt3A_605 = arith.constant 0 : i32
        %lt3A_606 = arith.cmpi slt, %select_n3A_599, %lt3A_605 : i32
        %ne3A_607 = arith.xori %lt3A_604, %lt3A_606 : i1
        %and3A_608 = arith.andi %ne3A_607, %ne3A_602 : i1
        %add3A_609 = arith.addi %rem3A_600, %select_n3A_599 : i32
        %select_n3A_610 = arith.select %and3A_608, %add3A_609, %rem3A_600 : i32
        %eq3A_611 = arith.constant 0 : i32
        %eq3A_612 = arith.cmpi eq, %select_n3A_610, %eq3A_611 : i32
        %convert_element_type3A_613 = arith.extui %eq3A_612 : i1 to i32
        %cond3A_614 = arith.constant 0 : i32
        %cond3A_615 = arith.cmpi ne, %convert_element_type3A_613, %cond3A_614 : i32
        scf.if %cond3A_615 {
          %add3A_616 = arith.constant 2 : i32
          %add3A_617 = arith.addi %select_n3A_225, %add3A_616 : i32
          %mul3A_618 = arith.constant 32 : i32
          %mul3A_619 = arith.muli %add3A_617, %mul3A_618 : i32
          %add3A_620 = arith.addi %mul3A_31, %mul3A_619 : i32
          %dma_start3A_621 = arith.constant 0 : i32
          %dma_start3A_622 = arith.constant 0 : i32
          %dma_start3A_623 = arith.constant 0 : i32
          %dma_start3A_624 = tpu.memref_slice %arg7[%dma_start3A_621, %dma_start3A_622, %dma_start3A_623] : memref<2x32x40xi32, #tpu.memory_space<vmem>> -> memref<1x32x40xi32, #tpu.memory_space<vmem>>
          %dma_start3A_625 = tpu.memref_squeeze %dma_start3A_624 : memref<1x32x40xi32, #tpu.memory_space<vmem>> -> memref<32x40xi32, #tpu.memory_space<vmem>>
          %dma_start3A_626 = arith.constant 0 : i32
          %dma_start3A_627 = tpu.memref_slice %arg3[%add3A_620, %dma_start3A_626] : memref<8192x40xi32, #tpu.memory_space<hbm>> -> memref<32x40xi32, #tpu.memory_space<hbm>>
          %dma_start3A_628 = arith.constant 0 : i32
          %dma_start3A_629 = arith.constant 0 : i32
          %dma_start3A_630 = tpu.memref_slice %arg7[%dma_start3A_621, %dma_start3A_628, %dma_start3A_629] : memref<2x32x40xi32, #tpu.memory_space<vmem>> -> memref<1x32x40xi32, #tpu.memory_space<vmem>>
          %dma_start3A_631 = tpu.memref_squeeze %dma_start3A_630 : memref<1x32x40xi32, #tpu.memory_space<vmem>> -> memref<32x40xi32, #tpu.memory_space<vmem>>
          %dma_start3A_632 = arith.constant 0 : i32
          %dma_start3A_633 = tpu.memref_slice %arg3[%add3A_620, %dma_start3A_632] : memref<8192x40xi32, #tpu.memory_space<hbm>> -> memref<32x40xi32, #tpu.memory_space<hbm>>
          tpu.enqueue_dma source(%dma_start3A_633 : memref<32x40xi32, #tpu.memory_space<hbm>>) target(%dma_start3A_631 : memref<32x40xi32, #tpu.memory_space<vmem>>) target_semaphore(%arg22 : memref<!tpu.dma_semaphore, #tpu.memory_space<semaphore_mem>>)
          %mul3A_634 = arith.constant 32 : i32
          %mul3A_635 = arith.muli %add3A_617, %mul3A_634 : i32
          %add3A_636 = arith.addi %mul3A_31, %mul3A_635 : i32
          %dma_start3A_637 = arith.constant 0 : i32
          %dma_start3A_638 = arith.constant 0 : i32
          %dma_start3A_639 = arith.constant 0 : i32
          %dma_start3A_640 = tpu.memref_slice %arg8[%dma_start3A_637, %dma_start3A_638, %dma_start3A_639] : memref<2x32x40xi32, #tpu.memory_space<vmem>> -> memref<1x32x40xi32, #tpu.memory_space<vmem>>
          %dma_start3A_641 = tpu.memref_squeeze %dma_start3A_640 : memref<1x32x40xi32, #tpu.memory_space<vmem>> -> memref<32x40xi32, #tpu.memory_space<vmem>>
          %dma_start3A_642 = arith.constant 0 : i32
          %dma_start3A_643 = tpu.memref_slice %arg4[%arg0, %add3A_636, %dma_start3A_642] : memref<2x8192x40xi32, #tpu.memory_space<hbm>> -> memref<1x32x40xi32, #tpu.memory_space<hbm>>
          %dma_start3A_644 = tpu.memref_squeeze %dma_start3A_643 : memref<1x32x40xi32, #tpu.memory_space<hbm>> -> memref<32x40xi32, #tpu.memory_space<hbm>>
          %dma_start3A_645 = arith.constant 0 : i32
          %dma_start3A_646 = arith.constant 0 : i32
          %dma_start3A_647 = tpu.memref_slice %arg8[%dma_start3A_637, %dma_start3A_645, %dma_start3A_646] : memref<2x32x40xi32, #tpu.memory_space<vmem>> -> memref<1x32x40xi32, #tpu.memory_space<vmem>>
          %dma_start3A_648 = tpu.memref_squeeze %dma_start3A_647 : memref<1x32x40xi32, #tpu.memory_space<vmem>> -> memref<32x40xi32, #tpu.memory_space<vmem>>
          %dma_start3A_649 = arith.constant 0 : i32
          %dma_start3A_650 = tpu.memref_slice %arg4[%arg0, %add3A_636, %dma_start3A_649] : memref<2x8192x40xi32, #tpu.memory_space<hbm>> -> memref<1x32x40xi32, #tpu.memory_space<hbm>>
          %dma_start3A_651 = tpu.memref_squeeze %dma_start3A_650 : memref<1x32x40xi32, #tpu.memory_space<hbm>> -> memref<32x40xi32, #tpu.memory_space<hbm>>
          tpu.enqueue_dma source(%dma_start3A_651 : memref<32x40xi32, #tpu.memory_space<hbm>>) target(%dma_start3A_648 : memref<32x40xi32, #tpu.memory_space<vmem>>) target_semaphore(%arg22 : memref<!tpu.dma_semaphore, #tpu.memory_space<semaphore_mem>>)
        } else {
          %add3A_616 = arith.constant 2 : i32
          %add3A_617 = arith.addi %select_n3A_225, %add3A_616 : i32
          %mul3A_618 = arith.constant 32 : i32
          %mul3A_619 = arith.muli %add3A_617, %mul3A_618 : i32
          %add3A_620 = arith.addi %mul3A_31, %mul3A_619 : i32
          %dma_start3A_621 = arith.constant 1 : i32
          %dma_start3A_622 = arith.constant 0 : i32
          %dma_start3A_623 = arith.constant 0 : i32
          %dma_start3A_624 = tpu.memref_slice %arg7[%dma_start3A_621, %dma_start3A_622, %dma_start3A_623] : memref<2x32x40xi32, #tpu.memory_space<vmem>> -> memref<1x32x40xi32, #tpu.memory_space<vmem>>
          %dma_start3A_625 = tpu.memref_squeeze %dma_start3A_624 : memref<1x32x40xi32, #tpu.memory_space<vmem>> -> memref<32x40xi32, #tpu.memory_space<vmem>>
          %dma_start3A_626 = arith.constant 0 : i32
          %dma_start3A_627 = tpu.memref_slice %arg3[%add3A_620, %dma_start3A_626] : memref<8192x40xi32, #tpu.memory_space<hbm>> -> memref<32x40xi32, #tpu.memory_space<hbm>>
          %dma_start3A_628 = arith.constant 0 : i32
          %dma_start3A_629 = arith.constant 0 : i32
          %dma_start3A_630 = tpu.memref_slice %arg7[%dma_start3A_621, %dma_start3A_628, %dma_start3A_629] : memref<2x32x40xi32, #tpu.memory_space<vmem>> -> memref<1x32x40xi32, #tpu.memory_space<vmem>>
          %dma_start3A_631 = tpu.memref_squeeze %dma_start3A_630 : memref<1x32x40xi32, #tpu.memory_space<vmem>> -> memref<32x40xi32, #tpu.memory_space<vmem>>
          %dma_start3A_632 = arith.constant 0 : i32
          %dma_start3A_633 = tpu.memref_slice %arg3[%add3A_620, %dma_start3A_632] : memref<8192x40xi32, #tpu.memory_space<hbm>> -> memref<32x40xi32, #tpu.memory_space<hbm>>
          tpu.enqueue_dma source(%dma_start3A_633 : memref<32x40xi32, #tpu.memory_space<hbm>>) target(%dma_start3A_631 : memref<32x40xi32, #tpu.memory_space<vmem>>) target_semaphore(%arg23 : memref<!tpu.dma_semaphore, #tpu.memory_space<semaphore_mem>>)
          %mul3A_634 = arith.constant 32 : i32
          %mul3A_635 = arith.muli %add3A_617, %mul3A_634 : i32
          %add3A_636 = arith.addi %mul3A_31, %mul3A_635 : i32
          %dma_start3A_637 = arith.constant 1 : i32
          %dma_start3A_638 = arith.constant 0 : i32
          %dma_start3A_639 = arith.constant 0 : i32
          %dma_start3A_640 = tpu.memref_slice %arg8[%dma_start3A_637, %dma_start3A_638, %dma_start3A_639] : memref<2x32x40xi32, #tpu.memory_space<vmem>> -> memref<1x32x40xi32, #tpu.memory_space<vmem>>
          %dma_start3A_641 = tpu.memref_squeeze %dma_start3A_640 : memref<1x32x40xi32, #tpu.memory_space<vmem>> -> memref<32x40xi32, #tpu.memory_space<vmem>>
          %dma_start3A_642 = arith.constant 0 : i32
          %dma_start3A_643 = tpu.memref_slice %arg4[%arg0, %add3A_636, %dma_start3A_642] : memref<2x8192x40xi32, #tpu.memory_space<hbm>> -> memref<1x32x40xi32, #tpu.memory_space<hbm>>
          %dma_start3A_644 = tpu.memref_squeeze %dma_start3A_643 : memref<1x32x40xi32, #tpu.memory_space<hbm>> -> memref<32x40xi32, #tpu.memory_space<hbm>>
          %dma_start3A_645 = arith.constant 0 : i32
          %dma_start3A_646 = arith.constant 0 : i32
          %dma_start3A_647 = tpu.memref_slice %arg8[%dma_start3A_637, %dma_start3A_645, %dma_start3A_646] : memref<2x32x40xi32, #tpu.memory_space<vmem>> -> memref<1x32x40xi32, #tpu.memory_space<vmem>>
          %dma_start3A_648 = tpu.memref_squeeze %dma_start3A_647 : memref<1x32x40xi32, #tpu.memory_space<vmem>> -> memref<32x40xi32, #tpu.memory_space<vmem>>
          %dma_start3A_649 = arith.constant 0 : i32
          %dma_start3A_650 = tpu.memref_slice %arg4[%arg0, %add3A_636, %dma_start3A_649] : memref<2x8192x40xi32, #tpu.memory_space<hbm>> -> memref<1x32x40xi32, #tpu.memory_space<hbm>>
          %dma_start3A_651 = tpu.memref_squeeze %dma_start3A_650 : memref<1x32x40xi32, #tpu.memory_space<hbm>> -> memref<32x40xi32, #tpu.memory_space<hbm>>
          tpu.enqueue_dma source(%dma_start3A_651 : memref<32x40xi32, #tpu.memory_space<hbm>>) target(%dma_start3A_648 : memref<32x40xi32, #tpu.memory_space<vmem>>) target_semaphore(%arg23 : memref<!tpu.dma_semaphore, #tpu.memory_space<semaphore_mem>>)
        }
      } else {
      }
    }
    %scan3A_159 = arith.constant 128 : i32
    %dma_wait3A_160 = arith.constant 0 : i32
    %dma_wait3A_161 = arith.constant 0 : i32
    %dma_wait3A_162 = arith.constant 0 : i32
    %dma_wait3A_163 = tpu.memref_slice %arg8[%dma_wait3A_160, %dma_wait3A_161, %dma_wait3A_162] : memref<2x32x40xi32, #tpu.memory_space<vmem>> -> memref<1x1x40xi32, #tpu.memory_space<vmem>>
    %dma_wait3A_164 = tpu.memref_squeeze %dma_wait3A_163 : memref<1x1x40xi32, #tpu.memory_space<vmem>> -> memref<40xi32, #tpu.memory_space<vmem>>
    %dma_wait3A_165 = arith.constant 0 : i32
    %dma_wait3A_166 = arith.constant 0 : i32
    %dma_wait3A_167 = tpu.memref_slice %arg13[%dma_wait3A_165, %dma_wait3A_166] : memref<5248x128xf32, #tpu.memory_space<vmem_shared>> -> memref<5248x128xf32, #tpu.memory_space<vmem_shared>>
    tpu.wait_indirect_dma semaphore(%arg18 : memref<!tpu.dma_semaphore, #tpu.memory_space<semaphore_mem>>) src(%arg9 : memref<40x128xf32, #tpu.memory_space<vmem>>) dst(%dma_wait3A_167 : memref<5248x128xf32, #tpu.memory_space<vmem_shared>>)
    %dma_wait3A_168 = arith.constant 0 : i32
    %dma_wait3A_169 = arith.constant 0 : i32
    %dma_wait3A_170 = arith.constant 0 : i32
    %dma_wait3A_171 = tpu.memref_slice %arg8[%dma_wait3A_168, %dma_wait3A_169, %dma_wait3A_170] : memref<2x32x40xi32, #tpu.memory_space<vmem>> -> memref<1x1x40xi32, #tpu.memory_space<vmem>>
    %dma_wait3A_172 = tpu.memref_squeeze %dma_wait3A_171 : memref<1x1x40xi32, #tpu.memory_space<vmem>> -> memref<40xi32, #tpu.memory_space<vmem>>
    %dma_wait3A_173 = arith.constant 0 : i32
    %dma_wait3A_174 = arith.constant 0 : i32
    %dma_wait3A_175 = tpu.memref_slice %arg13[%dma_wait3A_173, %dma_wait3A_174] : memref<5248x128xf32, #tpu.memory_space<vmem_shared>> -> memref<5248x128xf32, #tpu.memory_space<vmem_shared>>
    tpu.wait_indirect_dma semaphore(%arg19 : memref<!tpu.dma_semaphore, #tpu.memory_space<semaphore_mem>>) src(%arg10 : memref<40x128xf32, #tpu.memory_space<vmem>>) dst(%dma_wait3A_175 : memref<5248x128xf32, #tpu.memory_space<vmem_shared>>)
    %dma_wait3A_176 = arith.constant 0 : i32
    %dma_wait3A_177 = arith.constant 0 : i32
    %dma_wait3A_178 = arith.constant 0 : i32
    %dma_wait3A_179 = tpu.memref_slice %arg8[%dma_wait3A_176, %dma_wait3A_177, %dma_wait3A_178] : memref<2x32x40xi32, #tpu.memory_space<vmem>> -> memref<1x1x40xi32, #tpu.memory_space<vmem>>
    %dma_wait3A_180 = tpu.memref_squeeze %dma_wait3A_179 : memref<1x1x40xi32, #tpu.memory_space<vmem>> -> memref<40xi32, #tpu.memory_space<vmem>>
    %dma_wait3A_181 = arith.constant 0 : i32
    %dma_wait3A_182 = arith.constant 0 : i32
    %dma_wait3A_183 = tpu.memref_slice %arg13[%dma_wait3A_181, %dma_wait3A_182] : memref<5248x128xf32, #tpu.memory_space<vmem_shared>> -> memref<5248x128xf32, #tpu.memory_space<vmem_shared>>
    tpu.wait_indirect_dma semaphore(%arg20 : memref<!tpu.dma_semaphore, #tpu.memory_space<semaphore_mem>>) src(%arg11 : memref<40x128xf32, #tpu.memory_space<vmem>>) dst(%dma_wait3A_183 : memref<5248x128xf32, #tpu.memory_space<vmem_shared>>)
    %dma_wait3A_184 = arith.constant 0 : i32
    %dma_wait3A_185 = arith.constant 0 : i32
    %dma_wait3A_186 = arith.constant 0 : i32
    %dma_wait3A_187 = tpu.memref_slice %arg8[%dma_wait3A_184, %dma_wait3A_185, %dma_wait3A_186] : memref<2x32x40xi32, #tpu.memory_space<vmem>> -> memref<1x1x40xi32, #tpu.memory_space<vmem>>
    %dma_wait3A_188 = tpu.memref_squeeze %dma_wait3A_187 : memref<1x1x40xi32, #tpu.memory_space<vmem>> -> memref<40xi32, #tpu.memory_space<vmem>>
    %dma_wait3A_189 = arith.constant 0 : i32
    %dma_wait3A_190 = arith.constant 0 : i32
    %dma_wait3A_191 = tpu.memref_slice %arg13[%dma_wait3A_189, %dma_wait3A_190] : memref<5248x128xf32, #tpu.memory_space<vmem_shared>> -> memref<5248x128xf32, #tpu.memory_space<vmem_shared>>
    tpu.wait_indirect_dma semaphore(%arg21 : memref<!tpu.dma_semaphore, #tpu.memory_space<semaphore_mem>>) src(%arg12 : memref<40x128xf32, #tpu.memory_space<vmem>>) dst(%dma_wait3A_191 : memref<5248x128xf32, #tpu.memory_space<vmem_shared>>)
    %barrier3A_192 = arith.constant 0 : index
    tpu.barrier barrier_id(%barrier3A_192)
    "tpu.region"() ({
      %run_scoped3A = tpu.sem_alloc : memref<!tpu.dma_semaphore, #tpu.memory_space<semaphore_mem>>
      %dma_start3A_193 = arith.constant 0 : i32
      %dma_start3A_194 = tpu.memref_slice %arg5[%arg0, %mul3A_6, %dma_start3A_193] : memref<2x5248x128xf32, #tpu.memory_space<hbm>> -> memref<1x328x128xf32, #tpu.memory_space<hbm>>
      %dma_start3A_195 = tpu.memref_squeeze %dma_start3A_194 : memref<1x328x128xf32, #tpu.memory_space<hbm>> -> memref<328x128xf32, #tpu.memory_space<hbm>>
      %dma_start3A_196 = arith.constant 0 : i32
      %dma_start3A_197 = tpu.memref_slice %arg13[%mul3A_6, %dma_start3A_196] : memref<5248x128xf32, #tpu.memory_space<vmem_shared>> -> memref<328x128xf32, #tpu.memory_space<vmem_shared>>
      tpu.enqueue_dma source(%dma_start3A_197 : memref<328x128xf32, #tpu.memory_space<vmem_shared>>) target(%dma_start3A_195 : memref<328x128xf32, #tpu.memory_space<hbm>>) target_semaphore(%run_scoped3A : memref<!tpu.dma_semaphore, #tpu.memory_space<semaphore_mem>>)
      %dma_wait3A_198 = arith.constant 0 : i32
      %dma_wait3A_199 = tpu.memref_slice %arg5[%arg0, %mul3A_6, %dma_wait3A_198] : memref<2x5248x128xf32, #tpu.memory_space<hbm>> -> memref<1x328x128xf32, #tpu.memory_space<hbm>>
      %dma_wait3A_200 = tpu.memref_squeeze %dma_wait3A_199 : memref<1x328x128xf32, #tpu.memory_space<hbm>> -> memref<328x128xf32, #tpu.memory_space<hbm>>
      %dma_wait3A_201 = arith.constant 0 : i32
      %dma_wait3A_202 = tpu.memref_slice %arg13[%mul3A_6, %dma_wait3A_201] : memref<5248x128xf32, #tpu.memory_space<vmem_shared>> -> memref<328x128xf32, #tpu.memory_space<vmem_shared>>
      tpu.wait_dma2 semaphore(%run_scoped3A : memref<!tpu.dma_semaphore, #tpu.memory_space<semaphore_mem>>) src(%dma_wait3A_202 : memref<328x128xf32, #tpu.memory_space<vmem_shared>>) dst(%dma_wait3A_200 : memref<328x128xf32, #tpu.memory_space<hbm>>)
      tpu.yield
    }) : () -> ()
    "tpu.region"() ({
      %run_scoped3A = tpu.sem_alloc : memref<!tpu.dma_semaphore, #tpu.memory_space<semaphore_mem>>
      %dma_start3A_193 = arith.constant 0 : i32
      %dma_start3A_194 = tpu.memref_slice %arg6[%arg0, %arg1, %dma_start3A_193] : memref<2x16x5248xf32, #tpu.memory_space<hbm>> -> memref<1x1x5248xf32, #tpu.memory_space<hbm>>
      %dma_start3A_195 = tpu.memref_squeeze %dma_start3A_194 : memref<1x1x5248xf32, #tpu.memory_space<hbm>> -> memref<5248xf32, #tpu.memory_space<hbm>>
      %dma_start3A_196 = arith.constant 0 : i32
      %dma_start3A_197 = tpu.memref_slice %arg6[%arg0, %arg1, %dma_start3A_196] : memref<2x16x5248xf32, #tpu.memory_space<hbm>> -> memref<1x1x5248xf32, #tpu.memory_space<hbm>>
      %dma_start3A_198 = tpu.memref_squeeze %dma_start3A_197 : memref<1x1x5248xf32, #tpu.memory_space<hbm>> -> memref<5248xf32, #tpu.memory_space<hbm>>
      tpu.enqueue_dma source(%arg24 : memref<5248xf32, #tpu.memory_space<vmem>>) target(%dma_start3A_198 : memref<5248xf32, #tpu.memory_space<hbm>>) target_semaphore(%run_scoped3A : memref<!tpu.dma_semaphore, #tpu.memory_space<semaphore_mem>>)
      %dma_wait3A_199 = arith.constant 0 : i32
      %dma_wait3A_200 = tpu.memref_slice %arg6[%arg0, %arg1, %dma_wait3A_199] : memref<2x16x5248xf32, #tpu.memory_space<hbm>> -> memref<1x1x5248xf32, #tpu.memory_space<hbm>>
      %dma_wait3A_201 = tpu.memref_squeeze %dma_wait3A_200 : memref<1x1x5248xf32, #tpu.memory_space<hbm>> -> memref<5248xf32, #tpu.memory_space<hbm>>
      %dma_wait3A_202 = arith.constant 0 : i32
      %dma_wait3A_203 = tpu.memref_slice %arg6[%arg0, %arg1, %dma_wait3A_202] : memref<2x16x5248xf32, #tpu.memory_space<hbm>> -> memref<1x1x5248xf32, #tpu.memory_space<hbm>>
      %dma_wait3A_204 = tpu.memref_squeeze %dma_wait3A_203 : memref<1x1x5248xf32, #tpu.memory_space<hbm>> -> memref<5248xf32, #tpu.memory_space<hbm>>
      tpu.wait_dma2 semaphore(%run_scoped3A : memref<!tpu.dma_semaphore, #tpu.memory_space<semaphore_mem>>) src(%arg24 : memref<5248xf32, #tpu.memory_space<vmem>>) dst(%dma_wait3A_204 : memref<5248xf32, #tpu.memory_space<hbm>>)
      tpu.yield
    }) : () -> ()
    return
  }
}

#map = affine_map<(d0, d1) -> (0, 0)>
#map1 = affine_map<(d0, d1) -> (0, 0, 0)>
module attributes {stable_mosaic.version = 14 : i64} {
  func.func @sc_agg(%arg0: i32, %arg1: i32, %arg2: memref<10240x128xf32, #tpu.memory_space<hbm>>, %arg3: memref<8192x40xi32, #tpu.memory_space<hbm>>, %arg4: memref<2x8192x40xi32, #tpu.memory_space<hbm>>, %arg5: memref<2x5248x128xf32, #tpu.memory_space<hbm>>, %arg6: memref<2x32x40xi32, #tpu.memory_space<vmem>>, %arg7: memref<2x32x40xi32, #tpu.memory_space<vmem>>, %arg8: memref<40x128xf32, #tpu.memory_space<vmem>>, %arg9: memref<40x128xf32, #tpu.memory_space<vmem>>, %arg10: memref<40x128xf32, #tpu.memory_space<vmem>>, %arg11: memref<40x128xf32, #tpu.memory_space<vmem>>, %arg12: memref<5248x128xf32, #tpu.memory_space<vmem_shared>>, %arg13: memref<!tpu.dma_semaphore, #tpu.memory_space<semaphore_mem>>, %arg14: memref<!tpu.dma_semaphore, #tpu.memory_space<semaphore_mem>>, %arg15: memref<!tpu.dma_semaphore, #tpu.memory_space<semaphore_mem>>, %arg16: memref<!tpu.dma_semaphore, #tpu.memory_space<semaphore_mem>>, %arg17: memref<!tpu.dma_semaphore, #tpu.memory_space<semaphore_mem>>, %arg18: memref<!tpu.dma_semaphore, #tpu.memory_space<semaphore_mem>>, %arg19: memref<!tpu.dma_semaphore, #tpu.memory_space<semaphore_mem>>, %arg20: memref<!tpu.dma_semaphore, #tpu.memory_space<semaphore_mem>>, %arg21: memref<!tpu.dma_semaphore, #tpu.memory_space<semaphore_mem>>, %arg22: memref<!tpu.dma_semaphore, #tpu.memory_space<semaphore_mem>>) attributes {dimension_semantics = [#tpu.dimension_semantics<core_parallel>, #tpu.dimension_semantics<subcore_parallel>], iteration_bounds = array<i64: 2, 16>, scalar_prefetch = 0 : i64, scratch_operands = 17 : i64, tpu.core_type = #tpu.core_type<sc_vector_subcore>, window_params = [{transform_indices = #map}, {transform_indices = #map}, {transform_indices = #map1}, {transform_indices = #map1}]} {
    %broadcast_in_dim3A = arith.constant 0.000000e+00 : f32
    %broadcast_in_dim3A_0 = vector.broadcast %broadcast_in_dim3A : f32 to vector<16xf32>
    %scan3A = arith.constant 0 : i32
    %scan3A_1 = arith.constant 0 : i32
    %scan3A_2 = arith.constant 40 : i32
    %scan3A_3 = arith.addi %scan3A_1, %scan3A_2 : i32
    %scan3A_4 = arith.constant 1 : i32
    scf.for %scan3A_187 = %scan3A_1 to %scan3A_3 step %scan3A_4  : i32 {
      %swap3A = arith.index_cast %scan3A_187 : i32 to index
      %swap3A_188 = arith.constant 0 : index
      %swap3A_189 = tpu.vector_load %arg8[%swap3A, %swap3A_188] {strides = array<i32>} : memref<40x128xf32, #tpu.memory_space<vmem>>, vector<16xf32>,
      tpu.vector_store %arg8[%swap3A, %swap3A_188], %broadcast_in_dim3A_0 {strides = array<i32>} : memref<40x128xf32, #tpu.memory_space<vmem>>, vector<16xf32>,
      %swap3A_190 = arith.index_cast %scan3A_187 : i32 to index
      %swap3A_191 = arith.constant 16 : index
      %swap3A_192 = tpu.vector_load %arg8[%swap3A_190, %swap3A_191] {strides = array<i32>} : memref<40x128xf32, #tpu.memory_space<vmem>>, vector<16xf32>,
      tpu.vector_store %arg8[%swap3A_190, %swap3A_191], %broadcast_in_dim3A_0 {strides = array<i32>} : memref<40x128xf32, #tpu.memory_space<vmem>>, vector<16xf32>,
      %swap3A_193 = arith.index_cast %scan3A_187 : i32 to index
      %swap3A_194 = arith.constant 32 : index
      %swap3A_195 = tpu.vector_load %arg8[%swap3A_193, %swap3A_194] {strides = array<i32>} : memref<40x128xf32, #tpu.memory_space<vmem>>, vector<16xf32>,
      tpu.vector_store %arg8[%swap3A_193, %swap3A_194], %broadcast_in_dim3A_0 {strides = array<i32>} : memref<40x128xf32, #tpu.memory_space<vmem>>, vector<16xf32>,
      %swap3A_196 = arith.index_cast %scan3A_187 : i32 to index
      %swap3A_197 = arith.constant 48 : index
      %swap3A_198 = tpu.vector_load %arg8[%swap3A_196, %swap3A_197] {strides = array<i32>} : memref<40x128xf32, #tpu.memory_space<vmem>>, vector<16xf32>,
      tpu.vector_store %arg8[%swap3A_196, %swap3A_197], %broadcast_in_dim3A_0 {strides = array<i32>} : memref<40x128xf32, #tpu.memory_space<vmem>>, vector<16xf32>,
      %swap3A_199 = arith.index_cast %scan3A_187 : i32 to index
      %swap3A_200 = arith.constant 64 : index
      %swap3A_201 = tpu.vector_load %arg8[%swap3A_199, %swap3A_200] {strides = array<i32>} : memref<40x128xf32, #tpu.memory_space<vmem>>, vector<16xf32>,
      tpu.vector_store %arg8[%swap3A_199, %swap3A_200], %broadcast_in_dim3A_0 {strides = array<i32>} : memref<40x128xf32, #tpu.memory_space<vmem>>, vector<16xf32>,
      %swap3A_202 = arith.index_cast %scan3A_187 : i32 to index
      %swap3A_203 = arith.constant 80 : index
      %swap3A_204 = tpu.vector_load %arg8[%swap3A_202, %swap3A_203] {strides = array<i32>} : memref<40x128xf32, #tpu.memory_space<vmem>>, vector<16xf32>,
      tpu.vector_store %arg8[%swap3A_202, %swap3A_203], %broadcast_in_dim3A_0 {strides = array<i32>} : memref<40x128xf32, #tpu.memory_space<vmem>>, vector<16xf32>,
      %swap3A_205 = arith.index_cast %scan3A_187 : i32 to index
      %swap3A_206 = arith.constant 96 : index
      %swap3A_207 = tpu.vector_load %arg8[%swap3A_205, %swap3A_206] {strides = array<i32>} : memref<40x128xf32, #tpu.memory_space<vmem>>, vector<16xf32>,
      tpu.vector_store %arg8[%swap3A_205, %swap3A_206], %broadcast_in_dim3A_0 {strides = array<i32>} : memref<40x128xf32, #tpu.memory_space<vmem>>, vector<16xf32>,
      %swap3A_208 = arith.index_cast %scan3A_187 : i32 to index
      %swap3A_209 = arith.constant 112 : index
      %swap3A_210 = tpu.vector_load %arg8[%swap3A_208, %swap3A_209] {strides = array<i32>} : memref<40x128xf32, #tpu.memory_space<vmem>>, vector<16xf32>,
      tpu.vector_store %arg8[%swap3A_208, %swap3A_209], %broadcast_in_dim3A_0 {strides = array<i32>} : memref<40x128xf32, #tpu.memory_space<vmem>>, vector<16xf32>,
    }
    %scan3A_5 = arith.constant 40 : i32
    %mul3A = arith.constant 328 : i32
    %mul3A_6 = arith.muli %arg1, %mul3A : i32
    %add3A = arith.constant 0 : i32
    %add3A_7 = arith.addi %mul3A_6, %add3A : i32
    "tpu.region"() ({
      %run_scoped3A = tpu.sem_alloc : memref<!tpu.dma_semaphore, #tpu.memory_space<semaphore_mem>>
      %dma_start3A_187 = arith.constant 0 : i32
      %dma_start3A_188 = tpu.memref_slice %arg12[%add3A_7, %dma_start3A_187] : memref<5248x128xf32, #tpu.memory_space<vmem_shared>> -> memref<40x128xf32, #tpu.memory_space<vmem_shared>>
      %dma_start3A_189 = arith.constant 0 : i32
      %dma_start3A_190 = tpu.memref_slice %arg12[%add3A_7, %dma_start3A_189] : memref<5248x128xf32, #tpu.memory_space<vmem_shared>> -> memref<40x128xf32, #tpu.memory_space<vmem_shared>>
      tpu.enqueue_dma source(%arg8 : memref<40x128xf32, #tpu.memory_space<vmem>>) target(%dma_start3A_190 : memref<40x128xf32, #tpu.memory_space<vmem_shared>>) target_semaphore(%run_scoped3A : memref<!tpu.dma_semaphore, #tpu.memory_space<semaphore_mem>>)
      %dma_wait3A_191 = arith.constant 0 : i32
      %dma_wait3A_192 = tpu.memref_slice %arg12[%add3A_7, %dma_wait3A_191] : memref<5248x128xf32, #tpu.memory_space<vmem_shared>> -> memref<40x128xf32, #tpu.memory_space<vmem_shared>>
      %dma_wait3A_193 = arith.constant 0 : i32
      %dma_wait3A_194 = tpu.memref_slice %arg12[%add3A_7, %dma_wait3A_193] : memref<5248x128xf32, #tpu.memory_space<vmem_shared>> -> memref<40x128xf32, #tpu.memory_space<vmem_shared>>
      tpu.wait_dma2 semaphore(%run_scoped3A : memref<!tpu.dma_semaphore, #tpu.memory_space<semaphore_mem>>) src(%arg8 : memref<40x128xf32, #tpu.memory_space<vmem>>) dst(%dma_wait3A_194 : memref<40x128xf32, #tpu.memory_space<vmem_shared>>)
      tpu.yield
    }) : () -> ()
    %add3A_8 = arith.constant 40 : i32
    %add3A_9 = arith.addi %mul3A_6, %add3A_8 : i32
    "tpu.region"() ({
      %run_scoped3A = tpu.sem_alloc : memref<!tpu.dma_semaphore, #tpu.memory_space<semaphore_mem>>
      %dma_start3A_187 = arith.constant 0 : i32
      %dma_start3A_188 = tpu.memref_slice %arg12[%add3A_9, %dma_start3A_187] : memref<5248x128xf32, #tpu.memory_space<vmem_shared>> -> memref<40x128xf32, #tpu.memory_space<vmem_shared>>
      %dma_start3A_189 = arith.constant 0 : i32
      %dma_start3A_190 = tpu.memref_slice %arg12[%add3A_9, %dma_start3A_189] : memref<5248x128xf32, #tpu.memory_space<vmem_shared>> -> memref<40x128xf32, #tpu.memory_space<vmem_shared>>
      tpu.enqueue_dma source(%arg8 : memref<40x128xf32, #tpu.memory_space<vmem>>) target(%dma_start3A_190 : memref<40x128xf32, #tpu.memory_space<vmem_shared>>) target_semaphore(%run_scoped3A : memref<!tpu.dma_semaphore, #tpu.memory_space<semaphore_mem>>)
      %dma_wait3A_191 = arith.constant 0 : i32
      %dma_wait3A_192 = tpu.memref_slice %arg12[%add3A_9, %dma_wait3A_191] : memref<5248x128xf32, #tpu.memory_space<vmem_shared>> -> memref<40x128xf32, #tpu.memory_space<vmem_shared>>
      %dma_wait3A_193 = arith.constant 0 : i32
      %dma_wait3A_194 = tpu.memref_slice %arg12[%add3A_9, %dma_wait3A_193] : memref<5248x128xf32, #tpu.memory_space<vmem_shared>> -> memref<40x128xf32, #tpu.memory_space<vmem_shared>>
      tpu.wait_dma2 semaphore(%run_scoped3A : memref<!tpu.dma_semaphore, #tpu.memory_space<semaphore_mem>>) src(%arg8 : memref<40x128xf32, #tpu.memory_space<vmem>>) dst(%dma_wait3A_194 : memref<40x128xf32, #tpu.memory_space<vmem_shared>>)
      tpu.yield
    }) : () -> ()
    %add3A_10 = arith.constant 80 : i32
    %add3A_11 = arith.addi %mul3A_6, %add3A_10 : i32
    "tpu.region"() ({
      %run_scoped3A = tpu.sem_alloc : memref<!tpu.dma_semaphore, #tpu.memory_space<semaphore_mem>>
      %dma_start3A_187 = arith.constant 0 : i32
      %dma_start3A_188 = tpu.memref_slice %arg12[%add3A_11, %dma_start3A_187] : memref<5248x128xf32, #tpu.memory_space<vmem_shared>> -> memref<40x128xf32, #tpu.memory_space<vmem_shared>>
      %dma_start3A_189 = arith.constant 0 : i32
      %dma_start3A_190 = tpu.memref_slice %arg12[%add3A_11, %dma_start3A_189] : memref<5248x128xf32, #tpu.memory_space<vmem_shared>> -> memref<40x128xf32, #tpu.memory_space<vmem_shared>>
      tpu.enqueue_dma source(%arg8 : memref<40x128xf32, #tpu.memory_space<vmem>>) target(%dma_start3A_190 : memref<40x128xf32, #tpu.memory_space<vmem_shared>>) target_semaphore(%run_scoped3A : memref<!tpu.dma_semaphore, #tpu.memory_space<semaphore_mem>>)
      %dma_wait3A_191 = arith.constant 0 : i32
      %dma_wait3A_192 = tpu.memref_slice %arg12[%add3A_11, %dma_wait3A_191] : memref<5248x128xf32, #tpu.memory_space<vmem_shared>> -> memref<40x128xf32, #tpu.memory_space<vmem_shared>>
      %dma_wait3A_193 = arith.constant 0 : i32
      %dma_wait3A_194 = tpu.memref_slice %arg12[%add3A_11, %dma_wait3A_193] : memref<5248x128xf32, #tpu.memory_space<vmem_shared>> -> memref<40x128xf32, #tpu.memory_space<vmem_shared>>
      tpu.wait_dma2 semaphore(%run_scoped3A : memref<!tpu.dma_semaphore, #tpu.memory_space<semaphore_mem>>) src(%arg8 : memref<40x128xf32, #tpu.memory_space<vmem>>) dst(%dma_wait3A_194 : memref<40x128xf32, #tpu.memory_space<vmem_shared>>)
      tpu.yield
    }) : () -> ()
    %add3A_12 = arith.constant 120 : i32
    %add3A_13 = arith.addi %mul3A_6, %add3A_12 : i32
    "tpu.region"() ({
      %run_scoped3A = tpu.sem_alloc : memref<!tpu.dma_semaphore, #tpu.memory_space<semaphore_mem>>
      %dma_start3A_187 = arith.constant 0 : i32
      %dma_start3A_188 = tpu.memref_slice %arg12[%add3A_13, %dma_start3A_187] : memref<5248x128xf32, #tpu.memory_space<vmem_shared>> -> memref<40x128xf32, #tpu.memory_space<vmem_shared>>
      %dma_start3A_189 = arith.constant 0 : i32
      %dma_start3A_190 = tpu.memref_slice %arg12[%add3A_13, %dma_start3A_189] : memref<5248x128xf32, #tpu.memory_space<vmem_shared>> -> memref<40x128xf32, #tpu.memory_space<vmem_shared>>
      tpu.enqueue_dma source(%arg8 : memref<40x128xf32, #tpu.memory_space<vmem>>) target(%dma_start3A_190 : memref<40x128xf32, #tpu.memory_space<vmem_shared>>) target_semaphore(%run_scoped3A : memref<!tpu.dma_semaphore, #tpu.memory_space<semaphore_mem>>)
      %dma_wait3A_191 = arith.constant 0 : i32
      %dma_wait3A_192 = tpu.memref_slice %arg12[%add3A_13, %dma_wait3A_191] : memref<5248x128xf32, #tpu.memory_space<vmem_shared>> -> memref<40x128xf32, #tpu.memory_space<vmem_shared>>
      %dma_wait3A_193 = arith.constant 0 : i32
      %dma_wait3A_194 = tpu.memref_slice %arg12[%add3A_13, %dma_wait3A_193] : memref<5248x128xf32, #tpu.memory_space<vmem_shared>> -> memref<40x128xf32, #tpu.memory_space<vmem_shared>>
      tpu.wait_dma2 semaphore(%run_scoped3A : memref<!tpu.dma_semaphore, #tpu.memory_space<semaphore_mem>>) src(%arg8 : memref<40x128xf32, #tpu.memory_space<vmem>>) dst(%dma_wait3A_194 : memref<40x128xf32, #tpu.memory_space<vmem_shared>>)
      tpu.yield
    }) : () -> ()
    %add3A_14 = arith.constant 160 : i32
    %add3A_15 = arith.addi %mul3A_6, %add3A_14 : i32
    "tpu.region"() ({
      %run_scoped3A = tpu.sem_alloc : memref<!tpu.dma_semaphore, #tpu.memory_space<semaphore_mem>>
      %dma_start3A_187 = arith.constant 0 : i32
      %dma_start3A_188 = tpu.memref_slice %arg12[%add3A_15, %dma_start3A_187] : memref<5248x128xf32, #tpu.memory_space<vmem_shared>> -> memref<40x128xf32, #tpu.memory_space<vmem_shared>>
      %dma_start3A_189 = arith.constant 0 : i32
      %dma_start3A_190 = tpu.memref_slice %arg12[%add3A_15, %dma_start3A_189] : memref<5248x128xf32, #tpu.memory_space<vmem_shared>> -> memref<40x128xf32, #tpu.memory_space<vmem_shared>>
      tpu.enqueue_dma source(%arg8 : memref<40x128xf32, #tpu.memory_space<vmem>>) target(%dma_start3A_190 : memref<40x128xf32, #tpu.memory_space<vmem_shared>>) target_semaphore(%run_scoped3A : memref<!tpu.dma_semaphore, #tpu.memory_space<semaphore_mem>>)
      %dma_wait3A_191 = arith.constant 0 : i32
      %dma_wait3A_192 = tpu.memref_slice %arg12[%add3A_15, %dma_wait3A_191] : memref<5248x128xf32, #tpu.memory_space<vmem_shared>> -> memref<40x128xf32, #tpu.memory_space<vmem_shared>>
      %dma_wait3A_193 = arith.constant 0 : i32
      %dma_wait3A_194 = tpu.memref_slice %arg12[%add3A_15, %dma_wait3A_193] : memref<5248x128xf32, #tpu.memory_space<vmem_shared>> -> memref<40x128xf32, #tpu.memory_space<vmem_shared>>
      tpu.wait_dma2 semaphore(%run_scoped3A : memref<!tpu.dma_semaphore, #tpu.memory_space<semaphore_mem>>) src(%arg8 : memref<40x128xf32, #tpu.memory_space<vmem>>) dst(%dma_wait3A_194 : memref<40x128xf32, #tpu.memory_space<vmem_shared>>)
      tpu.yield
    }) : () -> ()
    %add3A_16 = arith.constant 200 : i32
    %add3A_17 = arith.addi %mul3A_6, %add3A_16 : i32
    "tpu.region"() ({
      %run_scoped3A = tpu.sem_alloc : memref<!tpu.dma_semaphore, #tpu.memory_space<semaphore_mem>>
      %dma_start3A_187 = arith.constant 0 : i32
      %dma_start3A_188 = tpu.memref_slice %arg12[%add3A_17, %dma_start3A_187] : memref<5248x128xf32, #tpu.memory_space<vmem_shared>> -> memref<40x128xf32, #tpu.memory_space<vmem_shared>>
      %dma_start3A_189 = arith.constant 0 : i32
      %dma_start3A_190 = tpu.memref_slice %arg12[%add3A_17, %dma_start3A_189] : memref<5248x128xf32, #tpu.memory_space<vmem_shared>> -> memref<40x128xf32, #tpu.memory_space<vmem_shared>>
      tpu.enqueue_dma source(%arg8 : memref<40x128xf32, #tpu.memory_space<vmem>>) target(%dma_start3A_190 : memref<40x128xf32, #tpu.memory_space<vmem_shared>>) target_semaphore(%run_scoped3A : memref<!tpu.dma_semaphore, #tpu.memory_space<semaphore_mem>>)
      %dma_wait3A_191 = arith.constant 0 : i32
      %dma_wait3A_192 = tpu.memref_slice %arg12[%add3A_17, %dma_wait3A_191] : memref<5248x128xf32, #tpu.memory_space<vmem_shared>> -> memref<40x128xf32, #tpu.memory_space<vmem_shared>>
      %dma_wait3A_193 = arith.constant 0 : i32
      %dma_wait3A_194 = tpu.memref_slice %arg12[%add3A_17, %dma_wait3A_193] : memref<5248x128xf32, #tpu.memory_space<vmem_shared>> -> memref<40x128xf32, #tpu.memory_space<vmem_shared>>
      tpu.wait_dma2 semaphore(%run_scoped3A : memref<!tpu.dma_semaphore, #tpu.memory_space<semaphore_mem>>) src(%arg8 : memref<40x128xf32, #tpu.memory_space<vmem>>) dst(%dma_wait3A_194 : memref<40x128xf32, #tpu.memory_space<vmem_shared>>)
      tpu.yield
    }) : () -> ()
    %add3A_18 = arith.constant 240 : i32
    %add3A_19 = arith.addi %mul3A_6, %add3A_18 : i32
    "tpu.region"() ({
      %run_scoped3A = tpu.sem_alloc : memref<!tpu.dma_semaphore, #tpu.memory_space<semaphore_mem>>
      %dma_start3A_187 = arith.constant 0 : i32
      %dma_start3A_188 = tpu.memref_slice %arg12[%add3A_19, %dma_start3A_187] : memref<5248x128xf32, #tpu.memory_space<vmem_shared>> -> memref<40x128xf32, #tpu.memory_space<vmem_shared>>
      %dma_start3A_189 = arith.constant 0 : i32
      %dma_start3A_190 = tpu.memref_slice %arg12[%add3A_19, %dma_start3A_189] : memref<5248x128xf32, #tpu.memory_space<vmem_shared>> -> memref<40x128xf32, #tpu.memory_space<vmem_shared>>
      tpu.enqueue_dma source(%arg8 : memref<40x128xf32, #tpu.memory_space<vmem>>) target(%dma_start3A_190 : memref<40x128xf32, #tpu.memory_space<vmem_shared>>) target_semaphore(%run_scoped3A : memref<!tpu.dma_semaphore, #tpu.memory_space<semaphore_mem>>)
      %dma_wait3A_191 = arith.constant 0 : i32
      %dma_wait3A_192 = tpu.memref_slice %arg12[%add3A_19, %dma_wait3A_191] : memref<5248x128xf32, #tpu.memory_space<vmem_shared>> -> memref<40x128xf32, #tpu.memory_space<vmem_shared>>
      %dma_wait3A_193 = arith.constant 0 : i32
      %dma_wait3A_194 = tpu.memref_slice %arg12[%add3A_19, %dma_wait3A_193] : memref<5248x128xf32, #tpu.memory_space<vmem_shared>> -> memref<40x128xf32, #tpu.memory_space<vmem_shared>>
      tpu.wait_dma2 semaphore(%run_scoped3A : memref<!tpu.dma_semaphore, #tpu.memory_space<semaphore_mem>>) src(%arg8 : memref<40x128xf32, #tpu.memory_space<vmem>>) dst(%dma_wait3A_194 : memref<40x128xf32, #tpu.memory_space<vmem_shared>>)
      tpu.yield
    }) : () -> ()
    %add3A_20 = arith.constant 280 : i32
    %add3A_21 = arith.addi %mul3A_6, %add3A_20 : i32
    "tpu.region"() ({
      %run_scoped3A = tpu.sem_alloc : memref<!tpu.dma_semaphore, #tpu.memory_space<semaphore_mem>>
      %dma_start3A_187 = arith.constant 0 : i32
      %dma_start3A_188 = tpu.memref_slice %arg12[%add3A_21, %dma_start3A_187] : memref<5248x128xf32, #tpu.memory_space<vmem_shared>> -> memref<40x128xf32, #tpu.memory_space<vmem_shared>>
      %dma_start3A_189 = arith.constant 0 : i32
      %dma_start3A_190 = tpu.memref_slice %arg12[%add3A_21, %dma_start3A_189] : memref<5248x128xf32, #tpu.memory_space<vmem_shared>> -> memref<40x128xf32, #tpu.memory_space<vmem_shared>>
      tpu.enqueue_dma source(%arg8 : memref<40x128xf32, #tpu.memory_space<vmem>>) target(%dma_start3A_190 : memref<40x128xf32, #tpu.memory_space<vmem_shared>>) target_semaphore(%run_scoped3A : memref<!tpu.dma_semaphore, #tpu.memory_space<semaphore_mem>>)
      %dma_wait3A_191 = arith.constant 0 : i32
      %dma_wait3A_192 = tpu.memref_slice %arg12[%add3A_21, %dma_wait3A_191] : memref<5248x128xf32, #tpu.memory_space<vmem_shared>> -> memref<40x128xf32, #tpu.memory_space<vmem_shared>>
      %dma_wait3A_193 = arith.constant 0 : i32
      %dma_wait3A_194 = tpu.memref_slice %arg12[%add3A_21, %dma_wait3A_193] : memref<5248x128xf32, #tpu.memory_space<vmem_shared>> -> memref<40x128xf32, #tpu.memory_space<vmem_shared>>
      tpu.wait_dma2 semaphore(%run_scoped3A : memref<!tpu.dma_semaphore, #tpu.memory_space<semaphore_mem>>) src(%arg8 : memref<40x128xf32, #tpu.memory_space<vmem>>) dst(%dma_wait3A_194 : memref<40x128xf32, #tpu.memory_space<vmem_shared>>)
      tpu.yield
    }) : () -> ()
    %add3A_22 = arith.constant 320 : i32
    %add3A_23 = arith.addi %mul3A_6, %add3A_22 : i32
    "tpu.region"() ({
      %run_scoped3A = tpu.sem_alloc : memref<!tpu.dma_semaphore, #tpu.memory_space<semaphore_mem>>
      %dma_start3A_187 = arith.constant 0 : i32
      %dma_start3A_188 = arith.constant 0 : i32
      %dma_start3A_189 = tpu.memref_slice %arg8[%dma_start3A_187, %dma_start3A_188] : memref<40x128xf32, #tpu.memory_space<vmem>> -> memref<8x128xf32, #tpu.memory_space<vmem>>
      %dma_start3A_190 = arith.constant 0 : i32
      %dma_start3A_191 = tpu.memref_slice %arg12[%add3A_23, %dma_start3A_190] : memref<5248x128xf32, #tpu.memory_space<vmem_shared>> -> memref<8x128xf32, #tpu.memory_space<vmem_shared>>
      %dma_start3A_192 = arith.constant 0 : i32
      %dma_start3A_193 = tpu.memref_slice %arg12[%add3A_23, %dma_start3A_192] : memref<5248x128xf32, #tpu.memory_space<vmem_shared>> -> memref<8x128xf32, #tpu.memory_space<vmem_shared>>
      %dma_start3A_194 = arith.constant 0 : i32
      %dma_start3A_195 = arith.constant 0 : i32
      %dma_start3A_196 = tpu.memref_slice %arg8[%dma_start3A_194, %dma_start3A_195] : memref<40x128xf32, #tpu.memory_space<vmem>> -> memref<8x128xf32, #tpu.memory_space<vmem>>
      tpu.enqueue_dma source(%dma_start3A_196 : memref<8x128xf32, #tpu.memory_space<vmem>>) target(%dma_start3A_193 : memref<8x128xf32, #tpu.memory_space<vmem_shared>>) target_semaphore(%run_scoped3A : memref<!tpu.dma_semaphore, #tpu.memory_space<semaphore_mem>>)
      %dma_wait3A_197 = arith.constant 0 : i32
      %dma_wait3A_198 = arith.constant 0 : i32
      %dma_wait3A_199 = tpu.memref_slice %arg8[%dma_wait3A_197, %dma_wait3A_198] : memref<40x128xf32, #tpu.memory_space<vmem>> -> memref<8x128xf32, #tpu.memory_space<vmem>>
      %dma_wait3A_200 = arith.constant 0 : i32
      %dma_wait3A_201 = tpu.memref_slice %arg12[%add3A_23, %dma_wait3A_200] : memref<5248x128xf32, #tpu.memory_space<vmem_shared>> -> memref<8x128xf32, #tpu.memory_space<vmem_shared>>
      %dma_wait3A_202 = arith.constant 0 : i32
      %dma_wait3A_203 = tpu.memref_slice %arg12[%add3A_23, %dma_wait3A_202] : memref<5248x128xf32, #tpu.memory_space<vmem_shared>> -> memref<8x128xf32, #tpu.memory_space<vmem_shared>>
      %dma_wait3A_204 = arith.constant 0 : i32
      %dma_wait3A_205 = arith.constant 0 : i32
      %dma_wait3A_206 = tpu.memref_slice %arg8[%dma_wait3A_204, %dma_wait3A_205] : memref<40x128xf32, #tpu.memory_space<vmem>> -> memref<8x128xf32, #tpu.memory_space<vmem>>
      tpu.wait_dma2 semaphore(%run_scoped3A : memref<!tpu.dma_semaphore, #tpu.memory_space<semaphore_mem>>) src(%dma_wait3A_206 : memref<8x128xf32, #tpu.memory_space<vmem>>) dst(%dma_wait3A_203 : memref<8x128xf32, #tpu.memory_space<vmem_shared>>)
      tpu.yield
    }) : () -> ()
    %mul3A_24 = arith.constant 512 : i32
    %mul3A_25 = arith.muli %arg1, %mul3A_24 : i32
    %add3A_26 = arith.constant 0 : i32
    %add3A_27 = arith.addi %mul3A_25, %add3A_26 : i32
    %dma_start3A = arith.constant 0 : i32
    %dma_start3A_28 = arith.constant 0 : i32
    %dma_start3A_29 = arith.constant 0 : i32
    %dma_start3A_30 = tpu.memref_slice %arg6[%dma_start3A, %dma_start3A_28, %dma_start3A_29] : memref<2x32x40xi32, #tpu.memory_space<vmem>> -> memref<1x32x40xi32, #tpu.memory_space<vmem>>
    %dma_start3A_31 = tpu.memref_squeeze %dma_start3A_30 : memref<1x32x40xi32, #tpu.memory_space<vmem>> -> memref<32x40xi32, #tpu.memory_space<vmem>>
    %dma_start3A_32 = arith.constant 0 : i32
    %dma_start3A_33 = tpu.memref_slice %arg3[%add3A_27, %dma_start3A_32] : memref<8192x40xi32, #tpu.memory_space<hbm>> -> memref<32x40xi32, #tpu.memory_space<hbm>>
    %dma_start3A_34 = arith.constant 0 : i32
    %dma_start3A_35 = arith.constant 0 : i32
    %dma_start3A_36 = tpu.memref_slice %arg6[%dma_start3A, %dma_start3A_34, %dma_start3A_35] : memref<2x32x40xi32, #tpu.memory_space<vmem>> -> memref<1x32x40xi32, #tpu.memory_space<vmem>>
    %dma_start3A_37 = tpu.memref_squeeze %dma_start3A_36 : memref<1x32x40xi32, #tpu.memory_space<vmem>> -> memref<32x40xi32, #tpu.memory_space<vmem>>
    %dma_start3A_38 = arith.constant 0 : i32
    %dma_start3A_39 = tpu.memref_slice %arg3[%add3A_27, %dma_start3A_38] : memref<8192x40xi32, #tpu.memory_space<hbm>> -> memref<32x40xi32, #tpu.memory_space<hbm>>
    tpu.enqueue_dma source(%dma_start3A_39 : memref<32x40xi32, #tpu.memory_space<hbm>>) target(%dma_start3A_37 : memref<32x40xi32, #tpu.memory_space<vmem>>) target_semaphore(%arg21 : memref<!tpu.dma_semaphore, #tpu.memory_space<semaphore_mem>>)
    %add3A_40 = arith.constant 0 : i32
    %add3A_41 = arith.addi %mul3A_25, %add3A_40 : i32
    %dma_start3A_42 = arith.constant 0 : i32
    %dma_start3A_43 = arith.constant 0 : i32
    %dma_start3A_44 = arith.constant 0 : i32
    %dma_start3A_45 = tpu.memref_slice %arg7[%dma_start3A_42, %dma_start3A_43, %dma_start3A_44] : memref<2x32x40xi32, #tpu.memory_space<vmem>> -> memref<1x32x40xi32, #tpu.memory_space<vmem>>
    %dma_start3A_46 = tpu.memref_squeeze %dma_start3A_45 : memref<1x32x40xi32, #tpu.memory_space<vmem>> -> memref<32x40xi32, #tpu.memory_space<vmem>>
    %dma_start3A_47 = arith.constant 0 : i32
    %dma_start3A_48 = tpu.memref_slice %arg4[%arg0, %add3A_41, %dma_start3A_47] : memref<2x8192x40xi32, #tpu.memory_space<hbm>> -> memref<1x32x40xi32, #tpu.memory_space<hbm>>
    %dma_start3A_49 = tpu.memref_squeeze %dma_start3A_48 : memref<1x32x40xi32, #tpu.memory_space<hbm>> -> memref<32x40xi32, #tpu.memory_space<hbm>>
    %dma_start3A_50 = arith.constant 0 : i32
    %dma_start3A_51 = arith.constant 0 : i32
    %dma_start3A_52 = tpu.memref_slice %arg7[%dma_start3A_42, %dma_start3A_50, %dma_start3A_51] : memref<2x32x40xi32, #tpu.memory_space<vmem>> -> memref<1x32x40xi32, #tpu.memory_space<vmem>>
    %dma_start3A_53 = tpu.memref_squeeze %dma_start3A_52 : memref<1x32x40xi32, #tpu.memory_space<vmem>> -> memref<32x40xi32, #tpu.memory_space<vmem>>
    %dma_start3A_54 = arith.constant 0 : i32
    %dma_start3A_55 = tpu.memref_slice %arg4[%arg0, %add3A_41, %dma_start3A_54] : memref<2x8192x40xi32, #tpu.memory_space<hbm>> -> memref<1x32x40xi32, #tpu.memory_space<hbm>>
    %dma_start3A_56 = tpu.memref_squeeze %dma_start3A_55 : memref<1x32x40xi32, #tpu.memory_space<hbm>> -> memref<32x40xi32, #tpu.memory_space<hbm>>
    tpu.enqueue_dma source(%dma_start3A_56 : memref<32x40xi32, #tpu.memory_space<hbm>>) target(%dma_start3A_53 : memref<32x40xi32, #tpu.memory_space<vmem>>) target_semaphore(%arg21 : memref<!tpu.dma_semaphore, #tpu.memory_space<semaphore_mem>>)
    %add3A_57 = arith.constant 32 : i32
    %add3A_58 = arith.addi %mul3A_25, %add3A_57 : i32
    %dma_start3A_59 = arith.constant 1 : i32
    %dma_start3A_60 = arith.constant 0 : i32
    %dma_start3A_61 = arith.constant 0 : i32
    %dma_start3A_62 = tpu.memref_slice %arg6[%dma_start3A_59, %dma_start3A_60, %dma_start3A_61] : memref<2x32x40xi32, #tpu.memory_space<vmem>> -> memref<1x32x40xi32, #tpu.memory_space<vmem>>
    %dma_start3A_63 = tpu.memref_squeeze %dma_start3A_62 : memref<1x32x40xi32, #tpu.memory_space<vmem>> -> memref<32x40xi32, #tpu.memory_space<vmem>>
    %dma_start3A_64 = arith.constant 0 : i32
    %dma_start3A_65 = tpu.memref_slice %arg3[%add3A_58, %dma_start3A_64] : memref<8192x40xi32, #tpu.memory_space<hbm>> -> memref<32x40xi32, #tpu.memory_space<hbm>>
    %dma_start3A_66 = arith.constant 0 : i32
    %dma_start3A_67 = arith.constant 0 : i32
    %dma_start3A_68 = tpu.memref_slice %arg6[%dma_start3A_59, %dma_start3A_66, %dma_start3A_67] : memref<2x32x40xi32, #tpu.memory_space<vmem>> -> memref<1x32x40xi32, #tpu.memory_space<vmem>>
    %dma_start3A_69 = tpu.memref_squeeze %dma_start3A_68 : memref<1x32x40xi32, #tpu.memory_space<vmem>> -> memref<32x40xi32, #tpu.memory_space<vmem>>
    %dma_start3A_70 = arith.constant 0 : i32
    %dma_start3A_71 = tpu.memref_slice %arg3[%add3A_58, %dma_start3A_70] : memref<8192x40xi32, #tpu.memory_space<hbm>> -> memref<32x40xi32, #tpu.memory_space<hbm>>
    tpu.enqueue_dma source(%dma_start3A_71 : memref<32x40xi32, #tpu.memory_space<hbm>>) target(%dma_start3A_69 : memref<32x40xi32, #tpu.memory_space<vmem>>) target_semaphore(%arg22 : memref<!tpu.dma_semaphore, #tpu.memory_space<semaphore_mem>>)
    %add3A_72 = arith.constant 32 : i32
    %add3A_73 = arith.addi %mul3A_25, %add3A_72 : i32
    %dma_start3A_74 = arith.constant 1 : i32
    %dma_start3A_75 = arith.constant 0 : i32
    %dma_start3A_76 = arith.constant 0 : i32
    %dma_start3A_77 = tpu.memref_slice %arg7[%dma_start3A_74, %dma_start3A_75, %dma_start3A_76] : memref<2x32x40xi32, #tpu.memory_space<vmem>> -> memref<1x32x40xi32, #tpu.memory_space<vmem>>
    %dma_start3A_78 = tpu.memref_squeeze %dma_start3A_77 : memref<1x32x40xi32, #tpu.memory_space<vmem>> -> memref<32x40xi32, #tpu.memory_space<vmem>>
    %dma_start3A_79 = arith.constant 0 : i32
    %dma_start3A_80 = tpu.memref_slice %arg4[%arg0, %add3A_73, %dma_start3A_79] : memref<2x8192x40xi32, #tpu.memory_space<hbm>> -> memref<1x32x40xi32, #tpu.memory_space<hbm>>
    %dma_start3A_81 = tpu.memref_squeeze %dma_start3A_80 : memref<1x32x40xi32, #tpu.memory_space<hbm>> -> memref<32x40xi32, #tpu.memory_space<hbm>>
    %dma_start3A_82 = arith.constant 0 : i32
    %dma_start3A_83 = arith.constant 0 : i32
    %dma_start3A_84 = tpu.memref_slice %arg7[%dma_start3A_74, %dma_start3A_82, %dma_start3A_83] : memref<2x32x40xi32, #tpu.memory_space<vmem>> -> memref<1x32x40xi32, #tpu.memory_space<vmem>>
    %dma_start3A_85 = tpu.memref_squeeze %dma_start3A_84 : memref<1x32x40xi32, #tpu.memory_space<vmem>> -> memref<32x40xi32, #tpu.memory_space<vmem>>
    %dma_start3A_86 = arith.constant 0 : i32
    %dma_start3A_87 = tpu.memref_slice %arg4[%arg0, %add3A_73, %dma_start3A_86] : memref<2x8192x40xi32, #tpu.memory_space<hbm>> -> memref<1x32x40xi32, #tpu.memory_space<hbm>>
    %dma_start3A_88 = tpu.memref_squeeze %dma_start3A_87 : memref<1x32x40xi32, #tpu.memory_space<hbm>> -> memref<32x40xi32, #tpu.memory_space<hbm>>
    tpu.enqueue_dma source(%dma_start3A_88 : memref<32x40xi32, #tpu.memory_space<hbm>>) target(%dma_start3A_85 : memref<32x40xi32, #tpu.memory_space<vmem>>) target_semaphore(%arg22 : memref<!tpu.dma_semaphore, #tpu.memory_space<semaphore_mem>>)
    %dma_wait3A = arith.constant 0 : i32
    %dma_wait3A_89 = arith.constant 0 : i32
    %dma_wait3A_90 = arith.constant 0 : i32
    %dma_wait3A_91 = tpu.memref_slice %arg6[%dma_wait3A, %dma_wait3A_89, %dma_wait3A_90] : memref<2x32x40xi32, #tpu.memory_space<vmem>> -> memref<1x32x40xi32, #tpu.memory_space<vmem>>
    %dma_wait3A_92 = tpu.memref_squeeze %dma_wait3A_91 : memref<1x32x40xi32, #tpu.memory_space<vmem>> -> memref<32x40xi32, #tpu.memory_space<vmem>>
    %dma_wait3A_93 = arith.constant 0 : i32
    %dma_wait3A_94 = arith.constant 0 : i32
    %dma_wait3A_95 = tpu.memref_slice %arg3[%dma_wait3A_93, %dma_wait3A_94] : memref<8192x40xi32, #tpu.memory_space<hbm>> -> memref<32x40xi32, #tpu.memory_space<hbm>>
    %dma_wait3A_96 = arith.constant 0 : i32
    %dma_wait3A_97 = arith.constant 0 : i32
    %dma_wait3A_98 = tpu.memref_slice %arg6[%dma_wait3A, %dma_wait3A_96, %dma_wait3A_97] : memref<2x32x40xi32, #tpu.memory_space<vmem>> -> memref<1x32x40xi32, #tpu.memory_space<vmem>>
    %dma_wait3A_99 = tpu.memref_squeeze %dma_wait3A_98 : memref<1x32x40xi32, #tpu.memory_space<vmem>> -> memref<32x40xi32, #tpu.memory_space<vmem>>
    %dma_wait3A_100 = arith.constant 0 : i32
    %dma_wait3A_101 = arith.constant 0 : i32
    %dma_wait3A_102 = tpu.memref_slice %arg3[%dma_wait3A_100, %dma_wait3A_101] : memref<8192x40xi32, #tpu.memory_space<hbm>> -> memref<32x40xi32, #tpu.memory_space<hbm>>
    tpu.wait_dma2 semaphore(%arg21 : memref<!tpu.dma_semaphore, #tpu.memory_space<semaphore_mem>>) src(%dma_wait3A_102 : memref<32x40xi32, #tpu.memory_space<hbm>>) dst(%dma_wait3A_99 : memref<32x40xi32, #tpu.memory_space<vmem>>)
    %dma_wait3A_103 = arith.constant 0 : i32
    %dma_wait3A_104 = arith.constant 0 : i32
    %dma_wait3A_105 = arith.constant 0 : i32
    %dma_wait3A_106 = tpu.memref_slice %arg7[%dma_wait3A_103, %dma_wait3A_104, %dma_wait3A_105] : memref<2x32x40xi32, #tpu.memory_space<vmem>> -> memref<1x32x40xi32, #tpu.memory_space<vmem>>
    %dma_wait3A_107 = tpu.memref_squeeze %dma_wait3A_106 : memref<1x32x40xi32, #tpu.memory_space<vmem>> -> memref<32x40xi32, #tpu.memory_space<vmem>>
    %dma_wait3A_108 = arith.constant 0 : i32
    %dma_wait3A_109 = arith.constant 0 : i32
    %dma_wait3A_110 = tpu.memref_slice %arg4[%arg0, %dma_wait3A_108, %dma_wait3A_109] : memref<2x8192x40xi32, #tpu.memory_space<hbm>> -> memref<1x32x40xi32, #tpu.memory_space<hbm>>
    %dma_wait3A_111 = tpu.memref_squeeze %dma_wait3A_110 : memref<1x32x40xi32, #tpu.memory_space<hbm>> -> memref<32x40xi32, #tpu.memory_space<hbm>>
    %dma_wait3A_112 = arith.constant 0 : i32
    %dma_wait3A_113 = arith.constant 0 : i32
    %dma_wait3A_114 = tpu.memref_slice %arg7[%dma_wait3A_103, %dma_wait3A_112, %dma_wait3A_113] : memref<2x32x40xi32, #tpu.memory_space<vmem>> -> memref<1x32x40xi32, #tpu.memory_space<vmem>>
    %dma_wait3A_115 = tpu.memref_squeeze %dma_wait3A_114 : memref<1x32x40xi32, #tpu.memory_space<vmem>> -> memref<32x40xi32, #tpu.memory_space<vmem>>
    %dma_wait3A_116 = arith.constant 0 : i32
    %dma_wait3A_117 = arith.constant 0 : i32
    %dma_wait3A_118 = tpu.memref_slice %arg4[%arg0, %dma_wait3A_116, %dma_wait3A_117] : memref<2x8192x40xi32, #tpu.memory_space<hbm>> -> memref<1x32x40xi32, #tpu.memory_space<hbm>>
    %dma_wait3A_119 = tpu.memref_squeeze %dma_wait3A_118 : memref<1x32x40xi32, #tpu.memory_space<hbm>> -> memref<32x40xi32, #tpu.memory_space<hbm>>
    tpu.wait_dma2 semaphore(%arg21 : memref<!tpu.dma_semaphore, #tpu.memory_space<semaphore_mem>>) src(%dma_wait3A_119 : memref<32x40xi32, #tpu.memory_space<hbm>>) dst(%dma_wait3A_115 : memref<32x40xi32, #tpu.memory_space<vmem>>)
    %barrier3A = arith.constant 0 : index
    tpu.barrier barrier_id(%barrier3A)
    %broadcast_in_dim3A_120 = arith.constant 1.000000e+00 : f32
    %broadcast_in_dim3A_121 = vector.broadcast %broadcast_in_dim3A_120 : f32 to vector<16xf32>
    %iota3A = tpu.iota {dimensions = array<i32: 0>} : vector<16xi32>
    %ge3A = arith.constant 8 : i32
    %ge3A_122 = vector.broadcast %ge3A : i32 to vector<16xi32>
    %ge3A_123 = arith.cmpi sge, %iota3A, %ge3A_122 : vector<16xi32>
    %dma_start3A_124 = arith.constant 0 : i32
    %dma_start3A_125 = arith.constant 0 : i32
    %dma_start3A_126 = arith.constant 0 : i32
    %dma_start3A_127 = tpu.memref_slice %arg6[%dma_start3A_124, %dma_start3A_125, %dma_start3A_126] : memref<2x32x40xi32, #tpu.memory_space<vmem>> -> memref<1x1x40xi32, #tpu.memory_space<vmem>>
    %dma_start3A_128 = tpu.memref_squeeze %dma_start3A_127 : memref<1x1x40xi32, #tpu.memory_space<vmem>> -> memref<40xi32, #tpu.memory_space<vmem>>
    %dma_start3A_129 = arith.constant 0 : i32
    %dma_start3A_130 = arith.constant 0 : i32
    %dma_start3A_131 = tpu.memref_slice %arg2[%dma_start3A_129, %dma_start3A_130] : memref<10240x128xf32, #tpu.memory_space<hbm>> -> memref<10240x128xf32, #tpu.memory_space<hbm>>
    tpu.enqueue_indirect_dma source(%dma_start3A_131 : memref<10240x128xf32, #tpu.memory_space<hbm>>) target(%arg8 : memref<40x128xf32, #tpu.memory_space<vmem>>) offsets(%dma_start3A_128 : memref<40xi32, #tpu.memory_space<vmem>>) semaphore(%arg13 : memref<!tpu.dma_semaphore, #tpu.memory_space<semaphore_mem>>)
    %dma_start3A_132 = arith.constant 0 : i32
    %dma_start3A_133 = arith.constant 1 : i32
    %dma_start3A_134 = arith.constant 0 : i32
    %dma_start3A_135 = tpu.memref_slice %arg6[%dma_start3A_132, %dma_start3A_133, %dma_start3A_134] : memref<2x32x40xi32, #tpu.memory_space<vmem>> -> memref<1x1x40xi32, #tpu.memory_space<vmem>>
    %dma_start3A_136 = tpu.memref_squeeze %dma_start3A_135 : memref<1x1x40xi32, #tpu.memory_space<vmem>> -> memref<40xi32, #tpu.memory_space<vmem>>
    %dma_start3A_137 = arith.constant 0 : i32
    %dma_start3A_138 = arith.constant 0 : i32
    %dma_start3A_139 = tpu.memref_slice %arg2[%dma_start3A_137, %dma_start3A_138] : memref<10240x128xf32, #tpu.memory_space<hbm>> -> memref<10240x128xf32, #tpu.memory_space<hbm>>
    tpu.enqueue_indirect_dma source(%dma_start3A_139 : memref<10240x128xf32, #tpu.memory_space<hbm>>) target(%arg9 : memref<40x128xf32, #tpu.memory_space<vmem>>) offsets(%dma_start3A_136 : memref<40xi32, #tpu.memory_space<vmem>>) semaphore(%arg14 : memref<!tpu.dma_semaphore, #tpu.memory_space<semaphore_mem>>)
    %dma_start3A_140 = arith.constant 0 : i32
    %dma_start3A_141 = arith.constant 2 : i32
    %dma_start3A_142 = arith.constant 0 : i32
    %dma_start3A_143 = tpu.memref_slice %arg6[%dma_start3A_140, %dma_start3A_141, %dma_start3A_142] : memref<2x32x40xi32, #tpu.memory_space<vmem>> -> memref<1x1x40xi32, #tpu.memory_space<vmem>>
    %dma_start3A_144 = tpu.memref_squeeze %dma_start3A_143 : memref<1x1x40xi32, #tpu.memory_space<vmem>> -> memref<40xi32, #tpu.memory_space<vmem>>
    %dma_start3A_145 = arith.constant 0 : i32
    %dma_start3A_146 = arith.constant 0 : i32
    %dma_start3A_147 = tpu.memref_slice %arg2[%dma_start3A_145, %dma_start3A_146] : memref<10240x128xf32, #tpu.memory_space<hbm>> -> memref<10240x128xf32, #tpu.memory_space<hbm>>
    tpu.enqueue_indirect_dma source(%dma_start3A_147 : memref<10240x128xf32, #tpu.memory_space<hbm>>) target(%arg10 : memref<40x128xf32, #tpu.memory_space<vmem>>) offsets(%dma_start3A_144 : memref<40xi32, #tpu.memory_space<vmem>>) semaphore(%arg15 : memref<!tpu.dma_semaphore, #tpu.memory_space<semaphore_mem>>)
    %scan3A_148 = arith.constant 0 : i32
    %scan3A_149 = arith.constant 0 : i32
    %scan3A_150 = arith.constant 128 : i32
    %scan3A_151 = arith.addi %scan3A_149, %scan3A_150 : i32
    %scan3A_152 = arith.constant 1 : i32
    scf.for %scan3A_187 = %scan3A_149 to %scan3A_151 step %scan3A_152  : i32 {
      %mul3A_188 = arith.constant 4 : i32
      %mul3A_189 = arith.muli %mul3A_188, %scan3A_187 : i32
      %jit3A = arith.constant 32 : i32
      %eq3A = arith.constant 0 : i32
      %eq3A_190 = arith.cmpi eq, %jit3A, %eq3A : i32
      %jit3A_191 = arith.constant 1 : i32
      %select_n3A = arith.select %eq3A_190, %jit3A_191, %jit3A : i32
      %rem3A = arith.remsi %mul3A_189, %select_n3A : i32
      %ne3A = arith.constant 0 : i32
      %ne3A_192 = arith.cmpi ne, %rem3A, %ne3A : i32
      %lt3A = arith.constant 0 : i32
      %lt3A_193 = arith.cmpi slt, %rem3A, %lt3A : i32
      %lt3A_194 = arith.constant 0 : i32
      %lt3A_195 = arith.cmpi slt, %select_n3A, %lt3A_194 : i32
      %ne3A_196 = arith.xori %lt3A_193, %lt3A_195 : i1
      %and3A = arith.andi %ne3A_196, %ne3A_192 : i1
      %add3A_197 = arith.addi %rem3A, %select_n3A : i32
      %select_n3A_198 = arith.select %and3A, %add3A_197, %rem3A : i32
      %jit3A_199 = arith.constant 32 : i32
      %div3A = arith.divsi %mul3A_189, %jit3A_199 : i32
      %sign3A = arith.constant 0 : i32
      %sign3A_200 = arith.cmpi sgt, %mul3A_189, %sign3A : i32
      %sign3A_201 = arith.extui %sign3A_200 : i1 to i32
      %sign3A_202 = arith.constant 0 : i32
      %sign3A_203 = arith.cmpi slt, %mul3A_189, %sign3A_202 : i32
      %sign3A_204 = arith.extui %sign3A_203 : i1 to i32
      %sign3A_205 = arith.subi %sign3A_201, %sign3A_204 : i32
      %sign3A_206 = arith.constant 0 : i32
      %sign3A_207 = arith.cmpi sgt, %jit3A_199, %sign3A_206 : i32
      %sign3A_208 = arith.extui %sign3A_207 : i1 to i32
      %sign3A_209 = arith.constant 0 : i32
      %sign3A_210 = arith.cmpi slt, %jit3A_199, %sign3A_209 : i32
      %sign3A_211 = arith.extui %sign3A_210 : i1 to i32
      %sign3A_212 = arith.subi %sign3A_208, %sign3A_211 : i32
      %ne3A_213 = arith.cmpi ne, %sign3A_205, %sign3A_212 : i32
      %rem3A_214 = arith.remsi %mul3A_189, %jit3A_199 : i32
      %ne3A_215 = arith.constant 0 : i32
      %ne3A_216 = arith.cmpi ne, %rem3A_214, %ne3A_215 : i32
      %and3A_217 = arith.andi %ne3A_213, %ne3A_216 : i1
      %sub3A = arith.constant 1 : i32
      %sub3A_218 = arith.subi %div3A, %sub3A : i32
      %select_n3A_219 = arith.select %and3A_217, %sub3A_218, %div3A : i32
      %eq3A_220 = arith.constant 28 : i32
      %eq3A_221 = arith.cmpi eq, %select_n3A_198, %eq3A_220 : i32
      %lt3A_222 = arith.constant 15 : i32
      %lt3A_223 = arith.cmpi slt, %select_n3A_219, %lt3A_222 : i32
      %and3A_224 = arith.andi %eq3A_221, %lt3A_223 : i1
      %convert_element_type3A = arith.extui %and3A_224 : i1 to i32
      %cond3A = arith.constant 0 : i32
      %cond3A_225 = arith.cmpi ne, %convert_element_type3A, %cond3A : i32
      scf.if %cond3A_225 {
        %add3A_542 = arith.constant 1 : i32
        %add3A_543 = arith.addi %select_n3A_219, %add3A_542 : i32
        %jit3A_544 = arith.constant 2 : i32
        %eq3A_545 = arith.constant 0 : i32
        %eq3A_546 = arith.cmpi eq, %jit3A_544, %eq3A_545 : i32
        %jit3A_547 = arith.constant 1 : i32
        %select_n3A_548 = arith.select %eq3A_546, %jit3A_547, %jit3A_544 : i32
        %rem3A_549 = arith.remsi %add3A_543, %select_n3A_548 : i32
        %ne3A_550 = arith.constant 0 : i32
        %ne3A_551 = arith.cmpi ne, %rem3A_549, %ne3A_550 : i32
        %lt3A_552 = arith.constant 0 : i32
        %lt3A_553 = arith.cmpi slt, %rem3A_549, %lt3A_552 : i32
        %lt3A_554 = arith.constant 0 : i32
        %lt3A_555 = arith.cmpi slt, %select_n3A_548, %lt3A_554 : i32
        %ne3A_556 = arith.xori %lt3A_553, %lt3A_555 : i1
        %and3A_557 = arith.andi %ne3A_556, %ne3A_551 : i1
        %add3A_558 = arith.addi %rem3A_549, %select_n3A_548 : i32
        %select_n3A_559 = arith.select %and3A_557, %add3A_558, %rem3A_549 : i32
        %eq3A_560 = arith.constant 0 : i32
        %eq3A_561 = arith.cmpi eq, %select_n3A_559, %eq3A_560 : i32
        %convert_element_type3A_562 = arith.extui %eq3A_561 : i1 to i32
        %cond3A_563 = arith.constant 0 : i32
        %cond3A_564 = arith.cmpi ne, %convert_element_type3A_562, %cond3A_563 : i32
        scf.if %cond3A_564 {
          %dma_wait3A_565 = arith.constant 0 : i32
          %dma_wait3A_566 = arith.constant 0 : i32
          %dma_wait3A_567 = arith.constant 0 : i32
          %dma_wait3A_568 = tpu.memref_slice %arg6[%dma_wait3A_565, %dma_wait3A_566, %dma_wait3A_567] : memref<2x32x40xi32, #tpu.memory_space<vmem>> -> memref<1x32x40xi32, #tpu.memory_space<vmem>>
          %dma_wait3A_569 = tpu.memref_squeeze %dma_wait3A_568 : memref<1x32x40xi32, #tpu.memory_space<vmem>> -> memref<32x40xi32, #tpu.memory_space<vmem>>
          %dma_wait3A_570 = arith.constant 0 : i32
          %dma_wait3A_571 = arith.constant 0 : i32
          %dma_wait3A_572 = tpu.memref_slice %arg3[%dma_wait3A_570, %dma_wait3A_571] : memref<8192x40xi32, #tpu.memory_space<hbm>> -> memref<32x40xi32, #tpu.memory_space<hbm>>
          %dma_wait3A_573 = arith.constant 0 : i32
          %dma_wait3A_574 = arith.constant 0 : i32
          %dma_wait3A_575 = tpu.memref_slice %arg6[%dma_wait3A_565, %dma_wait3A_573, %dma_wait3A_574] : memref<2x32x40xi32, #tpu.memory_space<vmem>> -> memref<1x32x40xi32, #tpu.memory_space<vmem>>
          %dma_wait3A_576 = tpu.memref_squeeze %dma_wait3A_575 : memref<1x32x40xi32, #tpu.memory_space<vmem>> -> memref<32x40xi32, #tpu.memory_space<vmem>>
          %dma_wait3A_577 = arith.constant 0 : i32
          %dma_wait3A_578 = arith.constant 0 : i32
          %dma_wait3A_579 = tpu.memref_slice %arg3[%dma_wait3A_577, %dma_wait3A_578] : memref<8192x40xi32, #tpu.memory_space<hbm>> -> memref<32x40xi32, #tpu.memory_space<hbm>>
          tpu.wait_dma2 semaphore(%arg21 : memref<!tpu.dma_semaphore, #tpu.memory_space<semaphore_mem>>) src(%dma_wait3A_579 : memref<32x40xi32, #tpu.memory_space<hbm>>) dst(%dma_wait3A_576 : memref<32x40xi32, #tpu.memory_space<vmem>>)
          %dma_wait3A_580 = arith.constant 0 : i32
          %dma_wait3A_581 = arith.constant 0 : i32
          %dma_wait3A_582 = arith.constant 0 : i32
          %dma_wait3A_583 = tpu.memref_slice %arg7[%dma_wait3A_580, %dma_wait3A_581, %dma_wait3A_582] : memref<2x32x40xi32, #tpu.memory_space<vmem>> -> memref<1x32x40xi32, #tpu.memory_space<vmem>>
          %dma_wait3A_584 = tpu.memref_squeeze %dma_wait3A_583 : memref<1x32x40xi32, #tpu.memory_space<vmem>> -> memref<32x40xi32, #tpu.memory_space<vmem>>
          %dma_wait3A_585 = arith.constant 0 : i32
          %dma_wait3A_586 = arith.constant 0 : i32
          %dma_wait3A_587 = tpu.memref_slice %arg4[%arg0, %dma_wait3A_585, %dma_wait3A_586] : memref<2x8192x40xi32, #tpu.memory_space<hbm>> -> memref<1x32x40xi32, #tpu.memory_space<hbm>>
          %dma_wait3A_588 = tpu.memref_squeeze %dma_wait3A_587 : memref<1x32x40xi32, #tpu.memory_space<hbm>> -> memref<32x40xi32, #tpu.memory_space<hbm>>
          %dma_wait3A_589 = arith.constant 0 : i32
          %dma_wait3A_590 = arith.constant 0 : i32
          %dma_wait3A_591 = tpu.memref_slice %arg7[%dma_wait3A_580, %dma_wait3A_589, %dma_wait3A_590] : memref<2x32x40xi32, #tpu.memory_space<vmem>> -> memref<1x32x40xi32, #tpu.memory_space<vmem>>
          %dma_wait3A_592 = tpu.memref_squeeze %dma_wait3A_591 : memref<1x32x40xi32, #tpu.memory_space<vmem>> -> memref<32x40xi32, #tpu.memory_space<vmem>>
          %dma_wait3A_593 = arith.constant 0 : i32
          %dma_wait3A_594 = arith.constant 0 : i32
          %dma_wait3A_595 = tpu.memref_slice %arg4[%arg0, %dma_wait3A_593, %dma_wait3A_594] : memref<2x8192x40xi32, #tpu.memory_space<hbm>> -> memref<1x32x40xi32, #tpu.memory_space<hbm>>
          %dma_wait3A_596 = tpu.memref_squeeze %dma_wait3A_595 : memref<1x32x40xi32, #tpu.memory_space<hbm>> -> memref<32x40xi32, #tpu.memory_space<hbm>>
          tpu.wait_dma2 semaphore(%arg21 : memref<!tpu.dma_semaphore, #tpu.memory_space<semaphore_mem>>) src(%dma_wait3A_596 : memref<32x40xi32, #tpu.memory_space<hbm>>) dst(%dma_wait3A_592 : memref<32x40xi32, #tpu.memory_space<vmem>>)
        } else {
          %dma_wait3A_565 = arith.constant 1 : i32
          %dma_wait3A_566 = arith.constant 0 : i32
          %dma_wait3A_567 = arith.constant 0 : i32
          %dma_wait3A_568 = tpu.memref_slice %arg6[%dma_wait3A_565, %dma_wait3A_566, %dma_wait3A_567] : memref<2x32x40xi32, #tpu.memory_space<vmem>> -> memref<1x32x40xi32, #tpu.memory_space<vmem>>
          %dma_wait3A_569 = tpu.memref_squeeze %dma_wait3A_568 : memref<1x32x40xi32, #tpu.memory_space<vmem>> -> memref<32x40xi32, #tpu.memory_space<vmem>>
          %dma_wait3A_570 = arith.constant 0 : i32
          %dma_wait3A_571 = arith.constant 0 : i32
          %dma_wait3A_572 = tpu.memref_slice %arg3[%dma_wait3A_570, %dma_wait3A_571] : memref<8192x40xi32, #tpu.memory_space<hbm>> -> memref<32x40xi32, #tpu.memory_space<hbm>>
          %dma_wait3A_573 = arith.constant 0 : i32
          %dma_wait3A_574 = arith.constant 0 : i32
          %dma_wait3A_575 = tpu.memref_slice %arg6[%dma_wait3A_565, %dma_wait3A_573, %dma_wait3A_574] : memref<2x32x40xi32, #tpu.memory_space<vmem>> -> memref<1x32x40xi32, #tpu.memory_space<vmem>>
          %dma_wait3A_576 = tpu.memref_squeeze %dma_wait3A_575 : memref<1x32x40xi32, #tpu.memory_space<vmem>> -> memref<32x40xi32, #tpu.memory_space<vmem>>
          %dma_wait3A_577 = arith.constant 0 : i32
          %dma_wait3A_578 = arith.constant 0 : i32
          %dma_wait3A_579 = tpu.memref_slice %arg3[%dma_wait3A_577, %dma_wait3A_578] : memref<8192x40xi32, #tpu.memory_space<hbm>> -> memref<32x40xi32, #tpu.memory_space<hbm>>
          tpu.wait_dma2 semaphore(%arg22 : memref<!tpu.dma_semaphore, #tpu.memory_space<semaphore_mem>>) src(%dma_wait3A_579 : memref<32x40xi32, #tpu.memory_space<hbm>>) dst(%dma_wait3A_576 : memref<32x40xi32, #tpu.memory_space<vmem>>)
          %dma_wait3A_580 = arith.constant 1 : i32
          %dma_wait3A_581 = arith.constant 0 : i32
          %dma_wait3A_582 = arith.constant 0 : i32
          %dma_wait3A_583 = tpu.memref_slice %arg7[%dma_wait3A_580, %dma_wait3A_581, %dma_wait3A_582] : memref<2x32x40xi32, #tpu.memory_space<vmem>> -> memref<1x32x40xi32, #tpu.memory_space<vmem>>
          %dma_wait3A_584 = tpu.memref_squeeze %dma_wait3A_583 : memref<1x32x40xi32, #tpu.memory_space<vmem>> -> memref<32x40xi32, #tpu.memory_space<vmem>>
          %dma_wait3A_585 = arith.constant 0 : i32
          %dma_wait3A_586 = arith.constant 0 : i32
          %dma_wait3A_587 = tpu.memref_slice %arg4[%arg0, %dma_wait3A_585, %dma_wait3A_586] : memref<2x8192x40xi32, #tpu.memory_space<hbm>> -> memref<1x32x40xi32, #tpu.memory_space<hbm>>
          %dma_wait3A_588 = tpu.memref_squeeze %dma_wait3A_587 : memref<1x32x40xi32, #tpu.memory_space<hbm>> -> memref<32x40xi32, #tpu.memory_space<hbm>>
          %dma_wait3A_589 = arith.constant 0 : i32
          %dma_wait3A_590 = arith.constant 0 : i32
          %dma_wait3A_591 = tpu.memref_slice %arg7[%dma_wait3A_580, %dma_wait3A_589, %dma_wait3A_590] : memref<2x32x40xi32, #tpu.memory_space<vmem>> -> memref<1x32x40xi32, #tpu.memory_space<vmem>>
          %dma_wait3A_592 = tpu.memref_squeeze %dma_wait3A_591 : memref<1x32x40xi32, #tpu.memory_space<vmem>> -> memref<32x40xi32, #tpu.memory_space<vmem>>
          %dma_wait3A_593 = arith.constant 0 : i32
          %dma_wait3A_594 = arith.constant 0 : i32
          %dma_wait3A_595 = tpu.memref_slice %arg4[%arg0, %dma_wait3A_593, %dma_wait3A_594] : memref<2x8192x40xi32, #tpu.memory_space<hbm>> -> memref<1x32x40xi32, #tpu.memory_space<hbm>>
          %dma_wait3A_596 = tpu.memref_squeeze %dma_wait3A_595 : memref<1x32x40xi32, #tpu.memory_space<hbm>> -> memref<32x40xi32, #tpu.memory_space<hbm>>
          tpu.wait_dma2 semaphore(%arg22 : memref<!tpu.dma_semaphore, #tpu.memory_space<semaphore_mem>>) src(%dma_wait3A_596 : memref<32x40xi32, #tpu.memory_space<hbm>>) dst(%dma_wait3A_592 : memref<32x40xi32, #tpu.memory_space<vmem>>)
        }
      } else {
      }
      %add3A_226 = arith.constant 0 : i32
      %add3A_227 = arith.addi %mul3A_189, %add3A_226 : i32
      %jit3A_228 = arith.constant 32 : i32
      %div3A_229 = arith.divsi %add3A_227, %jit3A_228 : i32
      %sign3A_230 = arith.constant 0 : i32
      %sign3A_231 = arith.cmpi sgt, %add3A_227, %sign3A_230 : i32
      %sign3A_232 = arith.extui %sign3A_231 : i1 to i32
      %sign3A_233 = arith.constant 0 : i32
      %sign3A_234 = arith.cmpi slt, %add3A_227, %sign3A_233 : i32
      %sign3A_235 = arith.extui %sign3A_234 : i1 to i32
      %sign3A_236 = arith.subi %sign3A_232, %sign3A_235 : i32
      %sign3A_237 = arith.constant 0 : i32
      %sign3A_238 = arith.cmpi sgt, %jit3A_228, %sign3A_237 : i32
      %sign3A_239 = arith.extui %sign3A_238 : i1 to i32
      %sign3A_240 = arith.constant 0 : i32
      %sign3A_241 = arith.cmpi slt, %jit3A_228, %sign3A_240 : i32
      %sign3A_242 = arith.extui %sign3A_241 : i1 to i32
      %sign3A_243 = arith.subi %sign3A_239, %sign3A_242 : i32
      %ne3A_244 = arith.cmpi ne, %sign3A_236, %sign3A_243 : i32
      %rem3A_245 = arith.remsi %add3A_227, %jit3A_228 : i32
      %ne3A_246 = arith.constant 0 : i32
      %ne3A_247 = arith.cmpi ne, %rem3A_245, %ne3A_246 : i32
      %and3A_248 = arith.andi %ne3A_244, %ne3A_247 : i1
      %sub3A_249 = arith.constant 1 : i32
      %sub3A_250 = arith.subi %div3A_229, %sub3A_249 : i32
      %select_n3A_251 = arith.select %and3A_248, %sub3A_250, %div3A_229 : i32
      %jit3A_252 = arith.constant 2 : i32
      %eq3A_253 = arith.constant 0 : i32
      %eq3A_254 = arith.cmpi eq, %jit3A_252, %eq3A_253 : i32
      %jit3A_255 = arith.constant 1 : i32
      %select_n3A_256 = arith.select %eq3A_254, %jit3A_255, %jit3A_252 : i32
      %rem3A_257 = arith.remsi %select_n3A_251, %select_n3A_256 : i32
      %ne3A_258 = arith.constant 0 : i32
      %ne3A_259 = arith.cmpi ne, %rem3A_257, %ne3A_258 : i32
      %lt3A_260 = arith.constant 0 : i32
      %lt3A_261 = arith.cmpi slt, %rem3A_257, %lt3A_260 : i32
      %lt3A_262 = arith.constant 0 : i32
      %lt3A_263 = arith.cmpi slt, %select_n3A_256, %lt3A_262 : i32
      %ne3A_264 = arith.xori %lt3A_261, %lt3A_263 : i1
      %and3A_265 = arith.andi %ne3A_264, %ne3A_259 : i1
      %add3A_266 = arith.addi %rem3A_257, %select_n3A_256 : i32
      %select_n3A_267 = arith.select %and3A_265, %add3A_266, %rem3A_257 : i32
      %jit3A_268 = arith.constant 32 : i32
      %eq3A_269 = arith.constant 0 : i32
      %eq3A_270 = arith.cmpi eq, %jit3A_268, %eq3A_269 : i32
      %jit3A_271 = arith.constant 1 : i32
      %select_n3A_272 = arith.select %eq3A_270, %jit3A_271, %jit3A_268 : i32
      %rem3A_273 = arith.remsi %add3A_227, %select_n3A_272 : i32
      %ne3A_274 = arith.constant 0 : i32
      %ne3A_275 = arith.cmpi ne, %rem3A_273, %ne3A_274 : i32
      %lt3A_276 = arith.constant 0 : i32
      %lt3A_277 = arith.cmpi slt, %rem3A_273, %lt3A_276 : i32
      %lt3A_278 = arith.constant 0 : i32
      %lt3A_279 = arith.cmpi slt, %select_n3A_272, %lt3A_278 : i32
      %ne3A_280 = arith.xori %lt3A_277, %lt3A_279 : i1
      %and3A_281 = arith.andi %ne3A_280, %ne3A_275 : i1
      %add3A_282 = arith.addi %rem3A_273, %select_n3A_272 : i32
      %select_n3A_283 = arith.select %and3A_281, %add3A_282, %rem3A_273 : i32
      %dma_wait3A_284 = arith.constant 0 : i32
      %dma_wait3A_285 = tpu.memref_slice %arg6[%select_n3A_267, %select_n3A_283, %dma_wait3A_284] : memref<2x32x40xi32, #tpu.memory_space<vmem>> -> memref<1x1x40xi32, #tpu.memory_space<vmem>>
      %dma_wait3A_286 = tpu.memref_squeeze %dma_wait3A_285 : memref<1x1x40xi32, #tpu.memory_space<vmem>> -> memref<40xi32, #tpu.memory_space<vmem>>
      %dma_wait3A_287 = arith.constant 0 : i32
      %dma_wait3A_288 = arith.constant 0 : i32
      %dma_wait3A_289 = tpu.memref_slice %arg2[%dma_wait3A_287, %dma_wait3A_288] : memref<10240x128xf32, #tpu.memory_space<hbm>> -> memref<10240x128xf32, #tpu.memory_space<hbm>>
      tpu.wait_indirect_dma semaphore(%arg13 : memref<!tpu.dma_semaphore, #tpu.memory_space<semaphore_mem>>) src(%dma_wait3A_289 : memref<10240x128xf32, #tpu.memory_space<hbm>>) dst(%arg8 : memref<40x128xf32, #tpu.memory_space<vmem>>)
      %dma_start3A_290 = arith.constant 0 : i32
      %dma_start3A_291 = tpu.memref_slice %arg7[%select_n3A_267, %select_n3A_283, %dma_start3A_290] : memref<2x32x40xi32, #tpu.memory_space<vmem>> -> memref<1x1x40xi32, #tpu.memory_space<vmem>>
      %dma_start3A_292 = tpu.memref_squeeze %dma_start3A_291 : memref<1x1x40xi32, #tpu.memory_space<vmem>> -> memref<40xi32, #tpu.memory_space<vmem>>
      %dma_start3A_293 = arith.constant 0 : i32
      %dma_start3A_294 = arith.constant 0 : i32
      %dma_start3A_295 = tpu.memref_slice %arg12[%dma_start3A_293, %dma_start3A_294] : memref<5248x128xf32, #tpu.memory_space<vmem_shared>> -> memref<5248x128xf32, #tpu.memory_space<vmem_shared>>
      tpu.enqueue_indirect_dma source(%arg8 : memref<40x128xf32, #tpu.memory_space<vmem>>) target(%dma_start3A_295 : memref<5248x128xf32, #tpu.memory_space<vmem_shared>>) offsets(%dma_start3A_292 : memref<40xi32, #tpu.memory_space<vmem>>) semaphore(%arg17 : memref<!tpu.dma_semaphore, #tpu.memory_space<semaphore_mem>>) {add = true}
      %add3A_296 = arith.constant 3 : i32
      %add3A_297 = arith.addi %add3A_227, %add3A_296 : i32
      %lt3A_298 = arith.constant 512 : i32
      %lt3A_299 = arith.cmpi slt, %add3A_297, %lt3A_298 : i32
      %convert_element_type3A_300 = arith.extui %lt3A_299 : i1 to i32
      %cond3A_301 = arith.constant 0 : i32
      %cond3A_302 = arith.cmpi ne, %convert_element_type3A_300, %cond3A_301 : i32
      scf.if %cond3A_302 {
        %ge3A_542 = arith.constant 4 : i32
        %ge3A_543 = arith.cmpi sge, %add3A_297, %ge3A_542 : i32
        %convert_element_type3A_544 = arith.extui %ge3A_543 : i1 to i32
        %cond3A_545 = arith.constant 0 : i32
        %cond3A_546 = arith.cmpi ne, %convert_element_type3A_544, %cond3A_545 : i32
        scf.if %cond3A_546 {
          %dma_wait3A_609 = arith.constant 0 : i32
          %dma_wait3A_610 = arith.constant 0 : i32
          %dma_wait3A_611 = arith.constant 0 : i32
          %dma_wait3A_612 = tpu.memref_slice %arg7[%dma_wait3A_609, %dma_wait3A_610, %dma_wait3A_611] : memref<2x32x40xi32, #tpu.memory_space<vmem>> -> memref<1x1x40xi32, #tpu.memory_space<vmem>>
          %dma_wait3A_613 = tpu.memref_squeeze %dma_wait3A_612 : memref<1x1x40xi32, #tpu.memory_space<vmem>> -> memref<40xi32, #tpu.memory_space<vmem>>
          %dma_wait3A_614 = arith.constant 0 : i32
          %dma_wait3A_615 = arith.constant 0 : i32
          %dma_wait3A_616 = tpu.memref_slice %arg12[%dma_wait3A_614, %dma_wait3A_615] : memref<5248x128xf32, #tpu.memory_space<vmem_shared>> -> memref<5248x128xf32, #tpu.memory_space<vmem_shared>>
          tpu.wait_indirect_dma semaphore(%arg20 : memref<!tpu.dma_semaphore, #tpu.memory_space<semaphore_mem>>) src(%arg11 : memref<40x128xf32, #tpu.memory_space<vmem>>) dst(%dma_wait3A_616 : memref<5248x128xf32, #tpu.memory_space<vmem_shared>>)
        } else {
        }
        %jit3A_547 = arith.constant 32 : i32
        %div3A_548 = arith.divsi %add3A_297, %jit3A_547 : i32
        %sign3A_549 = arith.constant 0 : i32
        %sign3A_550 = arith.cmpi sgt, %add3A_297, %sign3A_549 : i32
        %sign3A_551 = arith.extui %sign3A_550 : i1 to i32
        %sign3A_552 = arith.constant 0 : i32
        %sign3A_553 = arith.cmpi slt, %add3A_297, %sign3A_552 : i32
        %sign3A_554 = arith.extui %sign3A_553 : i1 to i32
        %sign3A_555 = arith.subi %sign3A_551, %sign3A_554 : i32
        %sign3A_556 = arith.constant 0 : i32
        %sign3A_557 = arith.cmpi sgt, %jit3A_547, %sign3A_556 : i32
        %sign3A_558 = arith.extui %sign3A_557 : i1 to i32
        %sign3A_559 = arith.constant 0 : i32
        %sign3A_560 = arith.cmpi slt, %jit3A_547, %sign3A_559 : i32
        %sign3A_561 = arith.extui %sign3A_560 : i1 to i32
        %sign3A_562 = arith.subi %sign3A_558, %sign3A_561 : i32
        %ne3A_563 = arith.cmpi ne, %sign3A_555, %sign3A_562 : i32
        %rem3A_564 = arith.remsi %add3A_297, %jit3A_547 : i32
        %ne3A_565 = arith.constant 0 : i32
        %ne3A_566 = arith.cmpi ne, %rem3A_564, %ne3A_565 : i32
        %and3A_567 = arith.andi %ne3A_563, %ne3A_566 : i1
        %sub3A_568 = arith.constant 1 : i32
        %sub3A_569 = arith.subi %div3A_548, %sub3A_568 : i32
        %select_n3A_570 = arith.select %and3A_567, %sub3A_569, %div3A_548 : i32
        %jit3A_571 = arith.constant 2 : i32
        %eq3A_572 = arith.constant 0 : i32
        %eq3A_573 = arith.cmpi eq, %jit3A_571, %eq3A_572 : i32
        %jit3A_574 = arith.constant 1 : i32
        %select_n3A_575 = arith.select %eq3A_573, %jit3A_574, %jit3A_571 : i32
        %rem3A_576 = arith.remsi %select_n3A_570, %select_n3A_575 : i32
        %ne3A_577 = arith.constant 0 : i32
        %ne3A_578 = arith.cmpi ne, %rem3A_576, %ne3A_577 : i32
        %lt3A_579 = arith.constant 0 : i32
        %lt3A_580 = arith.cmpi slt, %rem3A_576, %lt3A_579 : i32
        %lt3A_581 = arith.constant 0 : i32
        %lt3A_582 = arith.cmpi slt, %select_n3A_575, %lt3A_581 : i32
        %ne3A_583 = arith.xori %lt3A_580, %lt3A_582 : i1
        %and3A_584 = arith.andi %ne3A_583, %ne3A_578 : i1
        %add3A_585 = arith.addi %rem3A_576, %select_n3A_575 : i32
        %select_n3A_586 = arith.select %and3A_584, %add3A_585, %rem3A_576 : i32
        %jit3A_587 = arith.constant 32 : i32
        %eq3A_588 = arith.constant 0 : i32
        %eq3A_589 = arith.cmpi eq, %jit3A_587, %eq3A_588 : i32
        %jit3A_590 = arith.constant 1 : i32
        %select_n3A_591 = arith.select %eq3A_589, %jit3A_590, %jit3A_587 : i32
        %rem3A_592 = arith.remsi %add3A_297, %select_n3A_591 : i32
        %ne3A_593 = arith.constant 0 : i32
        %ne3A_594 = arith.cmpi ne, %rem3A_592, %ne3A_593 : i32
        %lt3A_595 = arith.constant 0 : i32
        %lt3A_596 = arith.cmpi slt, %rem3A_592, %lt3A_595 : i32
        %lt3A_597 = arith.constant 0 : i32
        %lt3A_598 = arith.cmpi slt, %select_n3A_591, %lt3A_597 : i32
        %ne3A_599 = arith.xori %lt3A_596, %lt3A_598 : i1
        %and3A_600 = arith.andi %ne3A_599, %ne3A_594 : i1
        %add3A_601 = arith.addi %rem3A_592, %select_n3A_591 : i32
        %select_n3A_602 = arith.select %and3A_600, %add3A_601, %rem3A_592 : i32
        %dma_start3A_603 = arith.constant 0 : i32
        %dma_start3A_604 = tpu.memref_slice %arg6[%select_n3A_586, %select_n3A_602, %dma_start3A_603] : memref<2x32x40xi32, #tpu.memory_space<vmem>> -> memref<1x1x40xi32, #tpu.memory_space<vmem>>
        %dma_start3A_605 = tpu.memref_squeeze %dma_start3A_604 : memref<1x1x40xi32, #tpu.memory_space<vmem>> -> memref<40xi32, #tpu.memory_space<vmem>>
        %dma_start3A_606 = arith.constant 0 : i32
        %dma_start3A_607 = arith.constant 0 : i32
        %dma_start3A_608 = tpu.memref_slice %arg2[%dma_start3A_606, %dma_start3A_607] : memref<10240x128xf32, #tpu.memory_space<hbm>> -> memref<10240x128xf32, #tpu.memory_space<hbm>>
        tpu.enqueue_indirect_dma source(%dma_start3A_608 : memref<10240x128xf32, #tpu.memory_space<hbm>>) target(%arg11 : memref<40x128xf32, #tpu.memory_space<vmem>>) offsets(%dma_start3A_605 : memref<40xi32, #tpu.memory_space<vmem>>) semaphore(%arg16 : memref<!tpu.dma_semaphore, #tpu.memory_space<semaphore_mem>>)
      } else {
      }
      %add3A_303 = arith.constant 1 : i32
      %add3A_304 = arith.addi %mul3A_189, %add3A_303 : i32
      %jit3A_305 = arith.constant 32 : i32
      %div3A_306 = arith.divsi %add3A_304, %jit3A_305 : i32
      %sign3A_307 = arith.constant 0 : i32
      %sign3A_308 = arith.cmpi sgt, %add3A_304, %sign3A_307 : i32
      %sign3A_309 = arith.extui %sign3A_308 : i1 to i32
      %sign3A_310 = arith.constant 0 : i32
      %sign3A_311 = arith.cmpi slt, %add3A_304, %sign3A_310 : i32
      %sign3A_312 = arith.extui %sign3A_311 : i1 to i32
      %sign3A_313 = arith.subi %sign3A_309, %sign3A_312 : i32
      %sign3A_314 = arith.constant 0 : i32
      %sign3A_315 = arith.cmpi sgt, %jit3A_305, %sign3A_314 : i32
      %sign3A_316 = arith.extui %sign3A_315 : i1 to i32
      %sign3A_317 = arith.constant 0 : i32
      %sign3A_318 = arith.cmpi slt, %jit3A_305, %sign3A_317 : i32
      %sign3A_319 = arith.extui %sign3A_318 : i1 to i32
      %sign3A_320 = arith.subi %sign3A_316, %sign3A_319 : i32
      %ne3A_321 = arith.cmpi ne, %sign3A_313, %sign3A_320 : i32
      %rem3A_322 = arith.remsi %add3A_304, %jit3A_305 : i32
      %ne3A_323 = arith.constant 0 : i32
      %ne3A_324 = arith.cmpi ne, %rem3A_322, %ne3A_323 : i32
      %and3A_325 = arith.andi %ne3A_321, %ne3A_324 : i1
      %sub3A_326 = arith.constant 1 : i32
      %sub3A_327 = arith.subi %div3A_306, %sub3A_326 : i32
      %select_n3A_328 = arith.select %and3A_325, %sub3A_327, %div3A_306 : i32
      %jit3A_329 = arith.constant 2 : i32
      %eq3A_330 = arith.constant 0 : i32
      %eq3A_331 = arith.cmpi eq, %jit3A_329, %eq3A_330 : i32
      %jit3A_332 = arith.constant 1 : i32
      %select_n3A_333 = arith.select %eq3A_331, %jit3A_332, %jit3A_329 : i32
      %rem3A_334 = arith.remsi %select_n3A_328, %select_n3A_333 : i32
      %ne3A_335 = arith.constant 0 : i32
      %ne3A_336 = arith.cmpi ne, %rem3A_334, %ne3A_335 : i32
      %lt3A_337 = arith.constant 0 : i32
      %lt3A_338 = arith.cmpi slt, %rem3A_334, %lt3A_337 : i32
      %lt3A_339 = arith.constant 0 : i32
      %lt3A_340 = arith.cmpi slt, %select_n3A_333, %lt3A_339 : i32
      %ne3A_341 = arith.xori %lt3A_338, %lt3A_340 : i1
      %and3A_342 = arith.andi %ne3A_341, %ne3A_336 : i1
      %add3A_343 = arith.addi %rem3A_334, %select_n3A_333 : i32
      %select_n3A_344 = arith.select %and3A_342, %add3A_343, %rem3A_334 : i32
      %jit3A_345 = arith.constant 32 : i32
      %eq3A_346 = arith.constant 0 : i32
      %eq3A_347 = arith.cmpi eq, %jit3A_345, %eq3A_346 : i32
      %jit3A_348 = arith.constant 1 : i32
      %select_n3A_349 = arith.select %eq3A_347, %jit3A_348, %jit3A_345 : i32
      %rem3A_350 = arith.remsi %add3A_304, %select_n3A_349 : i32
      %ne3A_351 = arith.constant 0 : i32
      %ne3A_352 = arith.cmpi ne, %rem3A_350, %ne3A_351 : i32
      %lt3A_353 = arith.constant 0 : i32
      %lt3A_354 = arith.cmpi slt, %rem3A_350, %lt3A_353 : i32
      %lt3A_355 = arith.constant 0 : i32
      %lt3A_356 = arith.cmpi slt, %select_n3A_349, %lt3A_355 : i32
      %ne3A_357 = arith.xori %lt3A_354, %lt3A_356 : i1
      %and3A_358 = arith.andi %ne3A_357, %ne3A_352 : i1
      %add3A_359 = arith.addi %rem3A_350, %select_n3A_349 : i32
      %select_n3A_360 = arith.select %and3A_358, %add3A_359, %rem3A_350 : i32
      %dma_wait3A_361 = arith.constant 0 : i32
      %dma_wait3A_362 = tpu.memref_slice %arg6[%select_n3A_344, %select_n3A_360, %dma_wait3A_361] : memref<2x32x40xi32, #tpu.memory_space<vmem>> -> memref<1x1x40xi32, #tpu.memory_space<vmem>>
      %dma_wait3A_363 = tpu.memref_squeeze %dma_wait3A_362 : memref<1x1x40xi32, #tpu.memory_space<vmem>> -> memref<40xi32, #tpu.memory_space<vmem>>
      %dma_wait3A_364 = arith.constant 0 : i32
      %dma_wait3A_365 = arith.constant 0 : i32
      %dma_wait3A_366 = tpu.memref_slice %arg2[%dma_wait3A_364, %dma_wait3A_365] : memref<10240x128xf32, #tpu.memory_space<hbm>> -> memref<10240x128xf32, #tpu.memory_space<hbm>>
      tpu.wait_indirect_dma semaphore(%arg14 : memref<!tpu.dma_semaphore, #tpu.memory_space<semaphore_mem>>) src(%dma_wait3A_366 : memref<10240x128xf32, #tpu.memory_space<hbm>>) dst(%arg9 : memref<40x128xf32, #tpu.memory_space<vmem>>)
      %dma_start3A_367 = arith.constant 0 : i32
      %dma_start3A_368 = tpu.memref_slice %arg7[%select_n3A_344, %select_n3A_360, %dma_start3A_367] : memref<2x32x40xi32, #tpu.memory_space<vmem>> -> memref<1x1x40xi32, #tpu.memory_space<vmem>>
      %dma_start3A_369 = tpu.memref_squeeze %dma_start3A_368 : memref<1x1x40xi32, #tpu.memory_space<vmem>> -> memref<40xi32, #tpu.memory_space<vmem>>
      %dma_start3A_370 = arith.constant 0 : i32
      %dma_start3A_371 = arith.constant 0 : i32
      %dma_start3A_372 = tpu.memref_slice %arg12[%dma_start3A_370, %dma_start3A_371] : memref<5248x128xf32, #tpu.memory_space<vmem_shared>> -> memref<5248x128xf32, #tpu.memory_space<vmem_shared>>
      tpu.enqueue_indirect_dma source(%arg9 : memref<40x128xf32, #tpu.memory_space<vmem>>) target(%dma_start3A_372 : memref<5248x128xf32, #tpu.memory_space<vmem_shared>>) offsets(%dma_start3A_369 : memref<40xi32, #tpu.memory_space<vmem>>) semaphore(%arg18 : memref<!tpu.dma_semaphore, #tpu.memory_space<semaphore_mem>>) {add = true}
      %add3A_373 = arith.constant 3 : i32
      %add3A_374 = arith.addi %add3A_304, %add3A_373 : i32
      %lt3A_375 = arith.constant 512 : i32
      %lt3A_376 = arith.cmpi slt, %add3A_374, %lt3A_375 : i32
      %convert_element_type3A_377 = arith.extui %lt3A_376 : i1 to i32
      %cond3A_378 = arith.constant 0 : i32
      %cond3A_379 = arith.cmpi ne, %convert_element_type3A_377, %cond3A_378 : i32
      scf.if %cond3A_379 {
        %ge3A_542 = arith.constant 4 : i32
        %ge3A_543 = arith.cmpi sge, %add3A_374, %ge3A_542 : i32
        %convert_element_type3A_544 = arith.extui %ge3A_543 : i1 to i32
        %cond3A_545 = arith.constant 0 : i32
        %cond3A_546 = arith.cmpi ne, %convert_element_type3A_544, %cond3A_545 : i32
        scf.if %cond3A_546 {
          %dma_wait3A_609 = arith.constant 0 : i32
          %dma_wait3A_610 = arith.constant 0 : i32
          %dma_wait3A_611 = arith.constant 0 : i32
          %dma_wait3A_612 = tpu.memref_slice %arg7[%dma_wait3A_609, %dma_wait3A_610, %dma_wait3A_611] : memref<2x32x40xi32, #tpu.memory_space<vmem>> -> memref<1x1x40xi32, #tpu.memory_space<vmem>>
          %dma_wait3A_613 = tpu.memref_squeeze %dma_wait3A_612 : memref<1x1x40xi32, #tpu.memory_space<vmem>> -> memref<40xi32, #tpu.memory_space<vmem>>
          %dma_wait3A_614 = arith.constant 0 : i32
          %dma_wait3A_615 = arith.constant 0 : i32
          %dma_wait3A_616 = tpu.memref_slice %arg12[%dma_wait3A_614, %dma_wait3A_615] : memref<5248x128xf32, #tpu.memory_space<vmem_shared>> -> memref<5248x128xf32, #tpu.memory_space<vmem_shared>>
          tpu.wait_indirect_dma semaphore(%arg17 : memref<!tpu.dma_semaphore, #tpu.memory_space<semaphore_mem>>) src(%arg8 : memref<40x128xf32, #tpu.memory_space<vmem>>) dst(%dma_wait3A_616 : memref<5248x128xf32, #tpu.memory_space<vmem_shared>>)
        } else {
        }
        %jit3A_547 = arith.constant 32 : i32
        %div3A_548 = arith.divsi %add3A_374, %jit3A_547 : i32
        %sign3A_549 = arith.constant 0 : i32
        %sign3A_550 = arith.cmpi sgt, %add3A_374, %sign3A_549 : i32
        %sign3A_551 = arith.extui %sign3A_550 : i1 to i32
        %sign3A_552 = arith.constant 0 : i32
        %sign3A_553 = arith.cmpi slt, %add3A_374, %sign3A_552 : i32
        %sign3A_554 = arith.extui %sign3A_553 : i1 to i32
        %sign3A_555 = arith.subi %sign3A_551, %sign3A_554 : i32
        %sign3A_556 = arith.constant 0 : i32
        %sign3A_557 = arith.cmpi sgt, %jit3A_547, %sign3A_556 : i32
        %sign3A_558 = arith.extui %sign3A_557 : i1 to i32
        %sign3A_559 = arith.constant 0 : i32
        %sign3A_560 = arith.cmpi slt, %jit3A_547, %sign3A_559 : i32
        %sign3A_561 = arith.extui %sign3A_560 : i1 to i32
        %sign3A_562 = arith.subi %sign3A_558, %sign3A_561 : i32
        %ne3A_563 = arith.cmpi ne, %sign3A_555, %sign3A_562 : i32
        %rem3A_564 = arith.remsi %add3A_374, %jit3A_547 : i32
        %ne3A_565 = arith.constant 0 : i32
        %ne3A_566 = arith.cmpi ne, %rem3A_564, %ne3A_565 : i32
        %and3A_567 = arith.andi %ne3A_563, %ne3A_566 : i1
        %sub3A_568 = arith.constant 1 : i32
        %sub3A_569 = arith.subi %div3A_548, %sub3A_568 : i32
        %select_n3A_570 = arith.select %and3A_567, %sub3A_569, %div3A_548 : i32
        %jit3A_571 = arith.constant 2 : i32
        %eq3A_572 = arith.constant 0 : i32
        %eq3A_573 = arith.cmpi eq, %jit3A_571, %eq3A_572 : i32
        %jit3A_574 = arith.constant 1 : i32
        %select_n3A_575 = arith.select %eq3A_573, %jit3A_574, %jit3A_571 : i32
        %rem3A_576 = arith.remsi %select_n3A_570, %select_n3A_575 : i32
        %ne3A_577 = arith.constant 0 : i32
        %ne3A_578 = arith.cmpi ne, %rem3A_576, %ne3A_577 : i32
        %lt3A_579 = arith.constant 0 : i32
        %lt3A_580 = arith.cmpi slt, %rem3A_576, %lt3A_579 : i32
        %lt3A_581 = arith.constant 0 : i32
        %lt3A_582 = arith.cmpi slt, %select_n3A_575, %lt3A_581 : i32
        %ne3A_583 = arith.xori %lt3A_580, %lt3A_582 : i1
        %and3A_584 = arith.andi %ne3A_583, %ne3A_578 : i1
        %add3A_585 = arith.addi %rem3A_576, %select_n3A_575 : i32
        %select_n3A_586 = arith.select %and3A_584, %add3A_585, %rem3A_576 : i32
        %jit3A_587 = arith.constant 32 : i32
        %eq3A_588 = arith.constant 0 : i32
        %eq3A_589 = arith.cmpi eq, %jit3A_587, %eq3A_588 : i32
        %jit3A_590 = arith.constant 1 : i32
        %select_n3A_591 = arith.select %eq3A_589, %jit3A_590, %jit3A_587 : i32
        %rem3A_592 = arith.remsi %add3A_374, %select_n3A_591 : i32
        %ne3A_593 = arith.constant 0 : i32
        %ne3A_594 = arith.cmpi ne, %rem3A_592, %ne3A_593 : i32
        %lt3A_595 = arith.constant 0 : i32
        %lt3A_596 = arith.cmpi slt, %rem3A_592, %lt3A_595 : i32
        %lt3A_597 = arith.constant 0 : i32
        %lt3A_598 = arith.cmpi slt, %select_n3A_591, %lt3A_597 : i32
        %ne3A_599 = arith.xori %lt3A_596, %lt3A_598 : i1
        %and3A_600 = arith.andi %ne3A_599, %ne3A_594 : i1
        %add3A_601 = arith.addi %rem3A_592, %select_n3A_591 : i32
        %select_n3A_602 = arith.select %and3A_600, %add3A_601, %rem3A_592 : i32
        %dma_start3A_603 = arith.constant 0 : i32
        %dma_start3A_604 = tpu.memref_slice %arg6[%select_n3A_586, %select_n3A_602, %dma_start3A_603] : memref<2x32x40xi32, #tpu.memory_space<vmem>> -> memref<1x1x40xi32, #tpu.memory_space<vmem>>
        %dma_start3A_605 = tpu.memref_squeeze %dma_start3A_604 : memref<1x1x40xi32, #tpu.memory_space<vmem>> -> memref<40xi32, #tpu.memory_space<vmem>>
        %dma_start3A_606 = arith.constant 0 : i32
        %dma_start3A_607 = arith.constant 0 : i32
        %dma_start3A_608 = tpu.memref_slice %arg2[%dma_start3A_606, %dma_start3A_607] : memref<10240x128xf32, #tpu.memory_space<hbm>> -> memref<10240x128xf32, #tpu.memory_space<hbm>>
        tpu.enqueue_indirect_dma source(%dma_start3A_608 : memref<10240x128xf32, #tpu.memory_space<hbm>>) target(%arg8 : memref<40x128xf32, #tpu.memory_space<vmem>>) offsets(%dma_start3A_605 : memref<40xi32, #tpu.memory_space<vmem>>) semaphore(%arg13 : memref<!tpu.dma_semaphore, #tpu.memory_space<semaphore_mem>>)
      } else {
      }
      %add3A_380 = arith.constant 2 : i32
      %add3A_381 = arith.addi %mul3A_189, %add3A_380 : i32
      %jit3A_382 = arith.constant 32 : i32
      %div3A_383 = arith.divsi %add3A_381, %jit3A_382 : i32
      %sign3A_384 = arith.constant 0 : i32
      %sign3A_385 = arith.cmpi sgt, %add3A_381, %sign3A_384 : i32
      %sign3A_386 = arith.extui %sign3A_385 : i1 to i32
      %sign3A_387 = arith.constant 0 : i32
      %sign3A_388 = arith.cmpi slt, %add3A_381, %sign3A_387 : i32
      %sign3A_389 = arith.extui %sign3A_388 : i1 to i32
      %sign3A_390 = arith.subi %sign3A_386, %sign3A_389 : i32
      %sign3A_391 = arith.constant 0 : i32
      %sign3A_392 = arith.cmpi sgt, %jit3A_382, %sign3A_391 : i32
      %sign3A_393 = arith.extui %sign3A_392 : i1 to i32
      %sign3A_394 = arith.constant 0 : i32
      %sign3A_395 = arith.cmpi slt, %jit3A_382, %sign3A_394 : i32
      %sign3A_396 = arith.extui %sign3A_395 : i1 to i32
      %sign3A_397 = arith.subi %sign3A_393, %sign3A_396 : i32
      %ne3A_398 = arith.cmpi ne, %sign3A_390, %sign3A_397 : i32
      %rem3A_399 = arith.remsi %add3A_381, %jit3A_382 : i32
      %ne3A_400 = arith.constant 0 : i32
      %ne3A_401 = arith.cmpi ne, %rem3A_399, %ne3A_400 : i32
      %and3A_402 = arith.andi %ne3A_398, %ne3A_401 : i1
      %sub3A_403 = arith.constant 1 : i32
      %sub3A_404 = arith.subi %div3A_383, %sub3A_403 : i32
      %select_n3A_405 = arith.select %and3A_402, %sub3A_404, %div3A_383 : i32
      %jit3A_406 = arith.constant 2 : i32
      %eq3A_407 = arith.constant 0 : i32
      %eq3A_408 = arith.cmpi eq, %jit3A_406, %eq3A_407 : i32
      %jit3A_409 = arith.constant 1 : i32
      %select_n3A_410 = arith.select %eq3A_408, %jit3A_409, %jit3A_406 : i32
      %rem3A_411 = arith.remsi %select_n3A_405, %select_n3A_410 : i32
      %ne3A_412 = arith.constant 0 : i32
      %ne3A_413 = arith.cmpi ne, %rem3A_411, %ne3A_412 : i32
      %lt3A_414 = arith.constant 0 : i32
      %lt3A_415 = arith.cmpi slt, %rem3A_411, %lt3A_414 : i32
      %lt3A_416 = arith.constant 0 : i32
      %lt3A_417 = arith.cmpi slt, %select_n3A_410, %lt3A_416 : i32
      %ne3A_418 = arith.xori %lt3A_415, %lt3A_417 : i1
      %and3A_419 = arith.andi %ne3A_418, %ne3A_413 : i1
      %add3A_420 = arith.addi %rem3A_411, %select_n3A_410 : i32
      %select_n3A_421 = arith.select %and3A_419, %add3A_420, %rem3A_411 : i32
      %jit3A_422 = arith.constant 32 : i32
      %eq3A_423 = arith.constant 0 : i32
      %eq3A_424 = arith.cmpi eq, %jit3A_422, %eq3A_423 : i32
      %jit3A_425 = arith.constant 1 : i32
      %select_n3A_426 = arith.select %eq3A_424, %jit3A_425, %jit3A_422 : i32
      %rem3A_427 = arith.remsi %add3A_381, %select_n3A_426 : i32
      %ne3A_428 = arith.constant 0 : i32
      %ne3A_429 = arith.cmpi ne, %rem3A_427, %ne3A_428 : i32
      %lt3A_430 = arith.constant 0 : i32
      %lt3A_431 = arith.cmpi slt, %rem3A_427, %lt3A_430 : i32
      %lt3A_432 = arith.constant 0 : i32
      %lt3A_433 = arith.cmpi slt, %select_n3A_426, %lt3A_432 : i32
      %ne3A_434 = arith.xori %lt3A_431, %lt3A_433 : i1
      %and3A_435 = arith.andi %ne3A_434, %ne3A_429 : i1
      %add3A_436 = arith.addi %rem3A_427, %select_n3A_426 : i32
      %select_n3A_437 = arith.select %and3A_435, %add3A_436, %rem3A_427 : i32
      %dma_wait3A_438 = arith.constant 0 : i32
      %dma_wait3A_439 = tpu.memref_slice %arg6[%select_n3A_421, %select_n3A_437, %dma_wait3A_438] : memref<2x32x40xi32, #tpu.memory_space<vmem>> -> memref<1x1x40xi32, #tpu.memory_space<vmem>>
      %dma_wait3A_440 = tpu.memref_squeeze %dma_wait3A_439 : memref<1x1x40xi32, #tpu.memory_space<vmem>> -> memref<40xi32, #tpu.memory_space<vmem>>
      %dma_wait3A_441 = arith.constant 0 : i32
      %dma_wait3A_442 = arith.constant 0 : i32
      %dma_wait3A_443 = tpu.memref_slice %arg2[%dma_wait3A_441, %dma_wait3A_442] : memref<10240x128xf32, #tpu.memory_space<hbm>> -> memref<10240x128xf32, #tpu.memory_space<hbm>>
      tpu.wait_indirect_dma semaphore(%arg15 : memref<!tpu.dma_semaphore, #tpu.memory_space<semaphore_mem>>) src(%dma_wait3A_443 : memref<10240x128xf32, #tpu.memory_space<hbm>>) dst(%arg10 : memref<40x128xf32, #tpu.memory_space<vmem>>)
      %dma_start3A_444 = arith.constant 0 : i32
      %dma_start3A_445 = tpu.memref_slice %arg7[%select_n3A_421, %select_n3A_437, %dma_start3A_444] : memref<2x32x40xi32, #tpu.memory_space<vmem>> -> memref<1x1x40xi32, #tpu.memory_space<vmem>>
      %dma_start3A_446 = tpu.memref_squeeze %dma_start3A_445 : memref<1x1x40xi32, #tpu.memory_space<vmem>> -> memref<40xi32, #tpu.memory_space<vmem>>
      %dma_start3A_447 = arith.constant 0 : i32
      %dma_start3A_448 = arith.constant 0 : i32
      %dma_start3A_449 = tpu.memref_slice %arg12[%dma_start3A_447, %dma_start3A_448] : memref<5248x128xf32, #tpu.memory_space<vmem_shared>> -> memref<5248x128xf32, #tpu.memory_space<vmem_shared>>
      tpu.enqueue_indirect_dma source(%arg10 : memref<40x128xf32, #tpu.memory_space<vmem>>) target(%dma_start3A_449 : memref<5248x128xf32, #tpu.memory_space<vmem_shared>>) offsets(%dma_start3A_446 : memref<40xi32, #tpu.memory_space<vmem>>) semaphore(%arg19 : memref<!tpu.dma_semaphore, #tpu.memory_space<semaphore_mem>>) {add = true}
      %add3A_450 = arith.constant 3 : i32
      %add3A_451 = arith.addi %add3A_381, %add3A_450 : i32
      %lt3A_452 = arith.constant 512 : i32
      %lt3A_453 = arith.cmpi slt, %add3A_451, %lt3A_452 : i32
      %convert_element_type3A_454 = arith.extui %lt3A_453 : i1 to i32
      %cond3A_455 = arith.constant 0 : i32
      %cond3A_456 = arith.cmpi ne, %convert_element_type3A_454, %cond3A_455 : i32
      scf.if %cond3A_456 {
        %ge3A_542 = arith.constant 4 : i32
        %ge3A_543 = arith.cmpi sge, %add3A_451, %ge3A_542 : i32
        %convert_element_type3A_544 = arith.extui %ge3A_543 : i1 to i32
        %cond3A_545 = arith.constant 0 : i32
        %cond3A_546 = arith.cmpi ne, %convert_element_type3A_544, %cond3A_545 : i32
        scf.if %cond3A_546 {
          %dma_wait3A_609 = arith.constant 0 : i32
          %dma_wait3A_610 = arith.constant 0 : i32
          %dma_wait3A_611 = arith.constant 0 : i32
          %dma_wait3A_612 = tpu.memref_slice %arg7[%dma_wait3A_609, %dma_wait3A_610, %dma_wait3A_611] : memref<2x32x40xi32, #tpu.memory_space<vmem>> -> memref<1x1x40xi32, #tpu.memory_space<vmem>>
          %dma_wait3A_613 = tpu.memref_squeeze %dma_wait3A_612 : memref<1x1x40xi32, #tpu.memory_space<vmem>> -> memref<40xi32, #tpu.memory_space<vmem>>
          %dma_wait3A_614 = arith.constant 0 : i32
          %dma_wait3A_615 = arith.constant 0 : i32
          %dma_wait3A_616 = tpu.memref_slice %arg12[%dma_wait3A_614, %dma_wait3A_615] : memref<5248x128xf32, #tpu.memory_space<vmem_shared>> -> memref<5248x128xf32, #tpu.memory_space<vmem_shared>>
          tpu.wait_indirect_dma semaphore(%arg18 : memref<!tpu.dma_semaphore, #tpu.memory_space<semaphore_mem>>) src(%arg9 : memref<40x128xf32, #tpu.memory_space<vmem>>) dst(%dma_wait3A_616 : memref<5248x128xf32, #tpu.memory_space<vmem_shared>>)
        } else {
        }
        %jit3A_547 = arith.constant 32 : i32
        %div3A_548 = arith.divsi %add3A_451, %jit3A_547 : i32
        %sign3A_549 = arith.constant 0 : i32
        %sign3A_550 = arith.cmpi sgt, %add3A_451, %sign3A_549 : i32
        %sign3A_551 = arith.extui %sign3A_550 : i1 to i32
        %sign3A_552 = arith.constant 0 : i32
        %sign3A_553 = arith.cmpi slt, %add3A_451, %sign3A_552 : i32
        %sign3A_554 = arith.extui %sign3A_553 : i1 to i32
        %sign3A_555 = arith.subi %sign3A_551, %sign3A_554 : i32
        %sign3A_556 = arith.constant 0 : i32
        %sign3A_557 = arith.cmpi sgt, %jit3A_547, %sign3A_556 : i32
        %sign3A_558 = arith.extui %sign3A_557 : i1 to i32
        %sign3A_559 = arith.constant 0 : i32
        %sign3A_560 = arith.cmpi slt, %jit3A_547, %sign3A_559 : i32
        %sign3A_561 = arith.extui %sign3A_560 : i1 to i32
        %sign3A_562 = arith.subi %sign3A_558, %sign3A_561 : i32
        %ne3A_563 = arith.cmpi ne, %sign3A_555, %sign3A_562 : i32
        %rem3A_564 = arith.remsi %add3A_451, %jit3A_547 : i32
        %ne3A_565 = arith.constant 0 : i32
        %ne3A_566 = arith.cmpi ne, %rem3A_564, %ne3A_565 : i32
        %and3A_567 = arith.andi %ne3A_563, %ne3A_566 : i1
        %sub3A_568 = arith.constant 1 : i32
        %sub3A_569 = arith.subi %div3A_548, %sub3A_568 : i32
        %select_n3A_570 = arith.select %and3A_567, %sub3A_569, %div3A_548 : i32
        %jit3A_571 = arith.constant 2 : i32
        %eq3A_572 = arith.constant 0 : i32
        %eq3A_573 = arith.cmpi eq, %jit3A_571, %eq3A_572 : i32
        %jit3A_574 = arith.constant 1 : i32
        %select_n3A_575 = arith.select %eq3A_573, %jit3A_574, %jit3A_571 : i32
        %rem3A_576 = arith.remsi %select_n3A_570, %select_n3A_575 : i32
        %ne3A_577 = arith.constant 0 : i32
        %ne3A_578 = arith.cmpi ne, %rem3A_576, %ne3A_577 : i32
        %lt3A_579 = arith.constant 0 : i32
        %lt3A_580 = arith.cmpi slt, %rem3A_576, %lt3A_579 : i32
        %lt3A_581 = arith.constant 0 : i32
        %lt3A_582 = arith.cmpi slt, %select_n3A_575, %lt3A_581 : i32
        %ne3A_583 = arith.xori %lt3A_580, %lt3A_582 : i1
        %and3A_584 = arith.andi %ne3A_583, %ne3A_578 : i1
        %add3A_585 = arith.addi %rem3A_576, %select_n3A_575 : i32
        %select_n3A_586 = arith.select %and3A_584, %add3A_585, %rem3A_576 : i32
        %jit3A_587 = arith.constant 32 : i32
        %eq3A_588 = arith.constant 0 : i32
        %eq3A_589 = arith.cmpi eq, %jit3A_587, %eq3A_588 : i32
        %jit3A_590 = arith.constant 1 : i32
        %select_n3A_591 = arith.select %eq3A_589, %jit3A_590, %jit3A_587 : i32
        %rem3A_592 = arith.remsi %add3A_451, %select_n3A_591 : i32
        %ne3A_593 = arith.constant 0 : i32
        %ne3A_594 = arith.cmpi ne, %rem3A_592, %ne3A_593 : i32
        %lt3A_595 = arith.constant 0 : i32
        %lt3A_596 = arith.cmpi slt, %rem3A_592, %lt3A_595 : i32
        %lt3A_597 = arith.constant 0 : i32
        %lt3A_598 = arith.cmpi slt, %select_n3A_591, %lt3A_597 : i32
        %ne3A_599 = arith.xori %lt3A_596, %lt3A_598 : i1
        %and3A_600 = arith.andi %ne3A_599, %ne3A_594 : i1
        %add3A_601 = arith.addi %rem3A_592, %select_n3A_591 : i32
        %select_n3A_602 = arith.select %and3A_600, %add3A_601, %rem3A_592 : i32
        %dma_start3A_603 = arith.constant 0 : i32
        %dma_start3A_604 = tpu.memref_slice %arg6[%select_n3A_586, %select_n3A_602, %dma_start3A_603] : memref<2x32x40xi32, #tpu.memory_space<vmem>> -> memref<1x1x40xi32, #tpu.memory_space<vmem>>
        %dma_start3A_605 = tpu.memref_squeeze %dma_start3A_604 : memref<1x1x40xi32, #tpu.memory_space<vmem>> -> memref<40xi32, #tpu.memory_space<vmem>>
        %dma_start3A_606 = arith.constant 0 : i32
        %dma_start3A_607 = arith.constant 0 : i32
        %dma_start3A_608 = tpu.memref_slice %arg2[%dma_start3A_606, %dma_start3A_607] : memref<10240x128xf32, #tpu.memory_space<hbm>> -> memref<10240x128xf32, #tpu.memory_space<hbm>>
        tpu.enqueue_indirect_dma source(%dma_start3A_608 : memref<10240x128xf32, #tpu.memory_space<hbm>>) target(%arg9 : memref<40x128xf32, #tpu.memory_space<vmem>>) offsets(%dma_start3A_605 : memref<40xi32, #tpu.memory_space<vmem>>) semaphore(%arg14 : memref<!tpu.dma_semaphore, #tpu.memory_space<semaphore_mem>>)
      } else {
      }
      %add3A_457 = arith.constant 3 : i32
      %add3A_458 = arith.addi %mul3A_189, %add3A_457 : i32
      %jit3A_459 = arith.constant 32 : i32
      %div3A_460 = arith.divsi %add3A_458, %jit3A_459 : i32
      %sign3A_461 = arith.constant 0 : i32
      %sign3A_462 = arith.cmpi sgt, %add3A_458, %sign3A_461 : i32
      %sign3A_463 = arith.extui %sign3A_462 : i1 to i32
      %sign3A_464 = arith.constant 0 : i32
      %sign3A_465 = arith.cmpi slt, %add3A_458, %sign3A_464 : i32
      %sign3A_466 = arith.extui %sign3A_465 : i1 to i32
      %sign3A_467 = arith.subi %sign3A_463, %sign3A_466 : i32
      %sign3A_468 = arith.constant 0 : i32
      %sign3A_469 = arith.cmpi sgt, %jit3A_459, %sign3A_468 : i32
      %sign3A_470 = arith.extui %sign3A_469 : i1 to i32
      %sign3A_471 = arith.constant 0 : i32
      %sign3A_472 = arith.cmpi slt, %jit3A_459, %sign3A_471 : i32
      %sign3A_473 = arith.extui %sign3A_472 : i1 to i32
      %sign3A_474 = arith.subi %sign3A_470, %sign3A_473 : i32
      %ne3A_475 = arith.cmpi ne, %sign3A_467, %sign3A_474 : i32
      %rem3A_476 = arith.remsi %add3A_458, %jit3A_459 : i32
      %ne3A_477 = arith.constant 0 : i32
      %ne3A_478 = arith.cmpi ne, %rem3A_476, %ne3A_477 : i32
      %and3A_479 = arith.andi %ne3A_475, %ne3A_478 : i1
      %sub3A_480 = arith.constant 1 : i32
      %sub3A_481 = arith.subi %div3A_460, %sub3A_480 : i32
      %select_n3A_482 = arith.select %and3A_479, %sub3A_481, %div3A_460 : i32
      %jit3A_483 = arith.constant 2 : i32
      %eq3A_484 = arith.constant 0 : i32
      %eq3A_485 = arith.cmpi eq, %jit3A_483, %eq3A_484 : i32
      %jit3A_486 = arith.constant 1 : i32
      %select_n3A_487 = arith.select %eq3A_485, %jit3A_486, %jit3A_483 : i32
      %rem3A_488 = arith.remsi %select_n3A_482, %select_n3A_487 : i32
      %ne3A_489 = arith.constant 0 : i32
      %ne3A_490 = arith.cmpi ne, %rem3A_488, %ne3A_489 : i32
      %lt3A_491 = arith.constant 0 : i32
      %lt3A_492 = arith.cmpi slt, %rem3A_488, %lt3A_491 : i32
      %lt3A_493 = arith.constant 0 : i32
      %lt3A_494 = arith.cmpi slt, %select_n3A_487, %lt3A_493 : i32
      %ne3A_495 = arith.xori %lt3A_492, %lt3A_494 : i1
      %and3A_496 = arith.andi %ne3A_495, %ne3A_490 : i1
      %add3A_497 = arith.addi %rem3A_488, %select_n3A_487 : i32
      %select_n3A_498 = arith.select %and3A_496, %add3A_497, %rem3A_488 : i32
      %jit3A_499 = arith.constant 32 : i32
      %eq3A_500 = arith.constant 0 : i32
      %eq3A_501 = arith.cmpi eq, %jit3A_499, %eq3A_500 : i32
      %jit3A_502 = arith.constant 1 : i32
      %select_n3A_503 = arith.select %eq3A_501, %jit3A_502, %jit3A_499 : i32
      %rem3A_504 = arith.remsi %add3A_458, %select_n3A_503 : i32
      %ne3A_505 = arith.constant 0 : i32
      %ne3A_506 = arith.cmpi ne, %rem3A_504, %ne3A_505 : i32
      %lt3A_507 = arith.constant 0 : i32
      %lt3A_508 = arith.cmpi slt, %rem3A_504, %lt3A_507 : i32
      %lt3A_509 = arith.constant 0 : i32
      %lt3A_510 = arith.cmpi slt, %select_n3A_503, %lt3A_509 : i32
      %ne3A_511 = arith.xori %lt3A_508, %lt3A_510 : i1
      %and3A_512 = arith.andi %ne3A_511, %ne3A_506 : i1
      %add3A_513 = arith.addi %rem3A_504, %select_n3A_503 : i32
      %select_n3A_514 = arith.select %and3A_512, %add3A_513, %rem3A_504 : i32
      %dma_wait3A_515 = arith.constant 0 : i32
      %dma_wait3A_516 = tpu.memref_slice %arg6[%select_n3A_498, %select_n3A_514, %dma_wait3A_515] : memref<2x32x40xi32, #tpu.memory_space<vmem>> -> memref<1x1x40xi32, #tpu.memory_space<vmem>>
      %dma_wait3A_517 = tpu.memref_squeeze %dma_wait3A_516 : memref<1x1x40xi32, #tpu.memory_space<vmem>> -> memref<40xi32, #tpu.memory_space<vmem>>
      %dma_wait3A_518 = arith.constant 0 : i32
      %dma_wait3A_519 = arith.constant 0 : i32
      %dma_wait3A_520 = tpu.memref_slice %arg2[%dma_wait3A_518, %dma_wait3A_519] : memref<10240x128xf32, #tpu.memory_space<hbm>> -> memref<10240x128xf32, #tpu.memory_space<hbm>>
      tpu.wait_indirect_dma semaphore(%arg16 : memref<!tpu.dma_semaphore, #tpu.memory_space<semaphore_mem>>) src(%dma_wait3A_520 : memref<10240x128xf32, #tpu.memory_space<hbm>>) dst(%arg11 : memref<40x128xf32, #tpu.memory_space<vmem>>)
      %dma_start3A_521 = arith.constant 0 : i32
      %dma_start3A_522 = tpu.memref_slice %arg7[%select_n3A_498, %select_n3A_514, %dma_start3A_521] : memref<2x32x40xi32, #tpu.memory_space<vmem>> -> memref<1x1x40xi32, #tpu.memory_space<vmem>>
      %dma_start3A_523 = tpu.memref_squeeze %dma_start3A_522 : memref<1x1x40xi32, #tpu.memory_space<vmem>> -> memref<40xi32, #tpu.memory_space<vmem>>
      %dma_start3A_524 = arith.constant 0 : i32
      %dma_start3A_525 = arith.constant 0 : i32
      %dma_start3A_526 = tpu.memref_slice %arg12[%dma_start3A_524, %dma_start3A_525] : memref<5248x128xf32, #tpu.memory_space<vmem_shared>> -> memref<5248x128xf32, #tpu.memory_space<vmem_shared>>
      tpu.enqueue_indirect_dma source(%arg11 : memref<40x128xf32, #tpu.memory_space<vmem>>) target(%dma_start3A_526 : memref<5248x128xf32, #tpu.memory_space<vmem_shared>>) offsets(%dma_start3A_523 : memref<40xi32, #tpu.memory_space<vmem>>) semaphore(%arg20 : memref<!tpu.dma_semaphore, #tpu.memory_space<semaphore_mem>>) {add = true}
      %add3A_527 = arith.constant 3 : i32
      %add3A_528 = arith.addi %add3A_458, %add3A_527 : i32
      %lt3A_529 = arith.constant 512 : i32
      %lt3A_530 = arith.cmpi slt, %add3A_528, %lt3A_529 : i32
      %convert_element_type3A_531 = arith.extui %lt3A_530 : i1 to i32
      %cond3A_532 = arith.constant 0 : i32
      %cond3A_533 = arith.cmpi ne, %convert_element_type3A_531, %cond3A_532 : i32
      scf.if %cond3A_533 {
        %ge3A_542 = arith.constant 4 : i32
        %ge3A_543 = arith.cmpi sge, %add3A_528, %ge3A_542 : i32
        %convert_element_type3A_544 = arith.extui %ge3A_543 : i1 to i32
        %cond3A_545 = arith.constant 0 : i32
        %cond3A_546 = arith.cmpi ne, %convert_element_type3A_544, %cond3A_545 : i32
        scf.if %cond3A_546 {
          %dma_wait3A_609 = arith.constant 0 : i32
          %dma_wait3A_610 = arith.constant 0 : i32
          %dma_wait3A_611 = arith.constant 0 : i32
          %dma_wait3A_612 = tpu.memref_slice %arg7[%dma_wait3A_609, %dma_wait3A_610, %dma_wait3A_611] : memref<2x32x40xi32, #tpu.memory_space<vmem>> -> memref<1x1x40xi32, #tpu.memory_space<vmem>>
          %dma_wait3A_613 = tpu.memref_squeeze %dma_wait3A_612 : memref<1x1x40xi32, #tpu.memory_space<vmem>> -> memref<40xi32, #tpu.memory_space<vmem>>
          %dma_wait3A_614 = arith.constant 0 : i32
          %dma_wait3A_615 = arith.constant 0 : i32
          %dma_wait3A_616 = tpu.memref_slice %arg12[%dma_wait3A_614, %dma_wait3A_615] : memref<5248x128xf32, #tpu.memory_space<vmem_shared>> -> memref<5248x128xf32, #tpu.memory_space<vmem_shared>>
          tpu.wait_indirect_dma semaphore(%arg19 : memref<!tpu.dma_semaphore, #tpu.memory_space<semaphore_mem>>) src(%arg10 : memref<40x128xf32, #tpu.memory_space<vmem>>) dst(%dma_wait3A_616 : memref<5248x128xf32, #tpu.memory_space<vmem_shared>>)
        } else {
        }
        %jit3A_547 = arith.constant 32 : i32
        %div3A_548 = arith.divsi %add3A_528, %jit3A_547 : i32
        %sign3A_549 = arith.constant 0 : i32
        %sign3A_550 = arith.cmpi sgt, %add3A_528, %sign3A_549 : i32
        %sign3A_551 = arith.extui %sign3A_550 : i1 to i32
        %sign3A_552 = arith.constant 0 : i32
        %sign3A_553 = arith.cmpi slt, %add3A_528, %sign3A_552 : i32
        %sign3A_554 = arith.extui %sign3A_553 : i1 to i32
        %sign3A_555 = arith.subi %sign3A_551, %sign3A_554 : i32
        %sign3A_556 = arith.constant 0 : i32
        %sign3A_557 = arith.cmpi sgt, %jit3A_547, %sign3A_556 : i32
        %sign3A_558 = arith.extui %sign3A_557 : i1 to i32
        %sign3A_559 = arith.constant 0 : i32
        %sign3A_560 = arith.cmpi slt, %jit3A_547, %sign3A_559 : i32
        %sign3A_561 = arith.extui %sign3A_560 : i1 to i32
        %sign3A_562 = arith.subi %sign3A_558, %sign3A_561 : i32
        %ne3A_563 = arith.cmpi ne, %sign3A_555, %sign3A_562 : i32
        %rem3A_564 = arith.remsi %add3A_528, %jit3A_547 : i32
        %ne3A_565 = arith.constant 0 : i32
        %ne3A_566 = arith.cmpi ne, %rem3A_564, %ne3A_565 : i32
        %and3A_567 = arith.andi %ne3A_563, %ne3A_566 : i1
        %sub3A_568 = arith.constant 1 : i32
        %sub3A_569 = arith.subi %div3A_548, %sub3A_568 : i32
        %select_n3A_570 = arith.select %and3A_567, %sub3A_569, %div3A_548 : i32
        %jit3A_571 = arith.constant 2 : i32
        %eq3A_572 = arith.constant 0 : i32
        %eq3A_573 = arith.cmpi eq, %jit3A_571, %eq3A_572 : i32
        %jit3A_574 = arith.constant 1 : i32
        %select_n3A_575 = arith.select %eq3A_573, %jit3A_574, %jit3A_571 : i32
        %rem3A_576 = arith.remsi %select_n3A_570, %select_n3A_575 : i32
        %ne3A_577 = arith.constant 0 : i32
        %ne3A_578 = arith.cmpi ne, %rem3A_576, %ne3A_577 : i32
        %lt3A_579 = arith.constant 0 : i32
        %lt3A_580 = arith.cmpi slt, %rem3A_576, %lt3A_579 : i32
        %lt3A_581 = arith.constant 0 : i32
        %lt3A_582 = arith.cmpi slt, %select_n3A_575, %lt3A_581 : i32
        %ne3A_583 = arith.xori %lt3A_580, %lt3A_582 : i1
        %and3A_584 = arith.andi %ne3A_583, %ne3A_578 : i1
        %add3A_585 = arith.addi %rem3A_576, %select_n3A_575 : i32
        %select_n3A_586 = arith.select %and3A_584, %add3A_585, %rem3A_576 : i32
        %jit3A_587 = arith.constant 32 : i32
        %eq3A_588 = arith.constant 0 : i32
        %eq3A_589 = arith.cmpi eq, %jit3A_587, %eq3A_588 : i32
        %jit3A_590 = arith.constant 1 : i32
        %select_n3A_591 = arith.select %eq3A_589, %jit3A_590, %jit3A_587 : i32
        %rem3A_592 = arith.remsi %add3A_528, %select_n3A_591 : i32
        %ne3A_593 = arith.constant 0 : i32
        %ne3A_594 = arith.cmpi ne, %rem3A_592, %ne3A_593 : i32
        %lt3A_595 = arith.constant 0 : i32
        %lt3A_596 = arith.cmpi slt, %rem3A_592, %lt3A_595 : i32
        %lt3A_597 = arith.constant 0 : i32
        %lt3A_598 = arith.cmpi slt, %select_n3A_591, %lt3A_597 : i32
        %ne3A_599 = arith.xori %lt3A_596, %lt3A_598 : i1
        %and3A_600 = arith.andi %ne3A_599, %ne3A_594 : i1
        %add3A_601 = arith.addi %rem3A_592, %select_n3A_591 : i32
        %select_n3A_602 = arith.select %and3A_600, %add3A_601, %rem3A_592 : i32
        %dma_start3A_603 = arith.constant 0 : i32
        %dma_start3A_604 = tpu.memref_slice %arg6[%select_n3A_586, %select_n3A_602, %dma_start3A_603] : memref<2x32x40xi32, #tpu.memory_space<vmem>> -> memref<1x1x40xi32, #tpu.memory_space<vmem>>
        %dma_start3A_605 = tpu.memref_squeeze %dma_start3A_604 : memref<1x1x40xi32, #tpu.memory_space<vmem>> -> memref<40xi32, #tpu.memory_space<vmem>>
        %dma_start3A_606 = arith.constant 0 : i32
        %dma_start3A_607 = arith.constant 0 : i32
        %dma_start3A_608 = tpu.memref_slice %arg2[%dma_start3A_606, %dma_start3A_607] : memref<10240x128xf32, #tpu.memory_space<hbm>> -> memref<10240x128xf32, #tpu.memory_space<hbm>>
        tpu.enqueue_indirect_dma source(%dma_start3A_608 : memref<10240x128xf32, #tpu.memory_space<hbm>>) target(%arg10 : memref<40x128xf32, #tpu.memory_space<vmem>>) offsets(%dma_start3A_605 : memref<40xi32, #tpu.memory_space<vmem>>) semaphore(%arg15 : memref<!tpu.dma_semaphore, #tpu.memory_space<semaphore_mem>>)
      } else {
      }
      %eq3A_534 = arith.constant 28 : i32
      %eq3A_535 = arith.cmpi eq, %select_n3A_198, %eq3A_534 : i32
      %lt3A_536 = arith.constant 14 : i32
      %lt3A_537 = arith.cmpi slt, %select_n3A_219, %lt3A_536 : i32
      %and3A_538 = arith.andi %eq3A_535, %lt3A_537 : i1
      %convert_element_type3A_539 = arith.extui %and3A_538 : i1 to i32
      %cond3A_540 = arith.constant 0 : i32
      %cond3A_541 = arith.cmpi ne, %convert_element_type3A_539, %cond3A_540 : i32
      scf.if %cond3A_541 {
        %jit3A_542 = arith.constant 2 : i32
        %eq3A_543 = arith.constant 0 : i32
        %eq3A_544 = arith.cmpi eq, %jit3A_542, %eq3A_543 : i32
        %jit3A_545 = arith.constant 1 : i32
        %select_n3A_546 = arith.select %eq3A_544, %jit3A_545, %jit3A_542 : i32
        %rem3A_547 = arith.remsi %select_n3A_219, %select_n3A_546 : i32
        %ne3A_548 = arith.constant 0 : i32
        %ne3A_549 = arith.cmpi ne, %rem3A_547, %ne3A_548 : i32
        %lt3A_550 = arith.constant 0 : i32
        %lt3A_551 = arith.cmpi slt, %rem3A_547, %lt3A_550 : i32
        %lt3A_552 = arith.constant 0 : i32
        %lt3A_553 = arith.cmpi slt, %select_n3A_546, %lt3A_552 : i32
        %ne3A_554 = arith.xori %lt3A_551, %lt3A_553 : i1
        %and3A_555 = arith.andi %ne3A_554, %ne3A_549 : i1
        %add3A_556 = arith.addi %rem3A_547, %select_n3A_546 : i32
        %select_n3A_557 = arith.select %and3A_555, %add3A_556, %rem3A_547 : i32
        %eq3A_558 = arith.constant 0 : i32
        %eq3A_559 = arith.cmpi eq, %select_n3A_557, %eq3A_558 : i32
        %convert_element_type3A_560 = arith.extui %eq3A_559 : i1 to i32
        %cond3A_561 = arith.constant 0 : i32
        %cond3A_562 = arith.cmpi ne, %convert_element_type3A_560, %cond3A_561 : i32
        scf.if %cond3A_562 {
          %add3A_563 = arith.constant 2 : i32
          %add3A_564 = arith.addi %select_n3A_219, %add3A_563 : i32
          %mul3A_565 = arith.constant 32 : i32
          %mul3A_566 = arith.muli %add3A_564, %mul3A_565 : i32
          %add3A_567 = arith.addi %mul3A_25, %mul3A_566 : i32
          %dma_start3A_568 = arith.constant 0 : i32
          %dma_start3A_569 = arith.constant 0 : i32
          %dma_start3A_570 = arith.constant 0 : i32
          %dma_start3A_571 = tpu.memref_slice %arg6[%dma_start3A_568, %dma_start3A_569, %dma_start3A_570] : memref<2x32x40xi32, #tpu.memory_space<vmem>> -> memref<1x32x40xi32, #tpu.memory_space<vmem>>
          %dma_start3A_572 = tpu.memref_squeeze %dma_start3A_571 : memref<1x32x40xi32, #tpu.memory_space<vmem>> -> memref<32x40xi32, #tpu.memory_space<vmem>>
          %dma_start3A_573 = arith.constant 0 : i32
          %dma_start3A_574 = tpu.memref_slice %arg3[%add3A_567, %dma_start3A_573] : memref<8192x40xi32, #tpu.memory_space<hbm>> -> memref<32x40xi32, #tpu.memory_space<hbm>>
          %dma_start3A_575 = arith.constant 0 : i32
          %dma_start3A_576 = arith.constant 0 : i32
          %dma_start3A_577 = tpu.memref_slice %arg6[%dma_start3A_568, %dma_start3A_575, %dma_start3A_576] : memref<2x32x40xi32, #tpu.memory_space<vmem>> -> memref<1x32x40xi32, #tpu.memory_space<vmem>>
          %dma_start3A_578 = tpu.memref_squeeze %dma_start3A_577 : memref<1x32x40xi32, #tpu.memory_space<vmem>> -> memref<32x40xi32, #tpu.memory_space<vmem>>
          %dma_start3A_579 = arith.constant 0 : i32
          %dma_start3A_580 = tpu.memref_slice %arg3[%add3A_567, %dma_start3A_579] : memref<8192x40xi32, #tpu.memory_space<hbm>> -> memref<32x40xi32, #tpu.memory_space<hbm>>
          tpu.enqueue_dma source(%dma_start3A_580 : memref<32x40xi32, #tpu.memory_space<hbm>>) target(%dma_start3A_578 : memref<32x40xi32, #tpu.memory_space<vmem>>) target_semaphore(%arg21 : memref<!tpu.dma_semaphore, #tpu.memory_space<semaphore_mem>>)
          %mul3A_581 = arith.constant 32 : i32
          %mul3A_582 = arith.muli %add3A_564, %mul3A_581 : i32
          %add3A_583 = arith.addi %mul3A_25, %mul3A_582 : i32
          %dma_start3A_584 = arith.constant 0 : i32
          %dma_start3A_585 = arith.constant 0 : i32
          %dma_start3A_586 = arith.constant 0 : i32
          %dma_start3A_587 = tpu.memref_slice %arg7[%dma_start3A_584, %dma_start3A_585, %dma_start3A_586] : memref<2x32x40xi32, #tpu.memory_space<vmem>> -> memref<1x32x40xi32, #tpu.memory_space<vmem>>
          %dma_start3A_588 = tpu.memref_squeeze %dma_start3A_587 : memref<1x32x40xi32, #tpu.memory_space<vmem>> -> memref<32x40xi32, #tpu.memory_space<vmem>>
          %dma_start3A_589 = arith.constant 0 : i32
          %dma_start3A_590 = tpu.memref_slice %arg4[%arg0, %add3A_583, %dma_start3A_589] : memref<2x8192x40xi32, #tpu.memory_space<hbm>> -> memref<1x32x40xi32, #tpu.memory_space<hbm>>
          %dma_start3A_591 = tpu.memref_squeeze %dma_start3A_590 : memref<1x32x40xi32, #tpu.memory_space<hbm>> -> memref<32x40xi32, #tpu.memory_space<hbm>>
          %dma_start3A_592 = arith.constant 0 : i32
          %dma_start3A_593 = arith.constant 0 : i32
          %dma_start3A_594 = tpu.memref_slice %arg7[%dma_start3A_584, %dma_start3A_592, %dma_start3A_593] : memref<2x32x40xi32, #tpu.memory_space<vmem>> -> memref<1x32x40xi32, #tpu.memory_space<vmem>>
          %dma_start3A_595 = tpu.memref_squeeze %dma_start3A_594 : memref<1x32x40xi32, #tpu.memory_space<vmem>> -> memref<32x40xi32, #tpu.memory_space<vmem>>
          %dma_start3A_596 = arith.constant 0 : i32
          %dma_start3A_597 = tpu.memref_slice %arg4[%arg0, %add3A_583, %dma_start3A_596] : memref<2x8192x40xi32, #tpu.memory_space<hbm>> -> memref<1x32x40xi32, #tpu.memory_space<hbm>>
          %dma_start3A_598 = tpu.memref_squeeze %dma_start3A_597 : memref<1x32x40xi32, #tpu.memory_space<hbm>> -> memref<32x40xi32, #tpu.memory_space<hbm>>
          tpu.enqueue_dma source(%dma_start3A_598 : memref<32x40xi32, #tpu.memory_space<hbm>>) target(%dma_start3A_595 : memref<32x40xi32, #tpu.memory_space<vmem>>) target_semaphore(%arg21 : memref<!tpu.dma_semaphore, #tpu.memory_space<semaphore_mem>>)
        } else {
          %add3A_563 = arith.constant 2 : i32
          %add3A_564 = arith.addi %select_n3A_219, %add3A_563 : i32
          %mul3A_565 = arith.constant 32 : i32
          %mul3A_566 = arith.muli %add3A_564, %mul3A_565 : i32
          %add3A_567 = arith.addi %mul3A_25, %mul3A_566 : i32
          %dma_start3A_568 = arith.constant 1 : i32
          %dma_start3A_569 = arith.constant 0 : i32
          %dma_start3A_570 = arith.constant 0 : i32
          %dma_start3A_571 = tpu.memref_slice %arg6[%dma_start3A_568, %dma_start3A_569, %dma_start3A_570] : memref<2x32x40xi32, #tpu.memory_space<vmem>> -> memref<1x32x40xi32, #tpu.memory_space<vmem>>
          %dma_start3A_572 = tpu.memref_squeeze %dma_start3A_571 : memref<1x32x40xi32, #tpu.memory_space<vmem>> -> memref<32x40xi32, #tpu.memory_space<vmem>>
          %dma_start3A_573 = arith.constant 0 : i32
          %dma_start3A_574 = tpu.memref_slice %arg3[%add3A_567, %dma_start3A_573] : memref<8192x40xi32, #tpu.memory_space<hbm>> -> memref<32x40xi32, #tpu.memory_space<hbm>>
          %dma_start3A_575 = arith.constant 0 : i32
          %dma_start3A_576 = arith.constant 0 : i32
          %dma_start3A_577 = tpu.memref_slice %arg6[%dma_start3A_568, %dma_start3A_575, %dma_start3A_576] : memref<2x32x40xi32, #tpu.memory_space<vmem>> -> memref<1x32x40xi32, #tpu.memory_space<vmem>>
          %dma_start3A_578 = tpu.memref_squeeze %dma_start3A_577 : memref<1x32x40xi32, #tpu.memory_space<vmem>> -> memref<32x40xi32, #tpu.memory_space<vmem>>
          %dma_start3A_579 = arith.constant 0 : i32
          %dma_start3A_580 = tpu.memref_slice %arg3[%add3A_567, %dma_start3A_579] : memref<8192x40xi32, #tpu.memory_space<hbm>> -> memref<32x40xi32, #tpu.memory_space<hbm>>
          tpu.enqueue_dma source(%dma_start3A_580 : memref<32x40xi32, #tpu.memory_space<hbm>>) target(%dma_start3A_578 : memref<32x40xi32, #tpu.memory_space<vmem>>) target_semaphore(%arg22 : memref<!tpu.dma_semaphore, #tpu.memory_space<semaphore_mem>>)
          %mul3A_581 = arith.constant 32 : i32
          %mul3A_582 = arith.muli %add3A_564, %mul3A_581 : i32
          %add3A_583 = arith.addi %mul3A_25, %mul3A_582 : i32
          %dma_start3A_584 = arith.constant 1 : i32
          %dma_start3A_585 = arith.constant 0 : i32
          %dma_start3A_586 = arith.constant 0 : i32
          %dma_start3A_587 = tpu.memref_slice %arg7[%dma_start3A_584, %dma_start3A_585, %dma_start3A_586] : memref<2x32x40xi32, #tpu.memory_space<vmem>> -> memref<1x32x40xi32, #tpu.memory_space<vmem>>
          %dma_start3A_588 = tpu.memref_squeeze %dma_start3A_587 : memref<1x32x40xi32, #tpu.memory_space<vmem>> -> memref<32x40xi32, #tpu.memory_space<vmem>>
          %dma_start3A_589 = arith.constant 0 : i32
          %dma_start3A_590 = tpu.memref_slice %arg4[%arg0, %add3A_583, %dma_start3A_589] : memref<2x8192x40xi32, #tpu.memory_space<hbm>> -> memref<1x32x40xi32, #tpu.memory_space<hbm>>
          %dma_start3A_591 = tpu.memref_squeeze %dma_start3A_590 : memref<1x32x40xi32, #tpu.memory_space<hbm>> -> memref<32x40xi32, #tpu.memory_space<hbm>>
          %dma_start3A_592 = arith.constant 0 : i32
          %dma_start3A_593 = arith.constant 0 : i32
          %dma_start3A_594 = tpu.memref_slice %arg7[%dma_start3A_584, %dma_start3A_592, %dma_start3A_593] : memref<2x32x40xi32, #tpu.memory_space<vmem>> -> memref<1x32x40xi32, #tpu.memory_space<vmem>>
          %dma_start3A_595 = tpu.memref_squeeze %dma_start3A_594 : memref<1x32x40xi32, #tpu.memory_space<vmem>> -> memref<32x40xi32, #tpu.memory_space<vmem>>
          %dma_start3A_596 = arith.constant 0 : i32
          %dma_start3A_597 = tpu.memref_slice %arg4[%arg0, %add3A_583, %dma_start3A_596] : memref<2x8192x40xi32, #tpu.memory_space<hbm>> -> memref<1x32x40xi32, #tpu.memory_space<hbm>>
          %dma_start3A_598 = tpu.memref_squeeze %dma_start3A_597 : memref<1x32x40xi32, #tpu.memory_space<hbm>> -> memref<32x40xi32, #tpu.memory_space<hbm>>
          tpu.enqueue_dma source(%dma_start3A_598 : memref<32x40xi32, #tpu.memory_space<hbm>>) target(%dma_start3A_595 : memref<32x40xi32, #tpu.memory_space<vmem>>) target_semaphore(%arg22 : memref<!tpu.dma_semaphore, #tpu.memory_space<semaphore_mem>>)
        }
      } else {
      }
    }
    %scan3A_153 = arith.constant 128 : i32
    %dma_wait3A_154 = arith.constant 0 : i32
    %dma_wait3A_155 = arith.constant 0 : i32
    %dma_wait3A_156 = arith.constant 0 : i32
    %dma_wait3A_157 = tpu.memref_slice %arg7[%dma_wait3A_154, %dma_wait3A_155, %dma_wait3A_156] : memref<2x32x40xi32, #tpu.memory_space<vmem>> -> memref<1x1x40xi32, #tpu.memory_space<vmem>>
    %dma_wait3A_158 = tpu.memref_squeeze %dma_wait3A_157 : memref<1x1x40xi32, #tpu.memory_space<vmem>> -> memref<40xi32, #tpu.memory_space<vmem>>
    %dma_wait3A_159 = arith.constant 0 : i32
    %dma_wait3A_160 = arith.constant 0 : i32
    %dma_wait3A_161 = tpu.memref_slice %arg12[%dma_wait3A_159, %dma_wait3A_160] : memref<5248x128xf32, #tpu.memory_space<vmem_shared>> -> memref<5248x128xf32, #tpu.memory_space<vmem_shared>>
    tpu.wait_indirect_dma semaphore(%arg17 : memref<!tpu.dma_semaphore, #tpu.memory_space<semaphore_mem>>) src(%arg8 : memref<40x128xf32, #tpu.memory_space<vmem>>) dst(%dma_wait3A_161 : memref<5248x128xf32, #tpu.memory_space<vmem_shared>>)
    %dma_wait3A_162 = arith.constant 0 : i32
    %dma_wait3A_163 = arith.constant 0 : i32
    %dma_wait3A_164 = arith.constant 0 : i32
    %dma_wait3A_165 = tpu.memref_slice %arg7[%dma_wait3A_162, %dma_wait3A_163, %dma_wait3A_164] : memref<2x32x40xi32, #tpu.memory_space<vmem>> -> memref<1x1x40xi32, #tpu.memory_space<vmem>>
    %dma_wait3A_166 = tpu.memref_squeeze %dma_wait3A_165 : memref<1x1x40xi32, #tpu.memory_space<vmem>> -> memref<40xi32, #tpu.memory_space<vmem>>
    %dma_wait3A_167 = arith.constant 0 : i32
    %dma_wait3A_168 = arith.constant 0 : i32
    %dma_wait3A_169 = tpu.memref_slice %arg12[%dma_wait3A_167, %dma_wait3A_168] : memref<5248x128xf32, #tpu.memory_space<vmem_shared>> -> memref<5248x128xf32, #tpu.memory_space<vmem_shared>>
    tpu.wait_indirect_dma semaphore(%arg18 : memref<!tpu.dma_semaphore, #tpu.memory_space<semaphore_mem>>) src(%arg9 : memref<40x128xf32, #tpu.memory_space<vmem>>) dst(%dma_wait3A_169 : memref<5248x128xf32, #tpu.memory_space<vmem_shared>>)
    %dma_wait3A_170 = arith.constant 0 : i32
    %dma_wait3A_171 = arith.constant 0 : i32
    %dma_wait3A_172 = arith.constant 0 : i32
    %dma_wait3A_173 = tpu.memref_slice %arg7[%dma_wait3A_170, %dma_wait3A_171, %dma_wait3A_172] : memref<2x32x40xi32, #tpu.memory_space<vmem>> -> memref<1x1x40xi32, #tpu.memory_space<vmem>>
    %dma_wait3A_174 = tpu.memref_squeeze %dma_wait3A_173 : memref<1x1x40xi32, #tpu.memory_space<vmem>> -> memref<40xi32, #tpu.memory_space<vmem>>
    %dma_wait3A_175 = arith.constant 0 : i32
    %dma_wait3A_176 = arith.constant 0 : i32
    %dma_wait3A_177 = tpu.memref_slice %arg12[%dma_wait3A_175, %dma_wait3A_176] : memref<5248x128xf32, #tpu.memory_space<vmem_shared>> -> memref<5248x128xf32, #tpu.memory_space<vmem_shared>>
    tpu.wait_indirect_dma semaphore(%arg19 : memref<!tpu.dma_semaphore, #tpu.memory_space<semaphore_mem>>) src(%arg10 : memref<40x128xf32, #tpu.memory_space<vmem>>) dst(%dma_wait3A_177 : memref<5248x128xf32, #tpu.memory_space<vmem_shared>>)
    %dma_wait3A_178 = arith.constant 0 : i32
    %dma_wait3A_179 = arith.constant 0 : i32
    %dma_wait3A_180 = arith.constant 0 : i32
    %dma_wait3A_181 = tpu.memref_slice %arg7[%dma_wait3A_178, %dma_wait3A_179, %dma_wait3A_180] : memref<2x32x40xi32, #tpu.memory_space<vmem>> -> memref<1x1x40xi32, #tpu.memory_space<vmem>>
    %dma_wait3A_182 = tpu.memref_squeeze %dma_wait3A_181 : memref<1x1x40xi32, #tpu.memory_space<vmem>> -> memref<40xi32, #tpu.memory_space<vmem>>
    %dma_wait3A_183 = arith.constant 0 : i32
    %dma_wait3A_184 = arith.constant 0 : i32
    %dma_wait3A_185 = tpu.memref_slice %arg12[%dma_wait3A_183, %dma_wait3A_184] : memref<5248x128xf32, #tpu.memory_space<vmem_shared>> -> memref<5248x128xf32, #tpu.memory_space<vmem_shared>>
    tpu.wait_indirect_dma semaphore(%arg20 : memref<!tpu.dma_semaphore, #tpu.memory_space<semaphore_mem>>) src(%arg11 : memref<40x128xf32, #tpu.memory_space<vmem>>) dst(%dma_wait3A_185 : memref<5248x128xf32, #tpu.memory_space<vmem_shared>>)
    %barrier3A_186 = arith.constant 0 : index
    tpu.barrier barrier_id(%barrier3A_186)
    "tpu.region"() ({
      %run_scoped3A = tpu.sem_alloc : memref<!tpu.dma_semaphore, #tpu.memory_space<semaphore_mem>>
      %dma_start3A_187 = arith.constant 0 : i32
      %dma_start3A_188 = tpu.memref_slice %arg5[%arg0, %mul3A_6, %dma_start3A_187] : memref<2x5248x128xf32, #tpu.memory_space<hbm>> -> memref<1x328x128xf32, #tpu.memory_space<hbm>>
      %dma_start3A_189 = tpu.memref_squeeze %dma_start3A_188 : memref<1x328x128xf32, #tpu.memory_space<hbm>> -> memref<328x128xf32, #tpu.memory_space<hbm>>
      %dma_start3A_190 = arith.constant 0 : i32
      %dma_start3A_191 = tpu.memref_slice %arg12[%mul3A_6, %dma_start3A_190] : memref<5248x128xf32, #tpu.memory_space<vmem_shared>> -> memref<328x128xf32, #tpu.memory_space<vmem_shared>>
      tpu.enqueue_dma source(%dma_start3A_191 : memref<328x128xf32, #tpu.memory_space<vmem_shared>>) target(%dma_start3A_189 : memref<328x128xf32, #tpu.memory_space<hbm>>) target_semaphore(%run_scoped3A : memref<!tpu.dma_semaphore, #tpu.memory_space<semaphore_mem>>)
      %dma_wait3A_192 = arith.constant 0 : i32
      %dma_wait3A_193 = tpu.memref_slice %arg5[%arg0, %mul3A_6, %dma_wait3A_192] : memref<2x5248x128xf32, #tpu.memory_space<hbm>> -> memref<1x328x128xf32, #tpu.memory_space<hbm>>
      %dma_wait3A_194 = tpu.memref_squeeze %dma_wait3A_193 : memref<1x328x128xf32, #tpu.memory_space<hbm>> -> memref<328x128xf32, #tpu.memory_space<hbm>>
      %dma_wait3A_195 = arith.constant 0 : i32
      %dma_wait3A_196 = tpu.memref_slice %arg12[%mul3A_6, %dma_wait3A_195] : memref<5248x128xf32, #tpu.memory_space<vmem_shared>> -> memref<328x128xf32, #tpu.memory_space<vmem_shared>>
      tpu.wait_dma2 semaphore(%run_scoped3A : memref<!tpu.dma_semaphore, #tpu.memory_space<semaphore_mem>>) src(%dma_wait3A_196 : memref<328x128xf32, #tpu.memory_space<vmem_shared>>) dst(%dma_wait3A_194 : memref<328x128xf32, #tpu.memory_space<hbm>>)
      tpu.yield
    }) : () -> ()
    return
  }
}

module attributes {stable_mosaic.version = 14 : i64} {
  func.func @_mid_body(%arg0: i32, %arg1: memref<1024x128xf32, #tpu.memory_space<vmem>>, %arg2: memref<16x1024xf32, #tpu.memory_space<vmem>>, %arg3: memref<16x1024xf32, #tpu.memory_space<vmem>>, %arg4: memref<1024x128xf32, #tpu.memory_space<vmem>>, %arg5: memref<128x256xf32, #tpu.memory_space<vmem>>, %arg6: memref<1x256xf32, #tpu.memory_space<vmem>>, %arg7: memref<128x256xf32, #tpu.memory_space<vmem>>, %arg8: memref<256x128xf32, #tpu.memory_space<vmem>>, %arg9: memref<256x128xf32, #tpu.memory_space<vmem>>, %arg10: memref<1x128xf32, #tpu.memory_space<vmem>>, %arg11: memref<1024x128xf32, #tpu.memory_space<vmem>>, %arg12: memref<1024x128xf32, #tpu.memory_space<vmem>>) attributes {dimension_semantics = [#tpu.dimension_semantics<arbitrary>], iteration_bounds = array<i64: 10>, scalar_prefetch = 0 : i64, scratch_operands = 0 : i64, tpu.core_type = #tpu.core_type<tc>, window_params = [{transform_indices = @transform_0, window_bounds = array<i64: 1024, 128>}, {transform_indices = @transform_1, window_bounds = array<i64: 16, 1024>}, {transform_indices = @transform_2, window_bounds = array<i64: 16, 1024>}, {transform_indices = @transform_3, window_bounds = array<i64: 1024, 128>}, {pipeline_mode = #tpu.pipeline_mode<synchronous>, transform_indices = @transform_4, window_bounds = array<i64: 128, 256>}, {pipeline_mode = #tpu.pipeline_mode<synchronous>, transform_indices = @transform_5, window_bounds = array<i64: 1, 256>}, {pipeline_mode = #tpu.pipeline_mode<synchronous>, transform_indices = @transform_6, window_bounds = array<i64: 128, 256>}, {pipeline_mode = #tpu.pipeline_mode<synchronous>, transform_indices = @transform_7, window_bounds = array<i64: 256, 128>}, {pipeline_mode = #tpu.pipeline_mode<synchronous>, transform_indices = @transform_8, window_bounds = array<i64: 256, 128>}, {pipeline_mode = #tpu.pipeline_mode<synchronous>, transform_indices = @transform_9, window_bounds = array<i64: 1, 128>}, {transform_indices = @transform_10, window_bounds = array<i64: 1024, 128>}, {transform_indices = @transform_11, window_bounds = array<i64: 1024, 128>}]} {
    %get3A = arith.constant 0 : index
    %get3A_0 = arith.constant 0 : index
    %get3A_1 = vector.load %arg1[%get3A, %get3A_0] : memref<1024x128xf32, #tpu.memory_space<vmem>>, vector<1024x128xf32>
    %lt3A = arith.constant 5 : i32
    %lt3A_2 = arith.cmpi slt, %arg0, %lt3A : i32
    %get3A_3 = arith.constant 0 : index
    %get3A_4 = arith.constant 0 : index
    %get3A_5 = vector.load %arg2[%get3A_3, %get3A_4] : memref<16x1024xf32, #tpu.memory_space<vmem>>, vector<16x1024xf32>
    %get3A_6 = arith.constant 0 : index
    %get3A_7 = arith.constant 0 : index
    %get3A_8 = vector.load %arg3[%get3A_6, %get3A_7] : memref<16x1024xf32, #tpu.memory_space<vmem>>, vector<16x1024xf32>
    %select_n3A = arith.select %lt3A_2, %get3A_5, %get3A_8 : vector<16x1024xf32>
    %reduce_sum3A = arith.constant dense<0.000000e+00> : vector<1024xf32>
    %reduce_sum3A_9 = vector.multi_reduction <add>, %select_n3A, %reduce_sum3A [0] : vector<16x1024xf32> to vector<1024xf32>
    %max3A = arith.constant 1.000000e+00 : f32
    %max3A_10 = vector.broadcast %max3A : f32 to vector<1024xf32>
    %max3A_11 = arith.maximumf %reduce_sum3A_9, %max3A_10 : vector<1024xf32>
    %broadcast_in_dim3A = vector.shape_cast %max3A_11 : vector<1024xf32> to vector<1024x1xf32>
    %div3A = vector.broadcast %broadcast_in_dim3A : vector<1024x1xf32> to vector<1024x128xf32>
    %div3A_12 = arith.divf %get3A_1, %div3A : vector<1024x128xf32>
    %get3A_13 = arith.constant 0 : index
    %get3A_14 = arith.constant 0 : index
    %get3A_15 = vector.load %arg5[%get3A_13, %get3A_14] : memref<128x256xf32, #tpu.memory_space<vmem>>, vector<128x256xf32>
    %dot_general3A = arith.constant dense<0.000000e+00> : vector<1024x256xf32>
    %dot_general3A_16 = tpu.matmul %div3A_12, %get3A_15, %dot_general3A {dimension_numbers = #tpu.dot_dimension_numbers<[1], [0], [0], [1], [0, 0, 1, 1], [], []>, transpose_lhs_hint = false} : vector<1024x128xf32>, vector<128x256xf32>, vector<1024x256xf32> -> vector<1024x256xf32>
    %get3A_17 = arith.constant 0 : index
    %get3A_18 = arith.constant 0 : index
    %get3A_19 = vector.load %arg6[%get3A_17, %get3A_18] : memref<1x256xf32, #tpu.memory_space<vmem>>, vector<1x256xf32>
    %add3A = vector.broadcast %get3A_19 : vector<1x256xf32> to vector<1024x256xf32>
    %add3A_20 = arith.addf %dot_general3A_16, %add3A : vector<1024x256xf32>
    %get3A_21 = arith.constant 0 : index
    %get3A_22 = arith.constant 0 : index
    %get3A_23 = vector.load %arg4[%get3A_21, %get3A_22] : memref<1024x128xf32, #tpu.memory_space<vmem>>, vector<1024x128xf32>
    %get3A_24 = arith.constant 0 : index
    %get3A_25 = arith.constant 0 : index
    %get3A_26 = vector.load %arg7[%get3A_24, %get3A_25] : memref<128x256xf32, #tpu.memory_space<vmem>>, vector<128x256xf32>
    %dot_general3A_27 = arith.constant dense<0.000000e+00> : vector<1024x256xf32>
    %dot_general3A_28 = tpu.matmul %get3A_23, %get3A_26, %dot_general3A_27 {dimension_numbers = #tpu.dot_dimension_numbers<[1], [0], [0], [1], [0, 0, 1, 1], [], []>, transpose_lhs_hint = false} : vector<1024x128xf32>, vector<128x256xf32>, vector<1024x256xf32> -> vector<1024x256xf32>
    %add3A_29 = arith.addf %add3A_20, %dot_general3A_28 : vector<1024x256xf32>
    %max3A_30 = arith.constant 0.000000e+00 : f32
    %max3A_31 = vector.broadcast %max3A_30 : f32 to vector<1024x256xf32>
    %max3A_32 = arith.maximumf %add3A_29, %max3A_31 : vector<1024x256xf32>
    %get3A_33 = arith.constant 0 : index
    %get3A_34 = arith.constant 0 : index
    %get3A_35 = vector.load %arg8[%get3A_33, %get3A_34] : memref<256x128xf32, #tpu.memory_space<vmem>>, vector<256x128xf32>
    %dot_general3A_36 = arith.constant dense<0.000000e+00> : vector<1024x128xf32>
    %dot_general3A_37 = tpu.matmul %max3A_32, %get3A_35, %dot_general3A_36 {dimension_numbers = #tpu.dot_dimension_numbers<[1], [0], [0], [1], [0, 0, 1, 1], [], []>, transpose_lhs_hint = false} : vector<1024x256xf32>, vector<256x128xf32>, vector<1024x128xf32> -> vector<1024x128xf32>
    %swap3A = arith.constant 0 : index
    %swap3A_38 = arith.constant 0 : index
    %swap3A_39 = vector.load %arg11[%swap3A, %swap3A_38] : memref<1024x128xf32, #tpu.memory_space<vmem>>, vector<1024x128xf32>
    tpu.vector_store %arg11[%swap3A, %swap3A_38], %dot_general3A_37 {strides = array<i32>} : memref<1024x128xf32, #tpu.memory_space<vmem>>, vector<1024x128xf32>,
    %get3A_40 = arith.constant 0 : index
    %get3A_41 = arith.constant 0 : index
    %get3A_42 = vector.load %arg9[%get3A_40, %get3A_41] : memref<256x128xf32, #tpu.memory_space<vmem>>, vector<256x128xf32>
    %dot_general3A_43 = arith.constant dense<0.000000e+00> : vector<1024x128xf32>
    %dot_general3A_44 = tpu.matmul %max3A_32, %get3A_42, %dot_general3A_43 {dimension_numbers = #tpu.dot_dimension_numbers<[1], [0], [0], [1], [0, 0, 1, 1], [], []>, transpose_lhs_hint = false} : vector<1024x256xf32>, vector<256x128xf32>, vector<1024x128xf32> -> vector<1024x128xf32>
    %get3A_45 = arith.constant 0 : index
    %get3A_46 = arith.constant 0 : index
    %get3A_47 = vector.load %arg10[%get3A_45, %get3A_46] : memref<1x128xf32, #tpu.memory_space<vmem>>, vector<1x128xf32>
    %add3A_48 = vector.broadcast %get3A_47 : vector<1x128xf32> to vector<1024x128xf32>
    %add3A_49 = arith.addf %dot_general3A_44, %add3A_48 : vector<1024x128xf32>
    %swap3A_50 = arith.constant 0 : index
    %swap3A_51 = arith.constant 0 : index
    %swap3A_52 = vector.load %arg12[%swap3A_50, %swap3A_51] : memref<1024x128xf32, #tpu.memory_space<vmem>>, vector<1024x128xf32>
    tpu.vector_store %arg12[%swap3A_50, %swap3A_51], %add3A_49 {strides = array<i32>} : memref<1024x128xf32, #tpu.memory_space<vmem>>, vector<1024x128xf32>,
    return
  }
  func.func @transform_0(%arg0: i32) -> (i32, i32) {
    %c0_i32 = arith.constant 0 : i32
    %c0_i32_0 = arith.constant 0 : i32
    return %arg0, %c0_i32 : i32, i32
  }
  func.func @transform_1(%arg0: i32) -> (i32, i32) {
    %min3A = arith.constant 4 : i32
    %min3A_0 = arith.minsi %arg0, %min3A : i32
    %c0_i32 = arith.constant 0 : i32
    %c0_i32_1 = arith.constant 0 : i32
    return %c0_i32, %min3A_0 : i32, i32
  }
  func.func @transform_2(%arg0: i32) -> (i32, i32) {
    %sub3A = arith.constant 5 : i32
    %sub3A_0 = arith.subi %arg0, %sub3A : i32
    %max3A = arith.constant 0 : i32
    %max3A_1 = arith.maxsi %sub3A_0, %max3A : i32
    %c0_i32 = arith.constant 0 : i32
    %c0_i32_2 = arith.constant 0 : i32
    return %c0_i32, %max3A_1 : i32, i32
  }
  func.func @transform_3(%arg0: i32) -> (i32, i32) {
    %c0_i32 = arith.constant 0 : i32
    %c0_i32_0 = arith.constant 0 : i32
    return %arg0, %c0_i32 : i32, i32
  }
  func.func @transform_4(%arg0: i32) -> (i32, i32) {
    %c0_i32 = arith.constant 0 : i32
    %c0_i32_0 = arith.constant 0 : i32
    %c0_i32_1 = arith.constant 0 : i32
    return %c0_i32, %c0_i32_0 : i32, i32
  }
  func.func @transform_5(%arg0: i32) -> (i32, i32) {
    %c0_i32 = arith.constant 0 : i32
    %c0_i32_0 = arith.constant 0 : i32
    %c0_i32_1 = arith.constant 0 : i32
    return %c0_i32, %c0_i32_0 : i32, i32
  }
  func.func @transform_6(%arg0: i32) -> (i32, i32) {
    %c0_i32 = arith.constant 0 : i32
    %c0_i32_0 = arith.constant 0 : i32
    %c0_i32_1 = arith.constant 0 : i32
    return %c0_i32, %c0_i32_0 : i32, i32
  }
  func.func @transform_7(%arg0: i32) -> (i32, i32) {
    %c0_i32 = arith.constant 0 : i32
    %c0_i32_0 = arith.constant 0 : i32
    %c0_i32_1 = arith.constant 0 : i32
    return %c0_i32, %c0_i32_0 : i32, i32
  }
  func.func @transform_8(%arg0: i32) -> (i32, i32) {
    %c0_i32 = arith.constant 0 : i32
    %c0_i32_0 = arith.constant 0 : i32
    %c0_i32_1 = arith.constant 0 : i32
    return %c0_i32, %c0_i32_0 : i32, i32
  }
  func.func @transform_9(%arg0: i32) -> (i32, i32) {
    %c0_i32 = arith.constant 0 : i32
    %c0_i32_0 = arith.constant 0 : i32
    %c0_i32_1 = arith.constant 0 : i32
    return %c0_i32, %c0_i32_0 : i32, i32
  }
  func.func @transform_10(%arg0: i32) -> (i32, i32) {
    %c0_i32 = arith.constant 0 : i32
    %c0_i32_0 = arith.constant 0 : i32
    return %arg0, %c0_i32 : i32, i32
  }
  func.func @transform_11(%arg0: i32) -> (i32, i32) {
    %c0_i32 = arith.constant 0 : i32
    %c0_i32_0 = arith.constant 0 : i32
    return %arg0, %c0_i32 : i32, i32
  }
}

module attributes {stable_mosaic.version = 14 : i64} {
  func.func @_fin_body(%arg0: i32, %arg1: memref<1024x128xf32, #tpu.memory_space<vmem>>, %arg2: memref<16x1024xf32, #tpu.memory_space<vmem>>, %arg3: memref<16x1024xf32, #tpu.memory_space<vmem>>, %arg4: memref<1024x128xf32, #tpu.memory_space<vmem>>, %arg5: memref<1024x128xf32, #tpu.memory_space<vmem>>) attributes {dimension_semantics = [#tpu.dimension_semantics<arbitrary>], iteration_bounds = array<i64: 10>, scalar_prefetch = 0 : i64, scratch_operands = 0 : i64, tpu.core_type = #tpu.core_type<tc>, window_params = [{transform_indices = @transform_0, window_bounds = array<i64: 1024, 128>}, {transform_indices = @transform_1, window_bounds = array<i64: 16, 1024>}, {transform_indices = @transform_2, window_bounds = array<i64: 16, 1024>}, {transform_indices = @transform_3, window_bounds = array<i64: 1024, 128>}, {transform_indices = @transform_4, window_bounds = array<i64: 1024, 128>}]} {
    %get3A = arith.constant 0 : index
    %get3A_0 = arith.constant 0 : index
    %get3A_1 = vector.load %arg1[%get3A, %get3A_0] : memref<1024x128xf32, #tpu.memory_space<vmem>>, vector<1024x128xf32>
    %lt3A = arith.constant 5 : i32
    %lt3A_2 = arith.cmpi slt, %arg0, %lt3A : i32
    %get3A_3 = arith.constant 0 : index
    %get3A_4 = arith.constant 0 : index
    %get3A_5 = vector.load %arg2[%get3A_3, %get3A_4] : memref<16x1024xf32, #tpu.memory_space<vmem>>, vector<16x1024xf32>
    %get3A_6 = arith.constant 0 : index
    %get3A_7 = arith.constant 0 : index
    %get3A_8 = vector.load %arg3[%get3A_6, %get3A_7] : memref<16x1024xf32, #tpu.memory_space<vmem>>, vector<16x1024xf32>
    %select_n3A = arith.select %lt3A_2, %get3A_5, %get3A_8 : vector<16x1024xf32>
    %reduce_sum3A = arith.constant dense<0.000000e+00> : vector<1024xf32>
    %reduce_sum3A_9 = vector.multi_reduction <add>, %select_n3A, %reduce_sum3A [0] : vector<16x1024xf32> to vector<1024xf32>
    %max3A = arith.constant 1.000000e+00 : f32
    %max3A_10 = vector.broadcast %max3A : f32 to vector<1024xf32>
    %max3A_11 = arith.maximumf %reduce_sum3A_9, %max3A_10 : vector<1024xf32>
    %broadcast_in_dim3A = vector.shape_cast %max3A_11 : vector<1024xf32> to vector<1024x1xf32>
    %div3A = vector.broadcast %broadcast_in_dim3A : vector<1024x1xf32> to vector<1024x128xf32>
    %div3A_12 = arith.divf %get3A_1, %div3A : vector<1024x128xf32>
    %get3A_13 = arith.constant 0 : index
    %get3A_14 = arith.constant 0 : index
    %get3A_15 = vector.load %arg4[%get3A_13, %get3A_14] : memref<1024x128xf32, #tpu.memory_space<vmem>>, vector<1024x128xf32>
    %add3A = arith.addf %div3A_12, %get3A_15 : vector<1024x128xf32>
    %swap3A = arith.constant 0 : index
    %swap3A_16 = arith.constant 0 : index
    %swap3A_17 = vector.load %arg5[%swap3A, %swap3A_16] : memref<1024x128xf32, #tpu.memory_space<vmem>>, vector<1024x128xf32>
    tpu.vector_store %arg5[%swap3A, %swap3A_16], %add3A {strides = array<i32>} : memref<1024x128xf32, #tpu.memory_space<vmem>>, vector<1024x128xf32>,
    return
  }
  func.func @transform_0(%arg0: i32) -> (i32, i32) {
    %c0_i32 = arith.constant 0 : i32
    %c0_i32_0 = arith.constant 0 : i32
    return %arg0, %c0_i32 : i32, i32
  }
  func.func @transform_1(%arg0: i32) -> (i32, i32) {
    %min3A = arith.constant 4 : i32
    %min3A_0 = arith.minsi %arg0, %min3A : i32
    %c0_i32 = arith.constant 0 : i32
    %c0_i32_1 = arith.constant 0 : i32
    return %c0_i32, %min3A_0 : i32, i32
  }
  func.func @transform_2(%arg0: i32) -> (i32, i32) {
    %sub3A = arith.constant 5 : i32
    %sub3A_0 = arith.subi %arg0, %sub3A : i32
    %max3A = arith.constant 0 : i32
    %max3A_1 = arith.maxsi %sub3A_0, %max3A : i32
    %c0_i32 = arith.constant 0 : i32
    %c0_i32_2 = arith.constant 0 : i32
    return %c0_i32, %max3A_1 : i32, i32
  }
  func.func @transform_3(%arg0: i32) -> (i32, i32) {
    %c0_i32 = arith.constant 0 : i32
    %c0_i32_0 = arith.constant 0 : i32
    return %arg0, %c0_i32 : i32, i32
  }
  func.func @transform_4(%arg0: i32) -> (i32, i32) {
    %c0_i32 = arith.constant 0 : i32
    %c0_i32_0 = arith.constant 0 : i32
    return %arg0, %c0_i32 : i32, i32
  }
}

</mosaic_0001>

<sc_bundles>
// kernel: kernel.6.cloned.1.call-start
scs
__scs_entry_jumppad:
0x0: {  	(pc) =	sbr.rel $0x88, $3  }
0x1: {  	(tag) =	ssettag $0x0;
	lr =	simm.s32 $0x1  }
0x2: {  	[smem:$0x3F99] =	sst lr;
	_ =	strace $0xD0000000  }
0x3: {  	_ = 	snop  }
0x4: {  	_ = 	snop  }
0x5: {  	_ = 	snop  }
0x6: {  	_ = 	snop  }
0x7: {  	_ = 	snop  }
__scs_overlays_trampoline_lowered:
0x8: {  	[smem:$0x3FA8] =	sst s0  }
0x9: {  	[smem:$0x3FA9] =	sst s1  }
0xa: {  	[smem:$0x3FAA] =	sst s2  }
0xb: {  	[smem:$0x3FAB] =	sst s3  }
0xc: {  	[smem:$0x3FAC] =	sst s4  }
0xd: {  	[smem:$0x3FAD] =	sst s5  }
0xe: {  	[smem:$0x3FAE] =	sst s6  }
0xf: {  	[smem:$0x3FAF] =	sst s7  }
0x10: {  	[smem:$0x3FB0] =	sst s8  }
0x11: {  	[smem:$0x3FB1] =	sst s9;
	s0 =	simm.s32 @!p0 $0x0  }
0x12: {  	s1 =	sld [smem:$0x3F97];
	s0 =	simm.s32 @p0 $0x1  }
0x13: {  	[smem:$0x3FB2] =	sst s0;
	s0 =	simm.s32 @!p1 $0x0  }
0x14: {  	s2 =	sld [smem:$0x3F96];
	s0 =	simm.s32 @p1 $0x1  }
0x15: {  	[smem:$0x3FB3] =	sst s0;
	s0 =	simm.s32 @!p2 $0x0  }
0x16: {  	s3 =	sld [smem:$0x3FDB];
	s0 =	simm.s32 @p2 $0x1  }
0x17: {  	s4 =	simm.s32 $0x1BF5;
	[smem:$0x3FB5] =	sst s0  }
0x18: {  	s0 =	sld [smem:$0x3F98];
	_ =	swait.ge [sflag:s4], $0x0  }
0x19: {  	s7 =	sld [smem:$0x3F99]  }
0x1a: {  	s8 =	sadd.s32 $0xFFFFE003, lr  }
0x1b: {  	s9 =	sadd.s32 $0xFFFFFEF7, lr;
	s5 =	simm.s32 $0xFFFFFFFF;
	p2 =	slt.u32 s8, $0xFFFFF086  }
0x1c: {  	p1 =	slt.u32 s9, $0xF7A;
	s5 =	simm.s32 @!p2 $0x0  }
0x1d: {  	s5 =	simm.s32 @p1 $0x1;
	p0 =	seq.s32 s7, s2  }
0x1e: {  	s7 =	smul.u32 @!p0 $0xF7A, s2;
	p2 =	seq.s32 @!p0 s5, $0x0  }
0x1f: {  	s9 =	smul.u32 $0xF7A, s1;
	s8 =	simm.s32 @!p0 $0x1BF5;
	p2 =	por !p2, p0  }
0x20: {  	[sflag:s8] =	ssyncset.s32 @!p0 $0xFFFFF086;
	s6 =	sadd.s32 @!p0 s3, s7;
	s7 =	simm.s32 @!p0 $0x108  }
0x21: {  	s3 =	sadd.s32 s3, s9;
	s6 =	sadd.s32 @!p0 $0x88, s6;
	s7 =	simm.s32 @p2 $0x1082  }
0x22: {  	[simem:s7], [sflag:s8] =	dma.local @!p0 [hbm:s6], $0xF7A  }
0x23: {  	s9 =	sor.u32 $0xD0000000, s2;
	s6 =	simm.s32 $0x108;
	_ =	swait.ge @!p0 [sflag:s8], $0x0  }
0x24: {  	s3 =	sadd.s32 $0x88, s3;
	s6 =	simm.s32 @!p1 $0x1082;
	[sflag:s4] =	ssyncset.s32 $0xFFFFF086  }
0x25: {  	[simem:s6], [sflag:s4] =	dma.local [hbm:s3], $0xF7A  }
0x26: {  	[smem:$0x3F99] =	sst s1;
	(tag) =	ssettag s2;
	_ =	strace s9  }
0x27: {  	s1 =	sld [smem:$0x3FA9]  }
0x28: {  	s2 =	sld [smem:$0x3FAA]  }
0x29: {  	s4 =	sld [smem:$0x3FAC]  }
0x2a: {  	p0 =	seq.s32 s5, $0x0;
	s5 =	sld [smem:$0x3FAD]  }
0x2b: {  	s6 =	sld [smem:$0x3FAE]  }
0x2c: {  	s7 =	sld [smem:$0x3FAF]  }
0x2d: {  	s3 =	simm.s32 $0x108;
	s8 =	sld [smem:$0x3FB0]  }
0x2e: {  	s3 =	simm.s32 @!p0 $0x1082;
	s9 =	sld [smem:$0x3FB1]  }
0x2f: {  	lr =	sadd.s32 s0, s3;
	s0 =	sld [smem:$0x3FA8]  }
0x30: {  	s3 =	sld [smem:$0x3FAB]  }
0x31: {  	[smem:$0x3FB4] =	sst s10  }
0x32: {  	s10 =	sld [smem:$0x3FB2];
	_ =	sdelay $0x3  }
0x33: {  	p0 =	seq.s32 s10, $0x1;
	s10 =	sld [smem:$0x3FB4];
	_ =	sdelay $0x3  }
0x34: {  	[smem:$0x3FB4] =	sst s10  }
0x35: {  	s10 =	sld [smem:$0x3FB3];
	_ =	sdelay $0x3  }
0x36: {  	p1 =	seq.s32 s10, $0x1;
	s10 =	sld [smem:$0x3FB4];
	_ =	sdelay $0x3  }
0x37: {  	[smem:$0x3FB4] =	sst s10  }
0x38: {  	s10 =	sld [smem:$0x3FB5]  }
0x39: {  	_ = 	snop;
	(pc) =	sbr.ind lr, $3  }
0x3a: {  	_ = 	snop  }
0x3b: {  	_ = 	snop  }
0x3c: {  	p2 =	seq.s32 s10, $0x1;
	s10 =	sld [smem:$0x3FB4]  }
0x3d: {  	_ =	shalt  }
0x3e: {  	_ =	shalt  }
0x3f: {  	_ =	shalt  }
0x40: {  	_ =	shalt  }
0x41: {  	_ =	shalt  }
0x42: {  	_ =	shalt  }
0x43: {  	_ =	shalt  }
0x44: {  	_ =	shalt  }
0x45: {  	_ =	shalt  }
0x46: {  	_ =	shalt  }
0x47: {  	_ =	shalt  }
0x48: {  	_ =	shalt  }
0x49: {  	_ =	shalt  }
0x4a: {  	_ =	shalt  }
0x4b: {  	_ =	shalt  }
0x4c: {  	_ =	shalt  }
0x4d: {  	_ =	shalt  }
0x4e: {  	_ =	shalt  }
0x4f: {  	_ =	shalt  }
0x50: {  	_ =	shalt  }
0x51: {  	_ =	shalt  }
0x52: {  	_ =	shalt  }
0x53: {  	_ =	shalt  }
0x54: {  	_ =	shalt  }
0x55: {  	_ =	shalt  }
0x56: {  	_ =	shalt  }
0x57: {  	_ =	shalt  }
0x58: {  	_ =	shalt  }
0x59: {  	_ =	shalt  }
0x5a: {  	_ =	shalt  }
0x5b: {  	_ =	shalt  }
0x5c: {  	_ =	shalt  }
0x5d: {  	_ =	shalt  }
0x5e: {  	_ =	shalt  }
0x5f: {  	_ =	shalt  }
0x60: {  	_ =	shalt  }
0x61: {  	_ =	shalt  }
0x62: {  	_ =	shalt  }
0x63: {  	_ =	shalt  }
0x64: {  	_ =	shalt  }
0x65: {  	_ =	shalt  }
0x66: {  	_ =	shalt  }
0x67: {  	_ =	shalt  }
0x68: {  	_ =	shalt  }
0x69: {  	_ =	shalt  }
0x6a: {  	_ =	shalt  }
0x6b: {  	_ =	shalt  }
0x6c: {  	_ =	shalt  }
0x6d: {  	_ =	shalt  }
0x6e: {  	_ =	shalt  }
0x6f: {  	_ =	shalt  }
0x70: {  	_ =	shalt  }
0x71: {  	_ =	shalt  }
0x72: {  	_ =	shalt  }
0x73: {  	_ =	shalt  }
0x74: {  	_ =	shalt  }
0x75: {  	_ =	shalt  }
0x76: {  	_ =	shalt  }
0x77: {  	_ =	shalt  }
0x78: {  	_ =	shalt  }
0x79: {  	_ =	shalt  }
0x7a: {  	_ =	shalt  }
0x7b: {  	_ =	shalt  }
0x7c: {  	_ =	shalt  }
0x7d: {  	_ =	shalt  }
0x7e: {  	_ =	shalt  }
0x7f: {  	_ =	shalt  }
0x80: {  	_ =	shalt  }
0x81: {  	_ =	shalt  }
0x82: {  	_ =	shalt  }
0x83: {  	_ =	shalt  }
0x84: {  	_ =	shalt  }
0x85: {  	_ =	shalt  }
0x86: {  	_ =	shalt  }
0x87: {  	_ =	shalt  }
.Lfunc_end0:
.L_simem_size_0:
called_computation_lowered:
.L_overlay_start_0:
0x88: {  	s2 =	sld [smem:$0x3FD9]  }
0x89: {  	s3 =	sld [smem:$0x3FFE];
	_ =	sdelay $0x1  }
0x8a: {  	s1 =	srdreg.scid  }
0x8b: {  	s0 =	sand.u32 $0x1, s1  }
0x8c: {  	s17 =	sshll.u32 s0, $0xA;
	s2 =	sadd.s32 s3, s2  }
0x8d: {  	s2 =	sadd.s32 s2, s17  }
0x8e: {  	[smem:$0x3FC0] =	sst s2  }
0x8f: {  	_ = 	snop  }
0x90: {  	s2 =	sld [smem:$0x3FD0];
	(tm) =	ssettm $0x1  }
0x91: {  	s18 =	sld [smem:$0x3FFB];
	_ =	sdelay $0x3  }
0x92: {  	_ =	strace s18  }
0x93: {  	s3 =	sld [smem:$0x3FFC];
	_ =	sdelay $0x3  }
0x94: {  	_ =	strace s3  }
0x95: {  	s3 =	sld [smem:$0x3FFD];
	_ =	sdelay $0x3  }
0x96: {  	_ =	strace s3  }
0x97: {  	_ =	strace $0x8FFFFFFF  }
0x98: {  	s19 =	sld [smem:$0x3FDB];
	_ =	sdelay $0x1  }
0x99: {  	s4 =	simm.s32 $_scs_section_size  }
0x9a: {  	s5 =	simm.s32 $_size__tile_overlayer_lowered;
	s6 =	simm.s32 $_tile_overlayer_lowered  }
0x9b: {  	s22 =	simm.s32 $0x1BFF;
	s21 =	sshll.u32 s6, $0x1;
	s3 =	sadd.s32 s4, s19  }
0x9c: {  	s7 =	simm.s32 $0x0;
	s20 =	sshll.u32 s5, $0x1;
	s5 =	sadd.s32 s21, s3  }
0x9d: {  	[timem:s7], [sflag:s22] =	dma.local [hbm:s5], s20  }
0x9e: {  	_ =	swait.ge [sflag:s22], s20  }
0x9f: {  	s4 =	ssub.s32 $0x0, s20;
	[sflag:s22] =	ssyncset.done $0x0  }
0xa0: {  	[sflag:s22] =	ssyncadd.s32 s4;
	_ =	sdelay $0x1  }
0xa1: {  	s23 =	simm.s32 $0x1B8B  }
0xa2: {  	_ =	swait.ge [sflag:s23], $0x1  }
0xa3: {  	[sflag:s23] =	ssyncset.done $0x0  }
0xa4: {  	s25 =	simm.s32 $0x1B8E;
	s24 =	sld [smem:$0x3FFE];
	[sflag:s23] =	ssyncadd.s32 $0xFFFFFFFF  }
0xa5: {  	s26 =	simm.s32 $execute0_lowered;
	[smem:$0x3FD2] =	sst s25  }
0xa6: {  	s5 =	sshll.u32 s26, $0x1;
	_ =	strace $0x80000046;
	[dreg:$0x1] =	wrdreg $0xFFFFFFFF  }
0xa7: {  	s28 =	simm.s32 $_size_execute0_lowered;
	s3 =	sadd.s32 s3, s5;
	[dreg:$0x0] =	wrdreg $0x0  }
0xa8: {  	s5 =	sshll.u32 s28, $0x1;
	[dreg:$0x2] =	wrdreg s3  }
0xa9: {  	[dreg:$0x3] =	wrdreg s5  }
0xaa: {  	[dreg:$0x4] =	wrdreg $0xC0  }
0xab: {  	_ =	task [dreg:s7], $0x5FFFF  }
0xac: {  	[dreg:$0x1] =	wrdreg $0xFFFFFFFF  }
0xad: {  	[dreg:$0x0] =	wrdreg $0x60  }
0xae: {  	[dreg:$0x2] =	wrdreg s24  }
0xaf: {  	[dreg:$0x3] =	wrdreg s2  }
0xb0: {  	[dreg:$0x4] =	wrdreg $0x90000  }
0xb1: {  	[dreg:$0x5] =	wrdreg $0x9  }
0xb2: {  	_ =	task.clear_ibuf [dreg:s7], $0x6FFFF;
	_ =	strace $0x90000046  }
0xb3: {  	s29 =	simm.s32 $0x9;
	_ =	strace $0x80000048  }
0xb4: {  	_ =	swait.ge [sflag:s29], $0x1  }
0xb5: {  	[sflag:s29] =	ssyncadd.s32 $0xFFFFFFFF  }
0xb6: {  	_ =	strace $0x90000048  }
0xb7: {  	_ =	sfence  }
0xb8: {  	s30 =	sld [smem:$0x0];
	_ =	sdelay $0x2  }
0xb9: {  	s31 =	sshll.u32 s1, $0xD;
	s1 =	sshrl.u32 s1, $0x2  }
0xba: {  	s3 =	sand.u32 $0x4000, s31;
	s1 =	sadd.s32 s1, s30  }
0xbb: {  	s0 =	sor.u32 s3, s0;
	s1 =	sshll.u32 s1, $0x11  }
0xbc: {  	s0 =	sor.u32 s1, s0  }
0xbd: {  	s0 =	sadd.s32 $0x8F2B, s0  }
0xbe: {  	[sflag:s0] =	ssyncadd.remote.s32 $0x1  }
0xbf: {  	_ =	sfence.sel $0xFFFF  }
0xc0: {  	[dreg:$0x0] =	wrdreg $0xFFFFFFFF;
	(pc) =	sbr.abs _section_cstart, $3  }
0xc1: {  	[dreg:$0x1] =	wrdreg $0xFFFFFFFF  }
0xc2: {  	_ =	task.clear_ibuf [dreg:s7], $0x2FFFF;
	_ =	strace $0x9FFFFFFF  }
0xc3: {  	(tm) =	ssettm $0x7FFFFFFF  }
tec
execute0_lowered:
.L_overlay_start_1:
0x0: {  	(tag) =	ssettag $0x1  }
0x1: {  	s0 =	rddreg [dreg:$0x0]  }
0x2: {  	s1 =	rddreg [dreg:$0x1]  }
0x3: {  	s2 =	rddreg [dreg:$0x2]  }
0x4: {  	s3 =	srdreg.scid;
	s4 =	simm.s32 $0x0;
	s12 =	stileid.u32  }
0x5: {  	s29 =	simm.s32 $0x5400;
	s30 =	simm.s32 $0x6800;
	s3 =	sand.u32 $0x1, s3  }
0x6: {  	[smem:$0x7FF] =	sst s4;
	s7 =	smul.u32 $0xA400, s12;
	s9 =	sshrl.u32 s12, $0x3  }
0x7: {  	s5 =	sadd.s32 $0x43000, s0;
	s10 =	sshll.u32 s12, $0x7;
	s24 =	smul.u32 $0x29000, s12  }
0x8: {  	s19 =	sshll.u32 s12, $0x9;
	s20 =	sshll.u32 s12, $0xD;
	s6 =	smul.u32 $0xA4000, s3  }
0x9: {  	s21 =	sshll.u32 s12, $0x10;
	s12 =	simm.s32 $0x4;
	s8 =	smul.u32 $0x14800, s3  }
0xa: {  	_ =	strace $0x80000047;
	s9 =	smul.u32 $0xA400, s9;
	s23 =	sand.u32 $0x380, s10  }
0xb: {  	s26 =	ssub.s32 $0x2, s3;
	s22 =	sadd.s32 s1, s20;
	s10 =	sshrl.u32 s24, $0x2  }
0xc: {  	s28 =	sshrl.u32 s26, $0x1;
	[dreg:$0xd] =	wrdreg s22;
	s14 =	sadd.s32 s10, s2  }
0xd: {  	s7 =	sadd.s32 s7, s6;
	s31 =	sadd.s32 $0x1400, s14;
	[dreg:$0x4] =	wrdreg s14  }
0xe: {  	s8 =	sadd.s32 s8, s9;
	s9 =	sadd.s32 $0x2800, s14;
	[dreg:$0x5] =	wrdreg s31  }
0xf: {  	s6 =	sadd.s32 $0x3000, s0;
	s10 =	sadd.s32 $0x3C00, s14;
	[dreg:$0x6] =	wrdreg s9  }
0x10: {  	s7 =	sshrl.u32 s7, $0x3;
	s13 =	sadd.s32 $0x5000, s14;
	[dreg:$0x7] =	wrdreg s10  }
0x11: {  	s25 =	sor.u32 s23, s8;
	s15 =	sadd.s32 $0x6400, s14;
	[dreg:$0x8] =	wrdreg s13  }
0x12: {  	s8 =	ssub.s32 s26, s28;
	s16 =	sadd.s32 $0x7800, s14;
	[dreg:$0x9] =	wrdreg s15  }
0x13: {  	s17 =	sadd.s32 $0x8C00, s14;
	s18 =	sadd.s32 $0xA000, s14;
	[dreg:$0xa] =	wrdreg s16  }
0x14: {  	s11 =	sadd.s32 s7, s0;
	s7 =	sshrl.u32 s25, $0x3;
	[dreg:$0xb] =	wrdreg s17  }
0x15: {  	[dreg:$0xc] =	wrdreg s18;
	s16 =	sshll.u32 s3, $0x14;
	s3 =	sor.u32 $0x1000, s21  }
0x16: {  	s31 =	smax.u32 s8, $0x1;
	s17 =	simm.s32 $0x80;
	s8 =	simm.s32 $0x13400  }
0x17: {  	s9 =	simm.s32 $0x7C00;
	s15 =	simm.s32 $0x7;
	s0 =	sadd.s32 s7, s0  }
0x18: {  	s23 =	sor.u32 s21, s16;
	s24 =	sshrl.u32 s3, $0x3;
	s3 =	sor.u32 s16, s3  }
0x19: {  	s21 =	sor.u32 $0x40, s19;
	s28 =	sadd.s32 $0x6B000, s11;
	[dreg:$0x13] =	wrdreg s31  }
0x1a: {  	s11 =	simm.s32 $0x3;
	s10 =	sshrl.u32 s23, $0x3;
	s26 =	sadd.s32 s1, s24  }
.Ltmp0:
0x1b: {  	s3 =	sshrl.u32 s3, $0x3;
	[dreg:$0x11] =	wrdreg s28;
	(pc) =	sbr.rel .LBB2_1-.Ltmp0, $4  }
0x1c: {  	s0 =	sadd.s32 $0x94000, s0;
	s25 =	sadd.s32 s6, s10;
	[dreg:$0xf] =	wrdreg s26  }
0x1d: {  	s3 =	sadd.s32 s6, s3;
	[dreg:$0x12] =	wrdreg s0;
	s26 =	simm.s32 $0xB  }
0x1e: {  	s0 =	simm.s32 $0x28;
	s10 =	simm.s32 $0x2;
	[dreg:$0xe] =	wrdreg s25  }
0x1f: {  	v0 =	vimm.f32 $0.0e+00;
	v1 =	vimm.f32 $1.000000000e+00;
	vm0 =	vcmask $0x3F20;
	[dreg:$0x10] =	wrdreg s3;
	s25 =	simm.s32 $0x4000;
	s3 =	simm.s32 $0x1  }
.LBB2_8:
0x20: {  	s7 =	simm.s32 $0x5  }
0x21: {  	_ =	swait.ge [sflag:s7], $0x1400  }
0x22: {  	[sflag:s7] =	ssyncset.done $0x0  }
0x23: {  	s20 =	simm.s32 $0x6;
	[sflag:s7] =	ssyncadd.s32 $0xFFFFEC00  }
0x24: {  	_ =	swait.ge [sflag:s20], $0x1400  }
0x25: {  	[sflag:s20] =	ssyncset.done $0x0  }
0x26: {  	[sflag:s20] =	ssyncadd.s32 $0xFFFFEC00  }
0x27: {  	_ =	swait.ge [sflag:s15], $0x1400  }
0x28: {  	[sflag:s15] =	ssyncset.done $0x0  }
0x29: {  	s22 =	simm.s32 $0x8;
	[sflag:s15] =	ssyncadd.s32 $0xFFFFEC00  }
0x2a: {  	_ =	swait.ge [sflag:s22], $0x1400  }
0x2b: {  	[sflag:s22] =	ssyncset.done $0x0  }
0x2c: {  	[sflag:s22] =	ssyncadd.s32 $0xFFFFEC00  }
0x2d: {  	s23 =	stileid.u32;
	[bflag:$0x0] =	sbarrier.arrive $0xFFFF  }
0x2e: {  	s7 =	sshll.u32 s23, $0x6;
	s14 =	rddreg [dreg:$0x4]  }
0x2f: {  	s7 =	sor.u32 $0x1C0B, s7;
	s17 =	rddreg [dreg:$0x11];
	s13 =	sshrl.u32 s14, $0x3  }
0x30: {  	[hbm:s17], [sflag:s7] =	dma.local [spmem:s13], $0x1480  }
0x31: {  	_ =	swait.ge [sflag:s26], $0x1480  }
0x32: {  	s28 =	simm.s32 $0x400;
	[sflag:s26] =	ssyncset.done $0x0  }
0x33: {  	s17 =	simm.s32 $0x80;
	s24 =	rddreg [dreg:$0x12];
	[sflag:s26] =	ssyncadd.s32 $0xFFFFEB80  }
0x34: {  	[hbm4b:s24+s17] =	stream.strided.scatter [tilespmem:s8], [sflag:$0xB], $0x1480, s28, s17, $0x38;
	[tilespmem:$0x14880] =	vst v63  }
0x35: {  	_ =	swait.ge [sflag:s26], $0x1480  }
0x36: {  	s4 =	sadd.s32 $0x1, s4;
	s31 =	rddreg [dreg:$0x13]  }
0x37: {  	p0 =	sne.s32 s4, s31  }
.Ltmp1:
0x38: {  	_ = 	snop;
	(pc) =	sbr.rel @!p0 .LBB2_9-.Ltmp1, $3  }
0x39: {  	_ =	sdelay $0x1  }
0x3a: {  	[sflag:s26] =	ssyncset.done $0x0  }
0x3b: {  	[sflag:s26] =	ssyncadd.s32 $0xFFFFEB80  }
.LBB2_1:
0x3c: {  	s18 =	simm.s32 $0x0;
	s19 =	simm.s32 $0x200  }
.LBB2_2:
0x3d: {  	p0 =	sne.s32 s19, $0x4E00;
	[tilespmem:s18+$0x4070] =	vst v0  }
0x3e: {  	[tilespmem:s18+$0x4000] =	vst v0  }
0x3f: {  	[tilespmem:s18+$0x4010] =	vst v0  }
.Ltmp2:
0x40: {  	[tilespmem:s18+$0x4020] =	vst v0;
	(pc) =	sbr.rel @p0 .LBB2_2-.Ltmp2, $4  }
0x41: {  	[tilespmem:s18+$0x4030] =	vst v0  }
0x42: {  	[tilespmem:s18+$0x4040] =	vst v0  }
0x43: {  	[tilespmem:s18+$0x4050] =	vst v0  }
0x44: {  	[tilespmem:s18+$0x4060] =	vst v0;
	s18 =	sshra.s32 s19, $0x2;
	s19 =	sadd.s32 $0x200, s19  }
0x45: {  	[tilespmem:s18+$0x4070] =	vst v0  }
0x46: {  	[tilespmem:s18+$0x4000] =	vst v0  }
0x47: {  	[tilespmem:s18+$0x4010] =	vst v0  }
0x48: {  	[tilespmem:s18+$0x4020] =	vst v0  }
0x49: {  	[tilespmem:s18+$0x4030] =	vst v0  }
0x4a: {  	[tilespmem:s18+$0x4040] =	vst v0  }
0x4b: {  	[tilespmem:s18+$0x4050] =	vst v0  }
0x4c: {  	[tilespmem:s18+$0x4060] =	vst v0  }
0x4d: {  	[spmem:s14] =	stream.linear.scatter [tilespmem:s25], [sflag:$0xB], $0x1400, $0x38;
	[tilespmem:$0x14880] =	vst v63  }
0x4e: {  	_ =	swait.ge [sflag:s26], $0x1400  }
0x4f: {  	[sflag:s26] =	ssyncset.done $0x0  }
0x50: {  	s7 =	rddreg [dreg:$0x5];
	[sflag:s26] =	ssyncadd.s32 $0xFFFFEC00  }
0x51: {  	[spmem:s7] =	stream.linear.scatter [tilespmem:s25], [sflag:$0xB], $0x1400, $0x38;
	[tilespmem:$0x14880] =	vst v63  }
0x52: {  	_ =	swait.ge [sflag:s26], $0x1400  }
0x53: {  	[sflag:s26] =	ssyncset.done $0x0  }
0x54: {  	s19 =	rddreg [dreg:$0x6];
	[sflag:s26] =	ssyncadd.s32 $0xFFFFEC00  }
0x55: {  	[spmem:s19] =	stream.linear.scatter [tilespmem:s25], [sflag:$0xB], $0x1400, $0x38;
	[tilespmem:$0x14880] =	vst v63  }
0x56: {  	_ =	swait.ge [sflag:s26], $0x1400  }
0x57: {  	[sflag:s26] =	ssyncset.done $0x0  }
0x58: {  	s20 =	rddreg [dreg:$0x7];
	[sflag:s26] =	ssyncadd.s32 $0xFFFFEC00  }
0x59: {  	[spmem:s20] =	stream.linear.scatter [tilespmem:s25], [sflag:$0xB], $0x1400, $0x38;
	[tilespmem:$0x14880] =	vst v63  }
0x5a: {  	_ =	swait.ge [sflag:s26], $0x1400  }
0x5b: {  	[sflag:s26] =	ssyncset.done $0x0  }
0x5c: {  	s22 =	rddreg [dreg:$0x8];
	[sflag:s26] =	ssyncadd.s32 $0xFFFFEC00  }
0x5d: {  	[spmem:s22] =	stream.linear.scatter [tilespmem:s25], [sflag:$0xB], $0x1400, $0x38;
	[tilespmem:$0x14880] =	vst v63  }
0x5e: {  	_ =	swait.ge [sflag:s26], $0x1400  }
0x5f: {  	[sflag:s26] =	ssyncset.done $0x0  }
0x60: {  	s23 =	rddreg [dreg:$0x9];
	[sflag:s26] =	ssyncadd.s32 $0xFFFFEC00  }
0x61: {  	[spmem:s23] =	stream.linear.scatter [tilespmem:s25], [sflag:$0xB], $0x1400, $0x38;
	[tilespmem:$0x14880] =	vst v63  }
0x62: {  	_ =	swait.ge [sflag:s26], $0x1400  }
0x63: {  	[sflag:s26] =	ssyncset.done $0x0  }
0x64: {  	s24 =	rddreg [dreg:$0xa];
	[sflag:s26] =	ssyncadd.s32 $0xFFFFEC00  }
0x65: {  	[spmem:s24] =	stream.linear.scatter [tilespmem:s25], [sflag:$0xB], $0x1400, $0x38;
	[tilespmem:$0x14880] =	vst v63  }
0x66: {  	_ =	swait.ge [sflag:s26], $0x1400  }
0x67: {  	[sflag:s26] =	ssyncset.done $0x0  }
0x68: {  	s28 =	rddreg [dreg:$0xb];
	[sflag:s26] =	ssyncadd.s32 $0xFFFFEC00  }
0x69: {  	[spmem:s28] =	stream.linear.scatter [tilespmem:s25], [sflag:$0xB], $0x1400, $0x38;
	[tilespmem:$0x14880] =	vst v63  }
0x6a: {  	_ =	swait.ge [sflag:s26], $0x1400  }
0x6b: {  	[sflag:s26] =	ssyncset.done $0x0  }
0x6c: {  	s31 =	rddreg [dreg:$0xc];
	[sflag:s26] =	ssyncadd.s32 $0xFFFFEC00  }
0x6d: {  	[spmem:s31] =	stream.linear.scatter [tilespmem:s25], [sflag:$0xB], $0x400, $0x38;
	[tilespmem:$0x14880] =	vst v63  }
0x6e: {  	_ =	swait.ge [sflag:s26], $0x400  }
0x6f: {  	[sflag:s26] =	ssyncset.done $0x0  }
0x70: {  	s18 =	simm.s32 $0x40;
	s19 =	simm.s32 $0x0;
	[sflag:s26] =	ssyncadd.s32 $0xFFFFFC00  }
.LBB2_4:
0x71: {  	p0 =	sne.s32 s18, $0x51C0;
	[tilespmem:s19+$0x13400] =	vst v0;
	s19 =	smov.u32 s18;
	s18 =	sadd.s32 $0x40, s18  }
.Ltmp3:
0x72: {  	(pc) =	sbr.rel @p0 .LBB2_4-.Ltmp3, $2  }
0x73: {  	_ =	sdelay $0x2  }
0x74: {  	s19 =	sshra.s32 s19, $0x2  }
0x75: {  	[tilespmem:s19+$0x13400] =	vst v0;
	s18 =	simm.s32 $0x0;
	s7 =	rddreg [dreg:$0xd]  }
0x76: {  	[tilespmem:s18], [sflag:$0x9] =	stream.linear.gather [hbm4b:s7+s18], $0x1000, $0x38;
	[tilespmem:$0x14880] =	vst v63  }
0x77: {  	s19 =	rddreg [dreg:$0xe];
	s13 =	simm.s32 $0x2000  }
0x78: {  	[tilespmem:s13], [sflag:$0x9] =	stream.linear.gather [hbm4b:s19+s18], $0x1000, $0x38;
	[tilespmem:$0x14880] =	vst v63  }
0x79: {  	s20 =	rddreg [dreg:$0xf];
	s22 =	simm.s32 $0x1000  }
0x7a: {  	[tilespmem:s22], [sflag:$0xA] =	stream.linear.gather [hbm4b:s20+s18], $0x1000, $0x38;
	[tilespmem:$0x14880] =	vst v63  }
0x7b: {  	s23 =	rddreg [dreg:$0x10];
	s24 =	simm.s32 $0x3000;
	s28 =	simm.s32 $0x9  }
0x7c: {  	[tilespmem:s24], [sflag:$0xA] =	stream.linear.gather [hbm4b:s23+s18], $0x1000, $0x38;
	[tilespmem:$0x14880] =	vst v63  }
0x7d: {  	_ =	swait.ge [sflag:s28], $0x1000  }
0x7e: {  	[sflag:s28] =	ssyncset.done $0x0  }
0x7f: {  	[sflag:s28] =	ssyncadd.s32 $0xFFFFF000  }
0x80: {  	_ =	swait.ge [sflag:s28], $0x1000  }
0x81: {  	[sflag:s28] =	ssyncset.done $0x0  }
0x82: {  	[sflag:s28] =	ssyncadd.s32 $0xFFFFF000  }
0x83: {  	[bflag:$0x0] =	sbarrier.arrive $0xFFFF  }
0x84: {  	[tilespmem:s25], [sflag:$0x1] =	stream.indirect.gather [hbm4b:s5+s0], $0x80, s18, s0, $0xb8;
	[tilespmem:$0x14880] =	vst v63  }
0x85: {  	_ = 	snop  }
0x86: {  	[tilespmem:s29], [sflag:$0x2] =	stream.indirect.gather [hbm4b:s5+s0], $0x80, s17, s0, $0xb8;
	[tilespmem:$0x14880] =	vst v63  }
0x87: {  	s31 =	simm.s32 $0x100;
	s19 =	simm.s32 $0x300;
	s20 =	simm.s32 $0x0  }
0x88: {  	[tilespmem:s30], [sflag:$0x3] =	stream.indirect.gather [hbm4b:s5+s0], $0x80, s31, s0, $0xb8;
	[tilespmem:$0x14880] =	vst v63  }
.LBB2_6:
0x89: {  	s22 =	sand.u32 $0x1C, s18;
	p0 =	sgt.u32 s20, $0x77  }
0x8a: {  	p1 =	sne.s32 @!p0 s22, $0x1C  }
0x8b: {  	p2 =	por p1, p0  }
0x8c: {  	s23 =	sand.u32 @!p2 $0x8, s20  }
0x8d: {  	p3 =	seq.s32 @!p2 s23, $0x0  }
0x8e: {  	p1 =	por @!p0 !p3, p1  }
0x8f: {  	s24 =	simm.s32 @!p2 $0xA;
	p0 =	por !p1, p0  }
0x90: {  	s24 =	simm.s32 @!p0 $0x9  }
0x91: {  	_ =	swait.ge @!p2 [sflag:s24], $0x1000  }
0x92: {  	[sflag:s24] =	ssyncset.done @!p2 $0x0  }
0x93: {  	[sflag:s24] =	ssyncadd.s32 @!p2 $0xFFFFF000  }
0x94: {  	_ =	swait.ge @!p2 [sflag:s24], $0x1000  }
0x95: {  	s23 =	sshrl.u32 s20, $0x3;
	[sflag:s24] =	ssyncset.done @!p2 $0x0  }
0x96: {  	[sflag:s24] =	ssyncadd.s32 @!p2 $0xFFFFF000;
	s24 =	sand.u32 $0x1, s23  }
0x97: {  	s13 =	sshll.u32 s22, $0x7;
	_ =	swait.ge [sflag:s3], $0x1400;
	s28 =	sshll.u32 s24, $0xC  }
0x98: {  	[sflag:s3] =	ssyncset.done $0x0;
	s13 =	sor.u32 s13, s28  }
0x99: {  	[sflag:s3] =	ssyncadd.s32 $0xFFFFEC00;
	s28 =	sor.u32 $0x2000, s13  }
0x9a: {  	[spmem:s2] =	stream.indirect.scatter.add.f32 [tilespmem:s25], [sflag:$0x5], $0x80, s28, s0, $0xb8;
	[tilespmem:$0x14880] =	vst v63  }
0x9b: {  	v2 =	vld [tilespmem:s13+$0x2000];
	_ =	sdelay $0x7  }
0x9c: {  	[tilespmem:v2+s8+$0x0] =	vst.idx.add.f32.msk $0xffff, v1  }
0x9d: {  	v2 =	vld [tilespmem:s13+$0x2010];
	_ =	sdelay $0x7  }
0x9e: {  	[tilespmem:v2+s8+$0x0] =	vst.idx.add.f32.msk $0xffff, v1  }
0x9f: {  	v2 =	vld [tilespmem:s13+$0x2018];
	_ =	sdelay $0x6  }
0xa0: {  	p0 =	seq.s32 s19, $0x300  }
0xa1: {  	s17 =	sadd.s32 $0xFFFFFD00, s19;
	s13 =	simm.s32 @!p0 $0x8;
	[tilespmem:v2+s8+$0x0] =	vst.idx.add.f32.msk vm0, v1  }
0xa2: {  	s14 =	sand.u32 $0xE00, s17;
	_ =	swait.ge @!p0 [sflag:s13], $0x1400  }
0xa3: {  	s28 =	sand.u32 $0x1000, s17;
	s17 =	sor.u32 $0x180, s14;
	[sflag:s13] =	ssyncset.done @!p0 $0x0  }
0xa4: {  	s31 =	sor.u32 s17, s28;
	[sflag:s13] =	ssyncadd.s32 @!p0 $0xFFFFEC00  }
0xa5: {  	[tilespmem:s9], [sflag:$0x4] =	stream.indirect.gather [hbm4b:s5+s0], $0x80, s31, s0, $0xb8;
	[tilespmem:$0x14880] =	vst v63  }
0xa6: {  	s13 =	sor.u32 $0x2000, s28;
	_ =	swait.ge [sflag:s10], $0x1400  }
0xa7: {  	s14 =	sor.u32 s14, s13;
	[sflag:s10] =	ssyncset.done $0x0  }
0xa8: {  	s7 =	sor.u32 $0x80, s14;
	[sflag:s10] =	ssyncadd.s32 $0xFFFFEC00  }
0xa9: {  	[spmem:s2] =	stream.indirect.scatter.add.f32 [tilespmem:s29], [sflag:$0x6], $0x80, s7, s0, $0xb8;
	[tilespmem:$0x14880] =	vst v63  }
0xaa: {  	v2 =	vld [tilespmem:s14+$0x80];
	_ =	sdelay $0x7  }
0xab: {  	[tilespmem:v2+s8+$0x0] =	vst.idx.add.f32.msk $0xffff, v1  }
0xac: {  	v2 =	vld [tilespmem:s14+$0x90];
	_ =	sdelay $0x7  }
0xad: {  	[tilespmem:v2+s8+$0x0] =	vst.idx.add.f32.msk $0xffff, v1  }
0xae: {  	v2 =	vld [tilespmem:s14+$0x98];
	_ =	sdelay $0x6  }
0xaf: {  	p0 =	seq.s32 s19, $0x10100  }
0xb0: {  	s28 =	simm.s32 @!p0 $0x5;
	[tilespmem:v2+s8+$0x0] =	vst.idx.add.f32.msk vm0, v1  }
0xb1: {  	_ =	swait.ge @!p0 [sflag:s28], $0x1400  }
0xb2: {  	[sflag:s28] =	ssyncset.done @!p0 $0x0  }
0xb3: {  	[sflag:s28] =	ssyncadd.s32 @!p0 $0xFFFFEC00;
	s28 =	sadd.s32 @!p0 $0xFFFFFF00, s19  }
0xb4: {  	s31 =	simm.s32 @!p0 $0x4000;
	s7 =	simm.s32 @!p0 $0x28;
	s28 =	sand.u32 @!p0 $0x1E00, s28  }
0xb5: {  	[tilespmem:s31], [sflag:$0x1] =	stream.indirect.gather @!p0 [hbm4b:s5+s7], $0x80, s28, s7, $0xb8;
	[tilespmem:$0x14880] =	vst v63  }
0xb6: {  	_ =	swait.ge [sflag:s11], $0x1400  }
0xb7: {  	[sflag:s11] =	ssyncset.done $0x0  }
0xb8: {  	s31 =	sadd.s32 $0x100, s14;
	[sflag:s11] =	ssyncadd.s32 $0xFFFFEC00  }
0xb9: {  	[spmem:s2] =	stream.indirect.scatter.add.f32 [tilespmem:s30], [sflag:$0x7], $0x80, s31, s0, $0xb8;
	[tilespmem:$0x14880] =	vst v63  }
0xba: {  	v2 =	vld [tilespmem:s14+$0x100];
	_ =	sdelay $0x7  }
0xbb: {  	[tilespmem:v2+s8+$0x0] =	vst.idx.add.f32.msk $0xffff, v1  }
0xbc: {  	v2 =	vld [tilespmem:s14+$0x110];
	_ =	sdelay $0x7  }
0xbd: {  	[tilespmem:v2+s8+$0x0] =	vst.idx.add.f32.msk $0xffff, v1  }
0xbe: {  	v2 =	vld [tilespmem:s14+$0x118];
	_ =	sdelay $0x7  }
0xbf: {  	s14 =	simm.s32 @!p0 $0x6;
	[tilespmem:v2+s8+$0x0] =	vst.idx.add.f32.msk vm0, v1  }
0xc0: {  	_ =	swait.ge @!p0 [sflag:s14], $0x1400  }
0xc1: {  	s28 =	sadd.s32 @!p0 $0xFFFFFF80, s19;
	[sflag:s14] =	ssyncset.done @!p0 $0x0  }
0xc2: {  	[sflag:s14] =	ssyncadd.s32 @!p0 $0xFFFFEC00;
	s14 =	sand.u32 @!p0 $0x1E80, s28;
	s28 =	simm.s32 @!p0 $0x5400  }
0xc3: {  	[tilespmem:s28], [sflag:$0x2] =	stream.indirect.gather @!p0 [hbm4b:s5+s7], $0x80, s14, s7, $0xb8;
	[tilespmem:$0x14880] =	vst v63  }
0xc4: {  	_ =	swait.ge [sflag:s12], $0x1400  }
0xc5: {  	[sflag:s12] =	ssyncset.done $0x0  }
0xc6: {  	s31 =	sadd.s32 s17, s13;
	[sflag:s12] =	ssyncadd.s32 $0xFFFFEC00  }
0xc7: {  	[spmem:s2] =	stream.indirect.scatter.add.f32 [tilespmem:s9], [sflag:$0x8], $0x80, s31, s0, $0xb8;
	[tilespmem:$0x14880] =	vst v63  }
0xc8: {  	v2 =	vld [tilespmem:s31+$0x0];
	_ =	sdelay $0x7  }
0xc9: {  	[tilespmem:v2+s8+$0x0] =	vst.idx.add.f32.msk $0xffff, v1  }
0xca: {  	v2 =	vld [tilespmem:s31+$0x10];
	_ =	sdelay $0x7  }
0xcb: {  	[tilespmem:v2+s8+$0x0] =	vst.idx.add.f32.msk $0xffff, v1  }
0xcc: {  	v2 =	vld [tilespmem:s31+$0x18];
	_ =	sdelay $0x3  }
.Ltmp4:
0xcd: {  	_ = 	snop;
	(pc) =	sbr.rel @p0 .LBB2_8-.Ltmp4, $2  }
0xce: {  	_ =	sdelay $0x2  }
0xcf: {  	[tilespmem:v2+s8+$0x0] =	vst.idx.add.f32.msk vm0, v1  }
0xd0: {  	_ =	swait.ge [sflag:s15], $0x1400;
	p0 =	sgt.u32 s20, $0x6F  }
0xd1: {  	[sflag:s15] =	ssyncset.done $0x0;
	p1 =	sne.s32 @!p0 s22, $0x1C  }
0xd2: {  	s7 =	sand.u32 $0x1F00, s19;
	[sflag:s15] =	ssyncadd.s32 $0xFFFFEC00;
	p3 =	por p1, p0  }
0xd3: {  	[tilespmem:s30], [sflag:$0x3] =	stream.indirect.gather [hbm4b:s5+s0], $0x80, s7, s0, $0xb8;
	[tilespmem:$0x14880] =	vst v63  }
0xd4: {  	s7 =	sshll.u32 @!p3 s23, $0x5  }
0xd5: {  	p2 =	sne.s32 @!p3 s24, $0x0;
	s7 =	sadd.s32 @!p3 s7, s21  }
0xd6: {  	p4 =	por @!p0 !p2, p1;
	s13 =	sshll.u32 @!p3 s7, $0x4;
	s7 =	sshll.u32 @!p3 s7, $0x7  }
0xd7: {  	p4 =	por p4, p0;
	s13 =	sadd.s32 @!p3 s1, s13;
	s7 =	sadd.s32 @!p3 s16, s7  }
0xd8: {  	s14 =	simm.s32 @!p4 $0x0;
	s17 =	simm.s32 @!p4 $0x1000;
	s7 =	sshrl.u32 @!p3 s7, $0x3  }
0xd9: {  	[tilespmem:s17], [sflag:$0xA] =	stream.linear.gather @!p4 [hbm4b:s13+s14], $0x1000, $0x38;
	[tilespmem:$0x14880] =	vst v63  }
0xda: {  	p1 =	por @!p0 p2, p1;
	s17 =	simm.s32 @!p4 $0x3000;
	s7 =	sadd.s32 @!p3 s6, s7  }
0xdb: {  	[tilespmem:s17], [sflag:$0xA] =	stream.linear.gather @!p4 [hbm4b:s7+s14], $0x1000, $0x38;
	[tilespmem:$0x14880] =	vst v63  }
.Ltmp5:
0xdc: {  	p0 =	por p1, p0;
	(pc) =	sbr.rel .LBB2_6-.Ltmp5, $4  }
0xdd: {  	s20 =	sadd.s32 $0x1, s20;
	s14 =	simm.s32 @!p0 $0x0  }
0xde: {  	[tilespmem:s14], [sflag:$0x9] =	stream.linear.gather @!p0 [hbm4b:s13+s14], $0x1000, $0x38;
	[tilespmem:$0x14880] =	vst v63  }
0xdf: {  	s18 =	sadd.s32 $0x4, s18;
	s19 =	sadd.s32 $0x200, s19;
	s13 =	simm.s32 @!p0 $0x2000  }
0xe0: {  	[tilespmem:s13], [sflag:$0x9] =	stream.linear.gather @!p0 [hbm4b:s7+s14], $0x1000, $0x38;
	[tilespmem:$0x14880] =	vst v63  }
.LBB2_9:
0xe1: {  	_ =	sfence.sel $0x180000  }
0xe2: {  	[bflag:$0x0] =	sbarrier.arrive $0xFFFF  }
0xe3: {  	_ =	strace $0x90000047  }
0xe4: {  	s0 =	stileid.u32;
	[bflag:$0x2] =	sbarrier.arrive $0xFFFF  }
0xe5: {  	p0 =	sne.s32 s0, $0x0;
	s0 =	rddreg [dreg:$0x3]  }
0xe6: {  	s0 =	sadd.s32 @!p0 $0x100000, s0  }
0xe7: {  	[sflag:s0] =	ssyncadd.tile.s32 @!p0 $0x1;
	_ =	shalt  }
.Lfunc_end2:
_tile_overlayer_lowered:
.L_overlay_start_2:
0xe8: {  	(tag) =	ssettag $0x2  }
0xe9: {  	s0 =	rddreg [dreg:$0x0];
	s2 =	stileid.u32  }
0xea: {  	s1 =	rddreg [dreg:$0x1];
	p0 =	sne.s32 s2, $0x0  }
0xeb: {  	s3 =	rddreg [dreg:$0x2];
	[bflag:$0x3] =	sbarrier.arrive $0xFFFF;
	s2 =	simm.s32 @!p0 $0x1C0B  }
0xec: {  	[timem:s3], [sflag:s2] =	dma.local @!p0 [hbm:s0], s1  }
0xed: {  	s0 =	simm.s32 @!p0 $0xB  }
0xee: {  	_ =	swait.ge @!p0 [sflag:s0], s1  }
0xef: {  	s1 =	ssub.s32 @!p0 $0x0, s1;
	[sflag:s0] =	ssyncset.done @!p0 $0x0  }
0xf0: {  	[sflag:s0] =	ssyncadd.s32 @!p0 s1  }
0xf1: {  	[bflag:$0x3] =	sbarrier.arrive $0xFFFF  }
0xf2: {  	_ =	shalt  }

// kernel: kernel.9.cloned.1.call-start
scs
__scs_entry_jumppad:
0x0: {  	(pc) =	sbr.rel $0x88, $3  }
0x1: {  	(tag) =	ssettag $0x0;
	lr =	simm.s32 $0x1  }
0x2: {  	[smem:$0x3F99] =	sst lr;
	_ =	strace $0xD0000000  }
0x3: {  	_ = 	snop  }
0x4: {  	_ = 	snop  }
0x5: {  	_ = 	snop  }
0x6: {  	_ = 	snop  }
0x7: {  	_ = 	snop  }
__scs_overlays_trampoline_lowered:
0x8: {  	[smem:$0x3FA8] =	sst s0  }
0x9: {  	[smem:$0x3FA9] =	sst s1  }
0xa: {  	[smem:$0x3FAA] =	sst s2  }
0xb: {  	[smem:$0x3FAB] =	sst s3  }
0xc: {  	[smem:$0x3FAC] =	sst s4  }
0xd: {  	[smem:$0x3FAD] =	sst s5  }
0xe: {  	[smem:$0x3FAE] =	sst s6  }
0xf: {  	[smem:$0x3FAF] =	sst s7  }
0x10: {  	[smem:$0x3FB0] =	sst s8  }
0x11: {  	[smem:$0x3FB1] =	sst s9;
	s0 =	simm.s32 @!p0 $0x0  }
0x12: {  	s1 =	sld [smem:$0x3F97];
	s0 =	simm.s32 @p0 $0x1  }
0x13: {  	[smem:$0x3FB2] =	sst s0;
	s0 =	simm.s32 @!p1 $0x0  }
0x14: {  	s2 =	sld [smem:$0x3F96];
	s0 =	simm.s32 @p1 $0x1  }
0x15: {  	[smem:$0x3FB3] =	sst s0;
	s0 =	simm.s32 @!p2 $0x0  }
0x16: {  	s3 =	sld [smem:$0x3FDB];
	s0 =	simm.s32 @p2 $0x1  }
0x17: {  	s4 =	simm.s32 $0x1BF5;
	[smem:$0x3FB5] =	sst s0  }
0x18: {  	s0 =	sld [smem:$0x3F98];
	_ =	swait.ge [sflag:s4], $0x0  }
0x19: {  	s7 =	sld [smem:$0x3F99]  }
0x1a: {  	s8 =	sadd.s32 $0xFFFFE003, lr  }
0x1b: {  	s9 =	sadd.s32 $0xFFFFFEF7, lr;
	s5 =	simm.s32 $0xFFFFFFFF;
	p2 =	slt.u32 s8, $0xFFFFF086  }
0x1c: {  	p1 =	slt.u32 s9, $0xF7A;
	s5 =	simm.s32 @!p2 $0x0  }
0x1d: {  	s5 =	simm.s32 @p1 $0x1;
	p0 =	seq.s32 s7, s2  }
0x1e: {  	s7 =	smul.u32 @!p0 $0xF7A, s2;
	p2 =	seq.s32 @!p0 s5, $0x0  }
0x1f: {  	s9 =	smul.u32 $0xF7A, s1;
	s8 =	simm.s32 @!p0 $0x1BF5;
	p2 =	por !p2, p0  }
0x20: {  	[sflag:s8] =	ssyncset.s32 @!p0 $0xFFFFF086;
	s6 =	sadd.s32 @!p0 s3, s7;
	s7 =	simm.s32 @!p0 $0x108  }
0x21: {  	s3 =	sadd.s32 s3, s9;
	s6 =	sadd.s32 @!p0 $0x88, s6;
	s7 =	simm.s32 @p2 $0x1082  }
0x22: {  	[simem:s7], [sflag:s8] =	dma.local @!p0 [hbm:s6], $0xF7A  }
0x23: {  	s9 =	sor.u32 $0xD0000000, s2;
	s6 =	simm.s32 $0x108;
	_ =	swait.ge @!p0 [sflag:s8], $0x0  }
0x24: {  	s3 =	sadd.s32 $0x88, s3;
	s6 =	simm.s32 @!p1 $0x1082;
	[sflag:s4] =	ssyncset.s32 $0xFFFFF086  }
0x25: {  	[simem:s6], [sflag:s4] =	dma.local [hbm:s3], $0xF7A  }
0x26: {  	[smem:$0x3F99] =	sst s1;
	(tag) =	ssettag s2;
	_ =	strace s9  }
0x27: {  	s1 =	sld [smem:$0x3FA9]  }
0x28: {  	s2 =	sld [smem:$0x3FAA]  }
0x29: {  	s4 =	sld [smem:$0x3FAC]  }
0x2a: {  	p0 =	seq.s32 s5, $0x0;
	s5 =	sld [smem:$0x3FAD]  }
0x2b: {  	s6 =	sld [smem:$0x3FAE]  }
0x2c: {  	s7 =	sld [smem:$0x3FAF]  }
0x2d: {  	s3 =	simm.s32 $0x108;
	s8 =	sld [smem:$0x3FB0]  }
0x2e: {  	s3 =	simm.s32 @!p0 $0x1082;
	s9 =	sld [smem:$0x3FB1]  }
0x2f: {  	lr =	sadd.s32 s0, s3;
	s0 =	sld [smem:$0x3FA8]  }
0x30: {  	s3 =	sld [smem:$0x3FAB]  }
0x31: {  	[smem:$0x3FB4] =	sst s10  }
0x32: {  	s10 =	sld [smem:$0x3FB2];
	_ =	sdelay $0x3  }
0x33: {  	p0 =	seq.s32 s10, $0x1;
	s10 =	sld [smem:$0x3FB4];
	_ =	sdelay $0x3  }
0x34: {  	[smem:$0x3FB4] =	sst s10  }
0x35: {  	s10 =	sld [smem:$0x3FB3];
	_ =	sdelay $0x3  }
0x36: {  	p1 =	seq.s32 s10, $0x1;
	s10 =	sld [smem:$0x3FB4];
	_ =	sdelay $0x3  }
0x37: {  	[smem:$0x3FB4] =	sst s10  }
0x38: {  	s10 =	sld [smem:$0x3FB5]  }
0x39: {  	_ = 	snop;
	(pc) =	sbr.ind lr, $3  }
0x3a: {  	_ = 	snop  }
0x3b: {  	_ = 	snop  }
0x3c: {  	p2 =	seq.s32 s10, $0x1;
	s10 =	sld [smem:$0x3FB4]  }
0x3d: {  	_ =	shalt  }
0x3e: {  	_ =	shalt  }
0x3f: {  	_ =	shalt  }
0x40: {  	_ =	shalt  }
0x41: {  	_ =	shalt  }
0x42: {  	_ =	shalt  }
0x43: {  	_ =	shalt  }
0x44: {  	_ =	shalt  }
0x45: {  	_ =	shalt  }
0x46: {  	_ =	shalt  }
0x47: {  	_ =	shalt  }
0x48: {  	_ =	shalt  }
0x49: {  	_ =	shalt  }
0x4a: {  	_ =	shalt  }
0x4b: {  	_ =	shalt  }
0x4c: {  	_ =	shalt  }
0x4d: {  	_ =	shalt  }
0x4e: {  	_ =	shalt  }
0x4f: {  	_ =	shalt  }
0x50: {  	_ =	shalt  }
0x51: {  	_ =	shalt  }
0x52: {  	_ =	shalt  }
0x53: {  	_ =	shalt  }
0x54: {  	_ =	shalt  }
0x55: {  	_ =	shalt  }
0x56: {  	_ =	shalt  }
0x57: {  	_ =	shalt  }
0x58: {  	_ =	shalt  }
0x59: {  	_ =	shalt  }
0x5a: {  	_ =	shalt  }
0x5b: {  	_ =	shalt  }
0x5c: {  	_ =	shalt  }
0x5d: {  	_ =	shalt  }
0x5e: {  	_ =	shalt  }
0x5f: {  	_ =	shalt  }
0x60: {  	_ =	shalt  }
0x61: {  	_ =	shalt  }
0x62: {  	_ =	shalt  }
0x63: {  	_ =	shalt  }
0x64: {  	_ =	shalt  }
0x65: {  	_ =	shalt  }
0x66: {  	_ =	shalt  }
0x67: {  	_ =	shalt  }
0x68: {  	_ =	shalt  }
0x69: {  	_ =	shalt  }
0x6a: {  	_ =	shalt  }
0x6b: {  	_ =	shalt  }
0x6c: {  	_ =	shalt  }
0x6d: {  	_ =	shalt  }
0x6e: {  	_ =	shalt  }
0x6f: {  	_ =	shalt  }
0x70: {  	_ =	shalt  }
0x71: {  	_ =	shalt  }
0x72: {  	_ =	shalt  }
0x73: {  	_ =	shalt  }
0x74: {  	_ =	shalt  }
0x75: {  	_ =	shalt  }
0x76: {  	_ =	shalt  }
0x77: {  	_ =	shalt  }
0x78: {  	_ =	shalt  }
0x79: {  	_ =	shalt  }
0x7a: {  	_ =	shalt  }
0x7b: {  	_ =	shalt  }
0x7c: {  	_ =	shalt  }
0x7d: {  	_ =	shalt  }
0x7e: {  	_ =	shalt  }
0x7f: {  	_ =	shalt  }
0x80: {  	_ =	shalt  }
0x81: {  	_ =	shalt  }
0x82: {  	_ =	shalt  }
0x83: {  	_ =	shalt  }
0x84: {  	_ =	shalt  }
0x85: {  	_ =	shalt  }
0x86: {  	_ =	shalt  }
0x87: {  	_ =	shalt  }
.Lfunc_end0:
.L_simem_size_0:
called_computation.1_lowered:
.L_overlay_start_0:
0x88: {  	s2 =	sld [smem:$0x3FD9]  }
0x89: {  	s3 =	sld [smem:$0x3FFE];
	_ =	sdelay $0x1  }
0x8a: {  	s1 =	srdreg.scid  }
0x8b: {  	s0 =	sand.u32 $0x1, s1  }
0x8c: {  	s17 =	sshll.u32 s0, $0xA;
	s2 =	sadd.s32 s3, s2  }
0x8d: {  	s2 =	sadd.s32 s2, s17  }
0x8e: {  	[smem:$0x3FC0] =	sst s2  }
0x8f: {  	_ = 	snop  }
0x90: {  	s2 =	sld [smem:$0x3FD0];
	(tm) =	ssettm $0x1  }
0x91: {  	s18 =	sld [smem:$0x3FFB];
	_ =	sdelay $0x3  }
0x92: {  	_ =	strace s18  }
0x93: {  	s3 =	sld [smem:$0x3FFC];
	_ =	sdelay $0x3  }
0x94: {  	_ =	strace s3  }
0x95: {  	s3 =	sld [smem:$0x3FFD];
	_ =	sdelay $0x3  }
0x96: {  	_ =	strace s3  }
0x97: {  	_ =	strace $0x8FFFFFFF  }
0x98: {  	s19 =	sld [smem:$0x3FDB];
	_ =	sdelay $0x1  }
0x99: {  	s4 =	simm.s32 $_scs_section_size  }
0x9a: {  	s5 =	simm.s32 $_size__tile_overlayer_lowered;
	s6 =	simm.s32 $_tile_overlayer_lowered  }
0x9b: {  	s22 =	simm.s32 $0x1BFF;
	s21 =	sshll.u32 s6, $0x1;
	s3 =	sadd.s32 s4, s19  }
0x9c: {  	s7 =	simm.s32 $0x0;
	s20 =	sshll.u32 s5, $0x1;
	s5 =	sadd.s32 s21, s3  }
0x9d: {  	[timem:s7], [sflag:s22] =	dma.local [hbm:s5], s20  }
0x9e: {  	_ =	swait.ge [sflag:s22], s20  }
0x9f: {  	s4 =	ssub.s32 $0x0, s20;
	[sflag:s22] =	ssyncset.done $0x0  }
0xa0: {  	[sflag:s22] =	ssyncadd.s32 s4;
	_ =	sdelay $0x1  }
0xa1: {  	s23 =	simm.s32 $0x1B8B  }
0xa2: {  	_ =	swait.ge [sflag:s23], $0x1  }
0xa3: {  	[sflag:s23] =	ssyncset.done $0x0  }
0xa4: {  	s25 =	simm.s32 $0x1B8E;
	s24 =	sld [smem:$0x3FFE];
	[sflag:s23] =	ssyncadd.s32 $0xFFFFFFFF  }
0xa5: {  	s26 =	simm.s32 $execute0_lowered;
	[smem:$0x3FD2] =	sst s25  }
0xa6: {  	s5 =	sshll.u32 s26, $0x1;
	_ =	strace $0x80000049;
	[dreg:$0x1] =	wrdreg $0xFFFFFFFF  }
0xa7: {  	s28 =	simm.s32 $_size_execute0_lowered;
	s3 =	sadd.s32 s3, s5;
	[dreg:$0x0] =	wrdreg $0x0  }
0xa8: {  	s5 =	sshll.u32 s28, $0x1;
	[dreg:$0x2] =	wrdreg s3  }
0xa9: {  	[dreg:$0x3] =	wrdreg s5  }
0xaa: {  	[dreg:$0x4] =	wrdreg $0xC0  }
0xab: {  	_ =	task [dreg:s7], $0x5FFFF  }
0xac: {  	[dreg:$0x1] =	wrdreg $0xFFFFFFFF  }
0xad: {  	[dreg:$0x0] =	wrdreg $0x60  }
0xae: {  	[dreg:$0x2] =	wrdreg s24  }
0xaf: {  	[dreg:$0x3] =	wrdreg s2  }
0xb0: {  	[dreg:$0x4] =	wrdreg $0x90000  }
0xb1: {  	[dreg:$0x5] =	wrdreg $0x9  }
0xb2: {  	_ =	task.clear_ibuf [dreg:s7], $0x6FFFF;
	_ =	strace $0x90000049  }
0xb3: {  	s29 =	simm.s32 $0x9;
	_ =	strace $0x8000004B  }
0xb4: {  	_ =	swait.ge [sflag:s29], $0x1  }
0xb5: {  	[sflag:s29] =	ssyncadd.s32 $0xFFFFFFFF  }
0xb6: {  	_ =	strace $0x9000004B  }
0xb7: {  	_ =	sfence  }
0xb8: {  	s30 =	sld [smem:$0x0];
	_ =	sdelay $0x2  }
0xb9: {  	s31 =	sshll.u32 s1, $0xD;
	s1 =	sshrl.u32 s1, $0x2  }
0xba: {  	s3 =	sand.u32 $0x4000, s31;
	s1 =	sadd.s32 s1, s30  }
0xbb: {  	s0 =	sor.u32 s3, s0;
	s1 =	sshll.u32 s1, $0x11  }
0xbc: {  	s0 =	sor.u32 s1, s0  }
0xbd: {  	s0 =	sadd.s32 $0x8F2B, s0  }
0xbe: {  	[sflag:s0] =	ssyncadd.remote.s32 $0x1  }
0xbf: {  	_ =	sfence.sel $0xFFFF  }
0xc0: {  	[dreg:$0x0] =	wrdreg $0xFFFFFFFF;
	(pc) =	sbr.abs _section_cstart, $3  }
0xc1: {  	[dreg:$0x1] =	wrdreg $0xFFFFFFFF  }
0xc2: {  	_ =	task.clear_ibuf [dreg:s7], $0x2FFFF;
	_ =	strace $0x9FFFFFFF  }
0xc3: {  	(tm) =	ssettm $0x7FFFFFFF  }
tec
execute0_lowered:
.L_overlay_start_1:
0x0: {  	(tag) =	ssettag $0x1  }
0x1: {  	s0 =	rddreg [dreg:$0x0]  }
0x2: {  	s1 =	rddreg [dreg:$0x1]  }
0x3: {  	s2 =	rddreg [dreg:$0x2];
	s3 =	srdreg.scid  }
0x4: {  	s4 =	simm.s32 $0x0;
	s11 =	stileid.u32;
	s30 =	simm.s32 $0x9  }
0x5: {  	s31 =	simm.s32 $0x28;
	s3 =	sand.u32 $0x1, s3;
	s8 =	smul.u32 $0xA400, s11  }
0x6: {  	s29 =	simm.s32 $0x6800;
	[smem:$0x7FF] =	sst s4;
	s7 =	smul.u32 $0xA4000, s3  }
0x7: {  	s9 =	smul.u32 $0x29000, s11;
	s5 =	sadd.s32 $0x43000, s0;
	s26 =	ssub.s32 $0x2, s3  }
0x8: {  	s6 =	sadd.s32 $0x3000, s0;
	s10 =	sshrl.u32 s26, $0x1;
	s7 =	sadd.s32 s8, s7  }
0x9: {  	s9 =	sshrl.u32 s9, $0x2;
	s8 =	ssub.s32 s26, s10;
	s7 =	sshrl.u32 s7, $0x3  }
0xa: {  	s26 =	smax.u32 s8, $0x1;
	s0 =	sadd.s32 s7, s0;
	s7 =	sadd.s32 s9, s2  }
0xb: {  	_ =	strace $0x8000004A;
	[dreg:$0x11] =	wrdreg s26;
	s9 =	sadd.s32 $0x1400, s7  }
0xc: {  	s28 =	simm.s32 $0x2;
	s10 =	sadd.s32 $0x2800, s7;
	[dreg:$0x4] =	wrdreg s9  }
0xd: {  	s18 =	sshll.u32 s11, $0x9;
	s12 =	sadd.s32 $0x3C00, s7;
	[dreg:$0x5] =	wrdreg s10  }
0xe: {  	s19 =	sshll.u32 s11, $0x10;
	s13 =	sadd.s32 $0x5000, s7;
	[dreg:$0x6] =	wrdreg s12  }
0xf: {  	s20 =	sshll.u32 s11, $0xD;
	s14 =	sadd.s32 $0x6400, s7;
	[dreg:$0x7] =	wrdreg s13  }
0x10: {  	s11 =	simm.s32 $0x7;
	s15 =	sadd.s32 $0x7800, s7;
	[dreg:$0x8] =	wrdreg s14  }
0x11: {  	s8 =	simm.s32 $0x4;
	s16 =	sadd.s32 $0x8C00, s7;
	[dreg:$0x9] =	wrdreg s15  }
0x12: {  	s26 =	simm.s32 $0x5400;
	s17 =	sadd.s32 $0xA000, s7;
	[dreg:$0xa] =	wrdreg s16  }
0x13: {  	s0 =	sadd.s32 $0x6B000, s0;
	[dreg:$0xb] =	wrdreg s17;
	s16 =	sshll.u32 s3, $0x14  }
0x14: {  	s3 =	sor.u32 $0x1000, s19;
	s10 =	sadd.s32 s1, s20;
	[dreg:$0x10] =	wrdreg s0  }
0x15: {  	s0 =	simm.s32 $0x7C00;
	s21 =	sor.u32 s19, s16;
	[dreg:$0xc] =	wrdreg s10  }
.Ltmp0:
0x16: {  	s23 =	sor.u32 s16, s3;
	s3 =	sshrl.u32 s3, $0x3;
	(pc) =	sbr.rel .LBB2_1-.Ltmp0, $4  }
0x17: {  	s22 =	sshrl.u32 s21, $0x3;
	s24 =	sshrl.u32 s23, $0x3;
	s3 =	sadd.s32 s1, s3  }
0x18: {  	s21 =	sor.u32 $0x40, s18;
	s10 =	sadd.s32 s6, s22;
	[dreg:$0xe] =	wrdreg s3  }
0x19: {  	s25 =	sadd.s32 s6, s24;
	s24 =	simm.s32 $0x4000;
	[dreg:$0xd] =	wrdreg s10  }
0x1a: {  	v0 =	vimm.f32 $0.0e+00;
	s3 =	simm.s32 $0x1;
	[dreg:$0xf] =	wrdreg s25;
	s25 =	simm.s32 $0xB  }
.LBB2_6:
0x1b: {  	s9 =	simm.s32 $0x5  }
0x1c: {  	_ =	swait.ge [sflag:s9], $0x1400  }
0x1d: {  	[sflag:s9] =	ssyncset.done $0x0  }
0x1e: {  	s19 =	simm.s32 $0x6;
	[sflag:s9] =	ssyncadd.s32 $0xFFFFEC00  }
0x1f: {  	_ =	swait.ge [sflag:s19], $0x1400  }
0x20: {  	[sflag:s19] =	ssyncset.done $0x0  }
0x21: {  	[sflag:s19] =	ssyncadd.s32 $0xFFFFEC00  }
0x22: {  	_ =	swait.ge [sflag:s11], $0x1400  }
0x23: {  	[sflag:s11] =	ssyncset.done $0x0  }
0x24: {  	s20 =	simm.s32 $0x8;
	[sflag:s11] =	ssyncadd.s32 $0xFFFFEC00  }
0x25: {  	_ =	swait.ge [sflag:s20], $0x1400  }
0x26: {  	[sflag:s20] =	ssyncset.done $0x0  }
0x27: {  	s22 =	stileid.u32;
	[sflag:s20] =	ssyncadd.s32 $0xFFFFEC00  }
0x28: {  	s9 =	sshll.u32 s22, $0x6;
	[bflag:$0x0] =	sbarrier.arrive $0xFFFF  }
0x29: {  	s10 =	sshrl.u32 s7, $0x3;
	s9 =	sor.u32 $0x1C0B, s9;
	s12 =	rddreg [dreg:$0x10]  }
0x2a: {  	[hbm:s12], [sflag:s9] =	dma.local [spmem:s10], $0x1480  }
0x2b: {  	_ =	swait.ge [sflag:s25], $0x1480  }
0x2c: {  	s4 =	sadd.s32 $0x1, s4;
	s23 =	rddreg [dreg:$0x11]  }
0x2d: {  	p0 =	sne.s32 s4, s23  }
.Ltmp1:
0x2e: {  	_ = 	snop;
	(pc) =	sbr.rel @!p0 .LBB2_7-.Ltmp1, $3  }
0x2f: {  	_ =	sdelay $0x1  }
0x30: {  	[sflag:s25] =	ssyncset.done $0x0  }
0x31: {  	[sflag:s25] =	ssyncadd.s32 $0xFFFFEB80  }
.LBB2_1:
0x32: {  	s13 =	simm.s32 $0x0;
	s14 =	simm.s32 $0x200  }
.LBB2_2:
0x33: {  	p0 =	sne.s32 s14, $0x4E00;
	[tilespmem:s13+$0x4070] =	vst v0  }
0x34: {  	[tilespmem:s13+$0x4000] =	vst v0  }
0x35: {  	[tilespmem:s13+$0x4010] =	vst v0  }
.Ltmp2:
0x36: {  	[tilespmem:s13+$0x4020] =	vst v0;
	(pc) =	sbr.rel @p0 .LBB2_2-.Ltmp2, $4  }
0x37: {  	[tilespmem:s13+$0x4030] =	vst v0  }
0x38: {  	[tilespmem:s13+$0x4040] =	vst v0  }
0x39: {  	[tilespmem:s13+$0x4050] =	vst v0  }
0x3a: {  	[tilespmem:s13+$0x4060] =	vst v0;
	s13 =	sshra.s32 s14, $0x2;
	s14 =	sadd.s32 $0x200, s14  }
0x3b: {  	[tilespmem:s13+$0x4070] =	vst v0  }
0x3c: {  	[tilespmem:s13+$0x4000] =	vst v0  }
0x3d: {  	[tilespmem:s13+$0x4010] =	vst v0  }
0x3e: {  	[tilespmem:s13+$0x4020] =	vst v0  }
0x3f: {  	[tilespmem:s13+$0x4030] =	vst v0  }
0x40: {  	[tilespmem:s13+$0x4040] =	vst v0  }
0x41: {  	[tilespmem:s13+$0x4050] =	vst v0  }
0x42: {  	[tilespmem:s13+$0x4060] =	vst v0  }
0x43: {  	[spmem:s7] =	stream.linear.scatter [tilespmem:s24], [sflag:$0xB], $0x1400, $0x38;
	[tilespmem:$0x13400] =	vst v63  }
0x44: {  	_ =	swait.ge [sflag:s25], $0x1400  }
0x45: {  	[sflag:s25] =	ssyncset.done $0x0  }
0x46: {  	s9 =	rddreg [dreg:$0x4];
	[sflag:s25] =	ssyncadd.s32 $0xFFFFEC00  }
0x47: {  	[spmem:s9] =	stream.linear.scatter [tilespmem:s24], [sflag:$0xB], $0x1400, $0x38;
	[tilespmem:$0x13400] =	vst v63  }
0x48: {  	_ =	swait.ge [sflag:s25], $0x1400  }
0x49: {  	[sflag:s25] =	ssyncset.done $0x0  }
0x4a: {  	s19 =	rddreg [dreg:$0x5];
	[sflag:s25] =	ssyncadd.s32 $0xFFFFEC00  }
0x4b: {  	[spmem:s19] =	stream.linear.scatter [tilespmem:s24], [sflag:$0xB], $0x1400, $0x38;
	[tilespmem:$0x13400] =	vst v63  }
0x4c: {  	_ =	swait.ge [sflag:s25], $0x1400  }
0x4d: {  	[sflag:s25] =	ssyncset.done $0x0  }
0x4e: {  	s20 =	rddreg [dreg:$0x6];
	[sflag:s25] =	ssyncadd.s32 $0xFFFFEC00  }
0x4f: {  	[spmem:s20] =	stream.linear.scatter [tilespmem:s24], [sflag:$0xB], $0x1400, $0x38;
	[tilespmem:$0x13400] =	vst v63  }
0x50: {  	_ =	swait.ge [sflag:s25], $0x1400  }
0x51: {  	[sflag:s25] =	ssyncset.done $0x0  }
0x52: {  	s22 =	rddreg [dreg:$0x7];
	[sflag:s25] =	ssyncadd.s32 $0xFFFFEC00  }
0x53: {  	[spmem:s22] =	stream.linear.scatter [tilespmem:s24], [sflag:$0xB], $0x1400, $0x38;
	[tilespmem:$0x13400] =	vst v63  }
0x54: {  	_ =	swait.ge [sflag:s25], $0x1400  }
0x55: {  	[sflag:s25] =	ssyncset.done $0x0  }
0x56: {  	s23 =	rddreg [dreg:$0x8];
	[sflag:s25] =	ssyncadd.s32 $0xFFFFEC00  }
0x57: {  	[spmem:s23] =	stream.linear.scatter [tilespmem:s24], [sflag:$0xB], $0x1400, $0x38;
	[tilespmem:$0x13400] =	vst v63  }
0x58: {  	_ =	swait.ge [sflag:s25], $0x1400  }
0x59: {  	[sflag:s25] =	ssyncset.done $0x0  }
0x5a: {  	s10 =	rddreg [dreg:$0x9];
	[sflag:s25] =	ssyncadd.s32 $0xFFFFEC00  }
0x5b: {  	[spmem:s10] =	stream.linear.scatter [tilespmem:s24], [sflag:$0xB], $0x1400, $0x38;
	[tilespmem:$0x13400] =	vst v63  }
0x5c: {  	_ =	swait.ge [sflag:s25], $0x1400  }
0x5d: {  	[sflag:s25] =	ssyncset.done $0x0  }
0x5e: {  	s12 =	rddreg [dreg:$0xa];
	[sflag:s25] =	ssyncadd.s32 $0xFFFFEC00  }
0x5f: {  	[spmem:s12] =	stream.linear.scatter [tilespmem:s24], [sflag:$0xB], $0x1400, $0x38;
	[tilespmem:$0x13400] =	vst v63  }
0x60: {  	_ =	swait.ge [sflag:s25], $0x1400  }
0x61: {  	[sflag:s25] =	ssyncset.done $0x0  }
0x62: {  	s13 =	rddreg [dreg:$0xb];
	[sflag:s25] =	ssyncadd.s32 $0xFFFFEC00  }
0x63: {  	[spmem:s13] =	stream.linear.scatter [tilespmem:s24], [sflag:$0xB], $0x400, $0x38;
	[tilespmem:$0x13400] =	vst v63  }
0x64: {  	_ =	swait.ge [sflag:s25], $0x400  }
0x65: {  	[sflag:s25] =	ssyncset.done $0x0  }
0x66: {  	s13 =	simm.s32 $0x0;
	s14 =	rddreg [dreg:$0xc];
	[sflag:s25] =	ssyncadd.s32 $0xFFFFFC00  }
0x67: {  	[tilespmem:s13], [sflag:$0x9] =	stream.linear.gather [hbm4b:s14+s13], $0x1000, $0x38;
	[tilespmem:$0x13400] =	vst v63  }
0x68: {  	s10 =	simm.s32 $0x2000;
	s15 =	rddreg [dreg:$0xd]  }
0x69: {  	[tilespmem:s10], [sflag:$0x9] =	stream.linear.gather [hbm4b:s15+s13], $0x1000, $0x38;
	[tilespmem:$0x13400] =	vst v63  }
0x6a: {  	s18 =	simm.s32 $0x1000;
	s17 =	rddreg [dreg:$0xe]  }
0x6b: {  	[tilespmem:s18], [sflag:$0xA] =	stream.linear.gather [hbm4b:s17+s13], $0x1000, $0x38;
	[tilespmem:$0x13400] =	vst v63  }
0x6c: {  	s20 =	simm.s32 $0x3000;
	s19 =	rddreg [dreg:$0xf]  }
0x6d: {  	[tilespmem:s20], [sflag:$0xA] =	stream.linear.gather [hbm4b:s19+s13], $0x1000, $0x38;
	[tilespmem:$0x13400] =	vst v63  }
0x6e: {  	_ =	swait.ge [sflag:s30], $0x1000  }
0x6f: {  	[sflag:s30] =	ssyncset.done $0x0  }
0x70: {  	[sflag:s30] =	ssyncadd.s32 $0xFFFFF000  }
0x71: {  	_ =	swait.ge [sflag:s30], $0x1000  }
0x72: {  	[sflag:s30] =	ssyncset.done $0x0  }
0x73: {  	[sflag:s30] =	ssyncadd.s32 $0xFFFFF000  }
0x74: {  	[bflag:$0x0] =	sbarrier.arrive $0xFFFF  }
0x75: {  	[tilespmem:s24], [sflag:$0x1] =	stream.indirect.gather [hbm4b:s5+s31], $0x80, s13, s31, $0xb8;
	[tilespmem:$0x13400] =	vst v63  }
0x76: {  	s22 =	simm.s32 $0x80  }
0x77: {  	[tilespmem:s26], [sflag:$0x2] =	stream.indirect.gather [hbm4b:s5+s31], $0x80, s22, s31, $0xb8;
	[tilespmem:$0x13400] =	vst v63  }
0x78: {  	s23 =	simm.s32 $0x100;
	s14 =	simm.s32 $0x300;
	s15 =	simm.s32 $0x0  }
0x79: {  	[tilespmem:s29], [sflag:$0x3] =	stream.indirect.gather [hbm4b:s5+s31], $0x80, s23, s31, $0xb8;
	[tilespmem:$0x13400] =	vst v63  }
.LBB2_4:
0x7a: {  	s17 =	sand.u32 $0x1C, s13;
	p0 =	sgt.u32 s15, $0x77  }
0x7b: {  	p1 =	sne.s32 @!p0 s17, $0x1C  }
0x7c: {  	p2 =	por p1, p0  }
0x7d: {  	s18 =	sand.u32 @!p2 $0x8, s15  }
0x7e: {  	p3 =	seq.s32 @!p2 s18, $0x0  }
0x7f: {  	p1 =	por @!p0 !p3, p1  }
0x80: {  	s19 =	simm.s32 @!p2 $0xA;
	p0 =	por !p1, p0  }
0x81: {  	s19 =	simm.s32 @!p0 $0x9  }
0x82: {  	_ =	swait.ge @!p2 [sflag:s19], $0x1000  }
0x83: {  	[sflag:s19] =	ssyncset.done @!p2 $0x0  }
0x84: {  	[sflag:s19] =	ssyncadd.s32 @!p2 $0xFFFFF000  }
0x85: {  	_ =	swait.ge @!p2 [sflag:s19], $0x1000  }
0x86: {  	s18 =	sshrl.u32 s15, $0x3;
	[sflag:s19] =	ssyncset.done @!p2 $0x0  }
0x87: {  	[sflag:s19] =	ssyncadd.s32 @!p2 $0xFFFFF000;
	s19 =	sand.u32 $0x1, s18  }
0x88: {  	s22 =	sshll.u32 s17, $0x7;
	_ =	swait.ge [sflag:s3], $0x1400;
	s20 =	sshll.u32 s19, $0xC  }
0x89: {  	[sflag:s3] =	ssyncset.done $0x0;
	s20 =	sor.u32 s22, s20  }
0x8a: {  	p0 =	seq.s32 s14, $0x300;
	[sflag:s3] =	ssyncadd.s32 $0xFFFFEC00;
	s20 =	sor.u32 $0x2000, s20  }
0x8b: {  	[spmem:s2] =	stream.indirect.scatter.add.f32 [tilespmem:s24], [sflag:$0x5], $0x80, s20, s31, $0xb8;
	[tilespmem:$0x13400] =	vst v63  }
0x8c: {  	s10 =	sadd.s32 $0xFFFFFD00, s14;
	s20 =	simm.s32 @!p0 $0x8  }
0x8d: {  	s23 =	sand.u32 $0xE00, s10;
	_ =	swait.ge @!p0 [sflag:s20], $0x1400  }
0x8e: {  	s9 =	sor.u32 $0x180, s23;
	s22 =	sand.u32 $0x1000, s10;
	[sflag:s20] =	ssyncset.done @!p0 $0x0  }
0x8f: {  	s12 =	sor.u32 s9, s22;
	[sflag:s20] =	ssyncadd.s32 @!p0 $0xFFFFEC00  }
0x90: {  	[tilespmem:s0], [sflag:$0x4] =	stream.indirect.gather [hbm4b:s5+s31], $0x80, s12, s31, $0xb8;
	[tilespmem:$0x13400] =	vst v63  }
0x91: {  	s20 =	sor.u32 $0x2000, s22;
	_ =	swait.ge [sflag:s28], $0x1400  }
0x92: {  	s22 =	sor.u32 s23, s20;
	[sflag:s28] =	ssyncset.done $0x0  }
0x93: {  	p0 =	seq.s32 s14, $0x10100;
	s23 =	sor.u32 $0x80, s22;
	[sflag:s28] =	ssyncadd.s32 $0xFFFFEC00  }
0x94: {  	[spmem:s2] =	stream.indirect.scatter.add.f32 [tilespmem:s26], [sflag:$0x6], $0x80, s23, s31, $0xb8;
	[tilespmem:$0x13400] =	vst v63  }
0x95: {  	s23 =	simm.s32 @p0 $0x3  }
0x96: {  	_ =	swait.ge @p0 [sflag:s23], $0x1400  }
0x97: {  	s10 =	simm.s32 @p0 $0x28;
	[sflag:s23] =	ssyncset.done @p0 $0x0  }
0x98: {  	s12 =	simm.s32 @p0 $0x6800;
	[sflag:s23] =	ssyncadd.s32 @p0 $0xFFFFEC00;
	s23 =	sadd.s32 @p0 $0x100, s22  }
0x99: {  	[spmem:s2] =	stream.indirect.scatter.add.f32 @p0 [tilespmem:s12], [sflag:$0x7], $0x80, s23, s10, $0xb8;
	[tilespmem:$0x13400] =	vst v63  }
0x9a: {  	s10 =	simm.s32 @!p0 $0x5  }
0x9b: {  	_ =	swait.ge @!p0 [sflag:s10], $0x1400  }
0x9c: {  	[sflag:s10] =	ssyncset.done @!p0 $0x0  }
0x9d: {  	[sflag:s10] =	ssyncadd.s32 @!p0 $0xFFFFEC00;
	s10 =	sadd.s32 @!p0 $0xFFFFFF00, s14  }
0x9e: {  	s12 =	simm.s32 @!p0 $0x28;
	s23 =	simm.s32 @!p0 $0x4000;
	s10 =	sand.u32 @!p0 $0x1E00, s10  }
0x9f: {  	[tilespmem:s23], [sflag:$0x1] =	stream.indirect.gather @!p0 [hbm4b:s5+s12], $0x80, s10, s12, $0xb8;
	[tilespmem:$0x13400] =	vst v63  }
0xa0: {  	s10 =	simm.s32 @!p0 $0x3  }
0xa1: {  	_ =	swait.ge @!p0 [sflag:s10], $0x1400  }
0xa2: {  	[sflag:s10] =	ssyncset.done @!p0 $0x0  }
0xa3: {  	[sflag:s10] =	ssyncadd.s32 @!p0 $0xFFFFEC00;
	s10 =	sadd.s32 @!p0 $0x100, s22;
	s22 =	simm.s32 @!p0 $0x6800  }
0xa4: {  	[spmem:s2] =	stream.indirect.scatter.add.f32 @!p0 [tilespmem:s22], [sflag:$0x7], $0x80, s10, s12, $0xb8;
	[tilespmem:$0x13400] =	vst v63  }
0xa5: {  	s10 =	simm.s32 @!p0 $0x6  }
0xa6: {  	_ =	swait.ge @!p0 [sflag:s10], $0x1400  }
0xa7: {  	s22 =	sadd.s32 @!p0 $0xFFFFFF80, s14;
	[sflag:s10] =	ssyncset.done @!p0 $0x0  }
0xa8: {  	[sflag:s10] =	ssyncadd.s32 @!p0 $0xFFFFEC00;
	s10 =	sand.u32 @!p0 $0x1E80, s22;
	s22 =	simm.s32 @!p0 $0x5400  }
0xa9: {  	[tilespmem:s22], [sflag:$0x2] =	stream.indirect.gather @!p0 [hbm4b:s5+s12], $0x80, s10, s12, $0xb8;
	[tilespmem:$0x13400] =	vst v63  }
.Ltmp3:
0xaa: {  	_ = 	snop;
	(pc) =	sbr.rel @p0 .LBB2_6-.Ltmp3, $4  }
0xab: {  	_ =	swait.ge [sflag:s8], $0x1400  }
0xac: {  	[sflag:s8] =	ssyncset.done $0x0  }
0xad: {  	s9 =	sadd.s32 s9, s20;
	[sflag:s8] =	ssyncadd.s32 $0xFFFFEC00  }
0xae: {  	[spmem:s2] =	stream.indirect.scatter.add.f32 [tilespmem:s0], [sflag:$0x8], $0x80, s9, s31, $0xb8;
	[tilespmem:$0x13400] =	vst v63  }
0xaf: {  	_ =	swait.ge [sflag:s11], $0x1400;
	p0 =	sgt.u32 s15, $0x6F  }
0xb0: {  	[sflag:s11] =	ssyncset.done $0x0;
	p1 =	sne.s32 @!p0 s17, $0x1C  }
0xb1: {  	s9 =	sand.u32 $0x1F00, s14;
	[sflag:s11] =	ssyncadd.s32 $0xFFFFEC00;
	p3 =	por p1, p0  }
0xb2: {  	[tilespmem:s29], [sflag:$0x3] =	stream.indirect.gather [hbm4b:s5+s31], $0x80, s9, s31, $0xb8;
	[tilespmem:$0x13400] =	vst v63  }
0xb3: {  	s9 =	sshll.u32 @!p3 s18, $0x5  }
0xb4: {  	p2 =	sne.s32 @!p3 s19, $0x0;
	s9 =	sadd.s32 @!p3 s9, s21  }
0xb5: {  	p4 =	por @!p0 !p2, p1;
	s10 =	sshll.u32 @!p3 s9, $0x4;
	s9 =	sshll.u32 @!p3 s9, $0x7  }
0xb6: {  	p4 =	por p4, p0;
	s10 =	sadd.s32 @!p3 s1, s10;
	s9 =	sadd.s32 @!p3 s16, s9  }
0xb7: {  	s12 =	simm.s32 @!p4 $0x0;
	s17 =	simm.s32 @!p4 $0x1000;
	s9 =	sshrl.u32 @!p3 s9, $0x3  }
0xb8: {  	[tilespmem:s17], [sflag:$0xA] =	stream.linear.gather @!p4 [hbm4b:s10+s12], $0x1000, $0x38;
	[tilespmem:$0x13400] =	vst v63  }
0xb9: {  	p1 =	por @!p0 p2, p1;
	s17 =	simm.s32 @!p4 $0x3000;
	s9 =	sadd.s32 @!p3 s6, s9  }
0xba: {  	[tilespmem:s17], [sflag:$0xA] =	stream.linear.gather @!p4 [hbm4b:s9+s12], $0x1000, $0x38;
	[tilespmem:$0x13400] =	vst v63  }
.Ltmp4:
0xbb: {  	p0 =	por p1, p0;
	(pc) =	sbr.rel .LBB2_4-.Ltmp4, $4  }
0xbc: {  	s15 =	sadd.s32 $0x1, s15;
	s12 =	simm.s32 @!p0 $0x0  }
0xbd: {  	[tilespmem:s12], [sflag:$0x9] =	stream.linear.gather @!p0 [hbm4b:s10+s12], $0x1000, $0x38;
	[tilespmem:$0x13400] =	vst v63  }
0xbe: {  	s13 =	sadd.s32 $0x4, s13;
	s14 =	sadd.s32 $0x200, s14;
	s10 =	simm.s32 @!p0 $0x2000  }
0xbf: {  	[tilespmem:s10], [sflag:$0x9] =	stream.linear.gather @!p0 [hbm4b:s9+s12], $0x1000, $0x38;
	[tilespmem:$0x13400] =	vst v63  }
.LBB2_7:
0xc0: {  	_ =	sfence.sel $0x180000  }
0xc1: {  	[bflag:$0x0] =	sbarrier.arrive $0xFFFF  }
0xc2: {  	_ =	strace $0x9000004A  }
0xc3: {  	s0 =	stileid.u32;
	[bflag:$0x2] =	sbarrier.arrive $0xFFFF  }
0xc4: {  	p0 =	sne.s32 s0, $0x0;
	s0 =	rddreg [dreg:$0x3]  }
0xc5: {  	s0 =	sadd.s32 @!p0 $0x100000, s0  }
0xc6: {  	[sflag:s0] =	ssyncadd.tile.s32 @!p0 $0x1;
	_ =	shalt  }
.Lfunc_end2:
_tile_overlayer_lowered:
.L_overlay_start_2:
0xc7: {  	(tag) =	ssettag $0x2  }
0xc8: {  	s0 =	rddreg [dreg:$0x0];
	s2 =	stileid.u32  }
0xc9: {  	s1 =	rddreg [dreg:$0x1];
	p0 =	sne.s32 s2, $0x0  }
0xca: {  	s3 =	rddreg [dreg:$0x2];
	[bflag:$0x3] =	sbarrier.arrive $0xFFFF;
	s2 =	simm.s32 @!p0 $0x1C0B  }
0xcb: {  	[timem:s3], [sflag:s2] =	dma.local @!p0 [hbm:s0], s1  }
0xcc: {  	s0 =	simm.s32 @!p0 $0xB  }
0xcd: {  	_ =	swait.ge @!p0 [sflag:s0], s1  }
0xce: {  	s1 =	ssub.s32 @!p0 $0x0, s1;
	[sflag:s0] =	ssyncset.done @!p0 $0x0  }
0xcf: {  	[sflag:s0] =	ssyncadd.s32 @!p0 s1  }
0xd0: {  	[bflag:$0x3] =	sbarrier.arrive $0xFFFF  }
0xd1: {  	_ =	shalt  }

</sc_bundles>
